<compile_context>
chip_gen: v7x
topology: tpu7x:2x2x1
jax: 0.10.2.dev20260603
libtpu: 0.0.44.dev20260713+nightly
codegen_flags: <defaults>
</compile_context>

<pallas_src>
import functools

import jax
import jax.numpy as jnp
from jax import lax
from jax.experimental import pallas as pl
from jax.experimental.pallas import tpu as pltpu
from jax.experimental.pallas import tpu_sc as plsc

NUM_ITEMS = 100000
EMBED_DIM = 128
BATCH = 4096
HIST_LEN = 50

NC, NS, LANES = 2, 16, 16
NW = NC * NS
SPW = BATCH // NW
SGRP = 4
GIDX = SGRP * HIST_LEN
NG = SPW // SGRP
SPLIT = 104
NCH = EMBED_DIM // LANES

TROWS = NUM_ITEMS + 1
TBASE = 3200
TCH = 128
T31BASE = (NW - 1) * TBASE
TCH31 = 32
TK = 25

_MESH = plsc.VectorSubcoreMesh(
    core_axis_name="c", subcore_axis_name="s", num_cores=NC, num_subcores=NS
)


@functools.partial(
    pl.kernel,
    out_type=(
        jax.ShapeDtypeStruct((BATCH, EMBED_DIM), jnp.float32),
        jax.ShapeDtypeStruct((TROWS, EMBED_DIM), jnp.float32),
    ),
    mesh=_MESH,
    scratch_types=[
        pltpu.VMEM((SPW * HIST_LEN,), jnp.int32),
        pltpu.VMEM((GIDX, EMBED_DIM), jnp.float32),
        pltpu.VMEM((GIDX, EMBED_DIM), jnp.float32),
        pltpu.VMEM((SPW, EMBED_DIM), jnp.float32),
        pltpu.VMEM_SHARED((NS * 2 * TCH, EMBED_DIM), jnp.float32),
        pltpu.SemaphoreType.DMA,
        pltpu.SemaphoreType.DMA,
        pltpu.SemaphoreType.DMA,
        pltpu.SemaphoreType.DMA,
        pltpu.SemaphoreType.DMA,
        pltpu.SemaphoreType.DMA,
    ],
)
def _session_mean_sc(
    idx_hbm, table_hbm, out_hbm, tbl_out_hbm,
    idx_v, rows0, rows1, out_v, tshared,
    sem0, sem1, si0, si1, so0, so1,
):
    wid = lax.axis_index("s") * NC + lax.axis_index("c")
    sub = lax.axis_index("s")
    base = pl.multiple_of(wid * (SPW * HIST_LEN), 8)
    pltpu.sync_copy(idx_hbm.at[pl.ds(base, SPW * HIST_LEN)], idx_v)

    def t_in(k, b, sem):
        boff = pl.multiple_of(sub * (2 * TCH) + b * TCH, 8)

        @pl.when(wid < NW - 1)
        def _():
            s = pl.multiple_of(wid * TBASE + k * TCH, 8)
            pltpu.async_copy(
                table_hbm.at[pl.ds(s, TCH)], tshared.at[pl.ds(boff, TCH)], sem
            )

        @pl.when(wid == NW - 1)
        def _():
            s = pl.multiple_of(T31BASE + k * TCH31, 8)
            pltpu.async_copy(
                table_hbm.at[pl.ds(s, TCH31)], tshared.at[pl.ds(boff, TCH31)], sem
            )

    def t_in_wait(k, b, sem):
        boff = pl.multiple_of(sub * (2 * TCH) + b * TCH, 8)

        @pl.when(wid < NW - 1)
        def _():
            s = pl.multiple_of(wid * TBASE + k * TCH, 8)
            pltpu.make_async_copy(
                table_hbm.at[pl.ds(s, TCH)], tshared.at[pl.ds(boff, TCH)], sem
            ).wait()

        @pl.when(wid == NW - 1)
        def _():
            s = pl.multiple_of(T31BASE + k * TCH31, 8)
            pltpu.make_async_copy(
                table_hbm.at[pl.ds(s, TCH31)], tshared.at[pl.ds(boff, TCH31)], sem
            ).wait()

    def t_out(k, b, sem):
        boff = pl.multiple_of(sub * (2 * TCH) + b * TCH, 8)

        @pl.when(wid < NW - 1)
        def _():
            s = pl.multiple_of(wid * TBASE + k * TCH, 8)
            pltpu.async_copy(
                tshared.at[pl.ds(boff, TCH)], tbl_out_hbm.at[pl.ds(s, TCH)], sem
            )

        @pl.when(wid == NW - 1)
        def _():
            s = pl.multiple_of(T31BASE + k * TCH31, 8)
            pltpu.async_copy(
                tshared.at[pl.ds(boff, TCH31)], tbl_out_hbm.at[pl.ds(s, TCH31)], sem
            )

    def t_out_wait(k, b, sem):
        boff = pl.multiple_of(sub * (2 * TCH) + b * TCH, 8)

        @pl.when(wid < NW - 1)
        def _():
            s = pl.multiple_of(wid * TBASE + k * TCH, 8)
            pltpu.make_async_copy(
                tshared.at[pl.ds(boff, TCH)], tbl_out_hbm.at[pl.ds(s, TCH)], sem
            ).wait()

        @pl.when(wid == NW - 1)
        def _():
            s = pl.multiple_of(T31BASE + k * TCH31, 8)
            pltpu.make_async_copy(
                tshared.at[pl.ds(boff, TCH31)], tbl_out_hbm.at[pl.ds(s, TCH31)], sem
            ).wait()

    GCUTS = (0, 56, 104, 160, GIDX)

    def issue(g, buf, sem):
        off = pl.multiple_of(g * GIDX, 8)
        for a, b in zip(GCUTS[:-1], GCUTS[1:]):
            pltpu.async_copy(
                table_hbm.at[idx_v.at[pl.ds(off + a, b - a)]],
                buf.at[pl.ds(a, b - a)],
                sem,
            )

    def wait(g, buf, sem):
        off = pl.multiple_of(g * GIDX, 8)
        for a, b in zip(GCUTS[:-1], GCUTS[1:]):
            pltpu.make_async_copy(
                table_hbm.at[idx_v.at[pl.ds(off + a, b - a)]],
                buf.at[pl.ds(a, b - a)],
                sem,
            ).wait()

    inv_l = jnp.float32(1.0 / HIST_LEN)

    def accumulate(g, buf):
        def jbody(j, accs):
            return tuple(
                accs[s * NCH + c] + buf[s * HIST_LEN + j, pl.ds(c * LANES, LANES)]
                for s in range(SGRP)
                for c in range(NCH)
            )

        accs = lax.fori_loop(
            0, HIST_LEN, jbody,
            tuple(jnp.zeros((LANES,), jnp.float32) for _ in range(SGRP * NCH)),
        )
        for s in range(SGRP):
            orow = g * SGRP + s
            for c in range(NCH):
                out_v[orow, pl.ds(c * LANES, LANES)] = accs[s * NCH + c] * inv_l

    issue(0, rows0, sem0)

    def body(i, carry):
        g0 = i * 2
        k0 = i * 2
        k1 = i * 2 + 1

        @pl.when(jnp.logical_and(k0 >= 2, k0 - 2 < TK))
        def _():
            t_out_wait(k0 - 2, 0, so0)

        @pl.when(jnp.logical_and(k1 >= 2, k1 - 2 < TK))
        def _():
            t_out_wait(k1 - 2, 1, so1)

        @pl.when(k0 < TK)
        def _():
            t_in(k0, 0, si0)

        @pl.when(k1 < TK)
        def _():
            t_in(k1, 1, si1)

        wait(g0, rows0, sem0)
        issue(g0 + 1, rows1, sem1)
        accumulate(g0, rows0)
        wait(g0 + 1, rows1, sem1)

        @pl.when(i < NG // 2 - 1)
        def _():
            issue(g0 + 2, rows0, sem0)

        accumulate(g0 + 1, rows1)

        @pl.when(k0 < TK)
        def _():
            t_in_wait(k0, 0, si0)
            t_out(k0, 0, so0)

        @pl.when(k1 < TK)
        def _():
            t_in_wait(k1, 1, si1)
            t_out(k1, 1, so1)

        return carry

    lax.fori_loop(0, NG // 2, body, 0)

    @pl.when(wid == NW - 1)
    def _():
        boff = pl.multiple_of(sub * (2 * TCH), 8)
        s = pl.multiple_of(NUM_ITEMS, 8)
        pltpu.sync_copy(table_hbm.at[pl.ds(s, 1)], tshared.at[pl.ds(boff, 1)])
        pltpu.sync_copy(tshared.at[pl.ds(boff, 1)], tbl_out_hbm.at[pl.ds(s, 1)])

    obase = pl.multiple_of(wid * SPW, 8)
    pltpu.sync_copy(out_v, out_hbm.at[pl.ds(obase, SPW)])


def kernel(sess2items, pos_items, neg_items, item_embeddings):
    idx_flat = sess2items.astype(jnp.int32).reshape(-1)
    session_embedding, table_out = _session_mean_sc(idx_flat, item_embeddings)
    return (session_embedding, table_out)

# --- scband reference (transcript-rebuilt; emitter-appended) ---
"""Pipeline reference for scband-cassandra-16389595201919 (READ-ONLY COPY).

The authoritative reference and input builder live on the scoring server;
editing this copy changes nothing except your own understanding.
"""

import jax, jax.numpy as jnp
import numpy as np

NUM_ITEMS = 100000
EMBED_DIM = 128
PAD_IDX = NUM_ITEMS  # padding_idx = dataset._ITEMS_NUM
BATCH = 4096
HIST_LEN = 50


def setup_inputs(seed: int = 0) -> dict:
    key = jax.random.key(seed)
    k1, k2, k3, k4 = jax.random.split(key, 4)
    # session-to-items index matrix (values in [0, NUM_ITEMS), pad row NUM_ITEMS reserved)
    sess2items = jax.random.randint(k1, (BATCH, HIST_LEN), 0, NUM_ITEMS, dtype=jnp.int64)
    pos_items = jax.random.randint(k2, (BATCH,), 0, NUM_ITEMS, dtype=jnp.int64)
    neg_items = jax.random.randint(k3, (BATCH,), 0, NUM_ITEMS, dtype=jnp.int64)
    # item embedding table: nn.Embedding(NUM_ITEMS + 1, EMBED_DIM), init normal std=1e-4
    item_embeddings = jax.random.normal(k4, (NUM_ITEMS + 1, EMBED_DIM), dtype=jnp.float32) * 1e-4
    return {
        "sess2items": sess2items,
        "pos_items": pos_items,
        "neg_items": neg_items,
        "item_embeddings": item_embeddings,
    }


def reference(sess2items, pos_items, neg_items, item_embeddings):
    # batch = (sess2items, _, _); pos_items / neg_items unused in forward
    # sess2items_tensor = self.item_embeddings(sess2items)
    sess2items_tensor = jnp.take(item_embeddings, sess2items, axis=0)  # [B, L, D]
    # session_embedding_module == MeanAggregatorSessionEmbedding: mean over sequence dim
    session_embedding = jnp.mean(sess2items_tensor, axis=1)  # [B, D]
    # forward returns (session_embedding, item_embeddings module)
    return (session_embedding, item_embeddings)

if __name__ == "__main__":
    import jax
    _d = setup_inputs()
    print(jax.jit(kernel)(*tuple(_d.values())))

</pallas_src>

<mosaic_0001>
#map = affine_map<(d0, d1) -> (0)>
#map1 = affine_map<(d0, d1) -> (0, 0)>
module attributes {stable_mosaic.version = 14 : i64} {
  func.func @_session_mean_sc(%arg0: i32, %arg1: i32, %arg2: memref<204800xi32, #tpu.memory_space<hbm>>, %arg3: memref<100001x128xf32, #tpu.memory_space<hbm>>, %arg4: memref<4096x128xf32, #tpu.memory_space<hbm>>, %arg5: memref<100001x128xf32, #tpu.memory_space<hbm>>, %arg6: memref<6400xi32, #tpu.memory_space<vmem>>, %arg7: memref<200x128xf32, #tpu.memory_space<vmem>>, %arg8: memref<200x128xf32, #tpu.memory_space<vmem>>, %arg9: memref<128x128xf32, #tpu.memory_space<vmem>>, %arg10: memref<4096x128xf32, #tpu.memory_space<vmem_shared>>, %arg11: memref<!tpu.dma_semaphore, #tpu.memory_space<semaphore_mem>>, %arg12: memref<!tpu.dma_semaphore, #tpu.memory_space<semaphore_mem>>, %arg13: memref<!tpu.dma_semaphore, #tpu.memory_space<semaphore_mem>>, %arg14: memref<!tpu.dma_semaphore, #tpu.memory_space<semaphore_mem>>, %arg15: memref<!tpu.dma_semaphore, #tpu.memory_space<semaphore_mem>>, %arg16: memref<!tpu.dma_semaphore, #tpu.memory_space<semaphore_mem>>) attributes {dimension_semantics = [#tpu.dimension_semantics<core_parallel>, #tpu.dimension_semantics<subcore_parallel>], iteration_bounds = array<i64: 2, 16>, scalar_prefetch = 0 : i64, scratch_operands = 11 : i64, tpu.core_type = #tpu.core_type<sc_vector_subcore>, window_params = [{transform_indices = #map}, {transform_indices = #map1}, {transform_indices = #map1}, {transform_indices = #map1}]} {
    %mul3A = arith.constant 2 : i32
    %mul3A_0 = arith.muli %arg1, %mul3A : i32
    %add3A = arith.addi %mul3A_0, %arg0 : i32
    %mul3A_1 = arith.constant 6400 : i32
    %mul3A_2 = arith.muli %add3A, %mul3A_1 : i32
    %multiple_of3A = tpu.assume_multiple %mul3A_2, 8 : i32
    "tpu.region"() ({
      %run_scoped3A = tpu.sem_alloc : memref<!tpu.dma_semaphore, #tpu.memory_space<semaphore_mem>>
      %dma_start3A_51 = tpu.memref_slice %arg2[%multiple_of3A] : memref<204800xi32, #tpu.memory_space<hbm>> -> memref<6400xi32, #tpu.memory_space<hbm>>
      %dma_start3A_52 = tpu.memref_slice %arg2[%multiple_of3A] : memref<204800xi32, #tpu.memory_space<hbm>> -> memref<6400xi32, #tpu.memory_space<hbm>>
      tpu.enqueue_dma source(%dma_start3A_52 : memref<6400xi32, #tpu.memory_space<hbm>>) target(%arg6 : memref<6400xi32, #tpu.memory_space<vmem>>) target_semaphore(%run_scoped3A : memref<!tpu.dma_semaphore, #tpu.memory_space<semaphore_mem>>)
      %dma_wait3A = tpu.memref_slice %arg2[%multiple_of3A] : memref<204800xi32, #tpu.memory_space<hbm>> -> memref<6400xi32, #tpu.memory_space<hbm>>
      %dma_wait3A_53 = tpu.memref_slice %arg2[%multiple_of3A] : memref<204800xi32, #tpu.memory_space<hbm>> -> memref<6400xi32, #tpu.memory_space<hbm>>
      tpu.wait_dma2 semaphore(%run_scoped3A : memref<!tpu.dma_semaphore, #tpu.memory_space<semaphore_mem>>) src(%dma_wait3A_53 : memref<6400xi32, #tpu.memory_space<hbm>>) dst(%arg6 : memref<6400xi32, #tpu.memory_space<vmem>>)
      tpu.yield
    }) : () -> ()
    %multiple_of3A_3 = arith.constant 0 : i32
    %multiple_of3A_4 = tpu.assume_multiple %multiple_of3A_3, 8 : i32
    %add3A_5 = arith.constant 0 : i32
    %add3A_6 = arith.addi %multiple_of3A_4, %add3A_5 : i32
    %dma_start3A = arith.constant 0 : i32
    %dma_start3A_7 = arith.constant 0 : i32
    %dma_start3A_8 = tpu.memref_slice %arg7[%dma_start3A, %dma_start3A_7] : memref<200x128xf32, #tpu.memory_space<vmem>> -> memref<56x128xf32, #tpu.memory_space<vmem>>
    %dma_start3A_9 = tpu.memref_slice %arg6[%add3A_6] : memref<6400xi32, #tpu.memory_space<vmem>> -> memref<56xi32, #tpu.memory_space<vmem>>
    %dma_start3A_10 = arith.constant 0 : i32
    %dma_start3A_11 = arith.constant 0 : i32
    %dma_start3A_12 = tpu.memref_slice %arg3[%dma_start3A_10, %dma_start3A_11] : memref<100001x128xf32, #tpu.memory_space<hbm>> -> memref<100001x128xf32, #tpu.memory_space<hbm>>
    tpu.enqueue_indirect_dma source(%dma_start3A_12 : memref<100001x128xf32, #tpu.memory_space<hbm>>) target(%dma_start3A_8 : memref<56x128xf32, #tpu.memory_space<vmem>>) offsets(%dma_start3A_9 : memref<56xi32, #tpu.memory_space<vmem>>) semaphore(%arg11 : memref<!tpu.dma_semaphore, #tpu.memory_space<semaphore_mem>>)
    %add3A_13 = arith.constant 56 : i32
    %add3A_14 = arith.addi %multiple_of3A_4, %add3A_13 : i32
    %dma_start3A_15 = arith.constant 56 : i32
    %dma_start3A_16 = arith.constant 0 : i32
    %dma_start3A_17 = tpu.memref_slice %arg7[%dma_start3A_15, %dma_start3A_16] : memref<200x128xf32, #tpu.memory_space<vmem>> -> memref<48x128xf32, #tpu.memory_space<vmem>>
    %dma_start3A_18 = tpu.memref_slice %arg6[%add3A_14] : memref<6400xi32, #tpu.memory_space<vmem>> -> memref<48xi32, #tpu.memory_space<vmem>>
    %dma_start3A_19 = arith.constant 0 : i32
    %dma_start3A_20 = arith.constant 0 : i32
    %dma_start3A_21 = tpu.memref_slice %arg3[%dma_start3A_19, %dma_start3A_20] : memref<100001x128xf32, #tpu.memory_space<hbm>> -> memref<100001x128xf32, #tpu.memory_space<hbm>>
    tpu.enqueue_indirect_dma source(%dma_start3A_21 : memref<100001x128xf32, #tpu.memory_space<hbm>>) target(%dma_start3A_17 : memref<48x128xf32, #tpu.memory_space<vmem>>) offsets(%dma_start3A_18 : memref<48xi32, #tpu.memory_space<vmem>>) semaphore(%arg11 : memref<!tpu.dma_semaphore, #tpu.memory_space<semaphore_mem>>)
    %add3A_22 = arith.constant 104 : i32
    %add3A_23 = arith.addi %multiple_of3A_4, %add3A_22 : i32
    %dma_start3A_24 = arith.constant 104 : i32
    %dma_start3A_25 = arith.constant 0 : i32
    %dma_start3A_26 = tpu.memref_slice %arg7[%dma_start3A_24, %dma_start3A_25] : memref<200x128xf32, #tpu.memory_space<vmem>> -> memref<56x128xf32, #tpu.memory_space<vmem>>
    %dma_start3A_27 = tpu.memref_slice %arg6[%add3A_23] : memref<6400xi32, #tpu.memory_space<vmem>> -> memref<56xi32, #tpu.memory_space<vmem>>
    %dma_start3A_28 = arith.constant 0 : i32
    %dma_start3A_29 = arith.constant 0 : i32
    %dma_start3A_30 = tpu.memref_slice %arg3[%dma_start3A_28, %dma_start3A_29] : memref<100001x128xf32, #tpu.memory_space<hbm>> -> memref<100001x128xf32, #tpu.memory_space<hbm>>
    tpu.enqueue_indirect_dma source(%dma_start3A_30 : memref<100001x128xf32, #tpu.memory_space<hbm>>) target(%dma_start3A_26 : memref<56x128xf32, #tpu.memory_space<vmem>>) offsets(%dma_start3A_27 : memref<56xi32, #tpu.memory_space<vmem>>) semaphore(%arg11 : memref<!tpu.dma_semaphore, #tpu.memory_space<semaphore_mem>>)
    %add3A_31 = arith.constant 160 : i32
    %add3A_32 = arith.addi %multiple_of3A_4, %add3A_31 : i32
    %dma_start3A_33 = arith.constant 160 : i32
    %dma_start3A_34 = arith.constant 0 : i32
    %dma_start3A_35 = tpu.memref_slice %arg7[%dma_start3A_33, %dma_start3A_34] : memref<200x128xf32, #tpu.memory_space<vmem>> -> memref<40x128xf32, #tpu.memory_space<vmem>>
    %dma_start3A_36 = tpu.memref_slice %arg6[%add3A_32] : memref<6400xi32, #tpu.memory_space<vmem>> -> memref<40xi32, #tpu.memory_space<vmem>>
    %dma_start3A_37 = arith.constant 0 : i32
    %dma_start3A_38 = arith.constant 0 : i32
    %dma_start3A_39 = tpu.memref_slice %arg3[%dma_start3A_37, %dma_start3A_38] : memref<100001x128xf32, #tpu.memory_space<hbm>> -> memref<100001x128xf32, #tpu.memory_space<hbm>>
    tpu.enqueue_indirect_dma source(%dma_start3A_39 : memref<100001x128xf32, #tpu.memory_space<hbm>>) target(%dma_start3A_35 : memref<40x128xf32, #tpu.memory_space<vmem>>) offsets(%dma_start3A_36 : memref<40xi32, #tpu.memory_space<vmem>>) semaphore(%arg11 : memref<!tpu.dma_semaphore, #tpu.memory_space<semaphore_mem>>)
    %scan3A = arith.constant 0 : i32
    %scan3A_40 = arith.constant 2.000000e-02 : f32
    %scan3A_41 = arith.constant 0 : i32
    %scan3A_42 = arith.constant 16 : i32
    %scan3A_43 = arith.addi %scan3A_41, %scan3A_42 : i32
    %scan3A_44 = arith.constant 1 : i32
    scf.for %scan3A_51 = %scan3A_41 to %scan3A_43 step %scan3A_44  : i32 {
      %mul3A_52 = arith.constant 2 : i32
      %mul3A_53 = arith.muli %scan3A_51, %mul3A_52 : i32
      %mul3A_54 = arith.constant 2 : i32
      %mul3A_55 = arith.muli %scan3A_51, %mul3A_54 : i32
      %mul3A_56 = arith.constant 2 : i32
      %mul3A_57 = arith.muli %scan3A_51, %mul3A_56 : i32
      %add3A_58 = arith.constant 1 : i32
      %add3A_59 = arith.addi %mul3A_57, %add3A_58 : i32
      %ge3A = arith.constant 2 : i32
      %ge3A_60 = arith.cmpi sge, %mul3A_55, %ge3A : i32
      %sub3A = arith.constant 2 : i32
      %sub3A_61 = arith.subi %mul3A_55, %sub3A : i32
      %lt3A = arith.constant 25 : i32
      %lt3A_62 = arith.cmpi slt, %sub3A_61, %lt3A : i32
      %and3A = arith.andi %ge3A_60, %lt3A_62 : i1
      %convert_element_type3A_63 = arith.extui %and3A : i1 to i32
      %cond3A_64 = arith.constant 0 : i32
      %cond3A_65 = arith.cmpi ne, %convert_element_type3A_63, %cond3A_64 : i32
      scf.if %cond3A_65 {
        %sub3A_841 = arith.constant 2 : i32
        %sub3A_842 = arith.subi %mul3A_55, %sub3A_841 : i32
        %mul3A_843 = arith.constant 256 : i32
        %mul3A_844 = arith.muli %arg1, %mul3A_843 : i32
        %add3A_845 = arith.constant 0 : i32
        %add3A_846 = arith.addi %mul3A_844, %add3A_845 : i32
        %multiple_of3A_847 = tpu.assume_multiple %add3A_846, 8 : i32
        %lt3A_848 = arith.constant 31 : i32
        %lt3A_849 = arith.cmpi slt, %add3A, %lt3A_848 : i32
        %convert_element_type3A_850 = arith.extui %lt3A_849 : i1 to i32
        %cond3A_851 = arith.constant 0 : i32
        %cond3A_852 = arith.cmpi ne, %convert_element_type3A_850, %cond3A_851 : i32
        scf.if %cond3A_852 {
          %mul3A_858 = arith.constant 3200 : i32
          %mul3A_859 = arith.muli %add3A, %mul3A_858 : i32
          %mul3A_860 = arith.constant 128 : i32
          %mul3A_861 = arith.muli %sub3A_842, %mul3A_860 : i32
          %add3A_862 = arith.addi %mul3A_859, %mul3A_861 : i32
          %multiple_of3A_863 = tpu.assume_multiple %add3A_862, 8 : i32
          %dma_wait3A_864 = arith.constant 0 : i32
          %dma_wait3A_865 = tpu.memref_slice %arg5[%multiple_of3A_863, %dma_wait3A_864] : memref<100001x128xf32, #tpu.memory_space<hbm>> -> memref<128x128xf32, #tpu.memory_space<hbm>>
          %dma_wait3A_866 = arith.constant 0 : i32
          %dma_wait3A_867 = tpu.memref_slice %arg10[%multiple_of3A_847, %dma_wait3A_866] : memref<4096x128xf32, #tpu.memory_space<vmem_shared>> -> memref<128x128xf32, #tpu.memory_space<vmem_shared>>
          tpu.wait_dma2 semaphore(%arg15 : memref<!tpu.dma_semaphore, #tpu.memory_space<semaphore_mem>>) src(%dma_wait3A_867 : memref<128x128xf32, #tpu.memory_space<vmem_shared>>) dst(%dma_wait3A_865 : memref<128x128xf32, #tpu.memory_space<hbm>>)
        } else {
        }
        %eq3A_853 = arith.constant 31 : i32
        %eq3A_854 = arith.cmpi eq, %add3A, %eq3A_853 : i32
        %convert_element_type3A_855 = arith.extui %eq3A_854 : i1 to i32
        %cond3A_856 = arith.constant 0 : i32
        %cond3A_857 = arith.cmpi ne, %convert_element_type3A_855, %cond3A_856 : i32
        scf.if %cond3A_857 {
          %mul3A_858 = arith.constant 32 : i32
          %mul3A_859 = arith.muli %sub3A_842, %mul3A_858 : i32
          %add3A_860 = arith.constant 99200 : i32
          %add3A_861 = arith.addi %add3A_860, %mul3A_859 : i32
          %multiple_of3A_862 = tpu.assume_multiple %add3A_861, 8 : i32
          %dma_wait3A_863 = arith.constant 0 : i32
          %dma_wait3A_864 = tpu.memref_slice %arg5[%multiple_of3A_862, %dma_wait3A_863] : memref<100001x128xf32, #tpu.memory_space<hbm>> -> memref<32x128xf32, #tpu.memory_space<hbm>>
          %dma_wait3A_865 = arith.constant 0 : i32
          %dma_wait3A_866 = tpu.memref_slice %arg10[%multiple_of3A_847, %dma_wait3A_865] : memref<4096x128xf32, #tpu.memory_space<vmem_shared>> -> memref<32x128xf32, #tpu.memory_space<vmem_shared>>
          tpu.wait_dma2 semaphore(%arg15 : memref<!tpu.dma_semaphore, #tpu.memory_space<semaphore_mem>>) src(%dma_wait3A_866 : memref<32x128xf32, #tpu.memory_space<vmem_shared>>) dst(%dma_wait3A_864 : memref<32x128xf32, #tpu.memory_space<hbm>>)
        } else {
        }
      } else {
      }
      %ge3A_66 = arith.constant 2 : i32
      %ge3A_67 = arith.cmpi sge, %add3A_59, %ge3A_66 : i32
      %sub3A_68 = arith.constant 2 : i32
      %sub3A_69 = arith.subi %add3A_59, %sub3A_68 : i32
      %lt3A_70 = arith.constant 25 : i32
      %lt3A_71 = arith.cmpi slt, %sub3A_69, %lt3A_70 : i32
      %and3A_72 = arith.andi %ge3A_67, %lt3A_71 : i1
      %convert_element_type3A_73 = arith.extui %and3A_72 : i1 to i32
      %cond3A_74 = arith.constant 0 : i32
      %cond3A_75 = arith.cmpi ne, %convert_element_type3A_73, %cond3A_74 : i32
      scf.if %cond3A_75 {
        %sub3A_841 = arith.constant 2 : i32
        %sub3A_842 = arith.subi %add3A_59, %sub3A_841 : i32
        %mul3A_843 = arith.constant 256 : i32
        %mul3A_844 = arith.muli %arg1, %mul3A_843 : i32
        %add3A_845 = arith.constant 128 : i32
        %add3A_846 = arith.addi %mul3A_844, %add3A_845 : i32
        %multiple_of3A_847 = tpu.assume_multiple %add3A_846, 8 : i32
        %lt3A_848 = arith.constant 31 : i32
        %lt3A_849 = arith.cmpi slt, %add3A, %lt3A_848 : i32
        %convert_element_type3A_850 = arith.extui %lt3A_849 : i1 to i32
        %cond3A_851 = arith.constant 0 : i32
        %cond3A_852 = arith.cmpi ne, %convert_element_type3A_850, %cond3A_851 : i32
        scf.if %cond3A_852 {
          %mul3A_858 = arith.constant 3200 : i32
          %mul3A_859 = arith.muli %add3A, %mul3A_858 : i32
          %mul3A_860 = arith.constant 128 : i32
          %mul3A_861 = arith.muli %sub3A_842, %mul3A_860 : i32
          %add3A_862 = arith.addi %mul3A_859, %mul3A_861 : i32
          %multiple_of3A_863 = tpu.assume_multiple %add3A_862, 8 : i32
          %dma_wait3A_864 = arith.constant 0 : i32
          %dma_wait3A_865 = tpu.memref_slice %arg5[%multiple_of3A_863, %dma_wait3A_864] : memref<100001x128xf32, #tpu.memory_space<hbm>> -> memref<128x128xf32, #tpu.memory_space<hbm>>
          %dma_wait3A_866 = arith.constant 0 : i32
          %dma_wait3A_867 = tpu.memref_slice %arg10[%multiple_of3A_847, %dma_wait3A_866] : memref<4096x128xf32, #tpu.memory_space<vmem_shared>> -> memref<128x128xf32, #tpu.memory_space<vmem_shared>>
          tpu.wait_dma2 semaphore(%arg16 : memref<!tpu.dma_semaphore, #tpu.memory_space<semaphore_mem>>) src(%dma_wait3A_867 : memref<128x128xf32, #tpu.memory_space<vmem_shared>>) dst(%dma_wait3A_865 : memref<128x128xf32, #tpu.memory_space<hbm>>)
        } else {
        }
        %eq3A_853 = arith.constant 31 : i32
        %eq3A_854 = arith.cmpi eq, %add3A, %eq3A_853 : i32
        %convert_element_type3A_855 = arith.extui %eq3A_854 : i1 to i32
        %cond3A_856 = arith.constant 0 : i32
        %cond3A_857 = arith.cmpi ne, %convert_element_type3A_855, %cond3A_856 : i32
        scf.if %cond3A_857 {
          %mul3A_858 = arith.constant 32 : i32
          %mul3A_859 = arith.muli %sub3A_842, %mul3A_858 : i32
          %add3A_860 = arith.constant 99200 : i32
          %add3A_861 = arith.addi %add3A_860, %mul3A_859 : i32
          %multiple_of3A_862 = tpu.assume_multiple %add3A_861, 8 : i32
          %dma_wait3A_863 = arith.constant 0 : i32
          %dma_wait3A_864 = tpu.memref_slice %arg5[%multiple_of3A_862, %dma_wait3A_863] : memref<100001x128xf32, #tpu.memory_space<hbm>> -> memref<32x128xf32, #tpu.memory_space<hbm>>
          %dma_wait3A_865 = arith.constant 0 : i32
          %dma_wait3A_866 = tpu.memref_slice %arg10[%multiple_of3A_847, %dma_wait3A_865] : memref<4096x128xf32, #tpu.memory_space<vmem_shared>> -> memref<32x128xf32, #tpu.memory_space<vmem_shared>>
          tpu.wait_dma2 semaphore(%arg16 : memref<!tpu.dma_semaphore, #tpu.memory_space<semaphore_mem>>) src(%dma_wait3A_866 : memref<32x128xf32, #tpu.memory_space<vmem_shared>>) dst(%dma_wait3A_864 : memref<32x128xf32, #tpu.memory_space<hbm>>)
        } else {
        }
      } else {
      }
      %lt3A_76 = arith.constant 25 : i32
      %lt3A_77 = arith.cmpi slt, %mul3A_55, %lt3A_76 : i32
      %convert_element_type3A_78 = arith.extui %lt3A_77 : i1 to i32
      %cond3A_79 = arith.constant 0 : i32
      %cond3A_80 = arith.cmpi ne, %convert_element_type3A_78, %cond3A_79 : i32
      scf.if %cond3A_80 {
        %mul3A_841 = arith.constant 256 : i32
        %mul3A_842 = arith.muli %arg1, %mul3A_841 : i32
        %add3A_843 = arith.constant 0 : i32
        %add3A_844 = arith.addi %mul3A_842, %add3A_843 : i32
        %multiple_of3A_845 = tpu.assume_multiple %add3A_844, 8 : i32
        %lt3A_846 = arith.constant 31 : i32
        %lt3A_847 = arith.cmpi slt, %add3A, %lt3A_846 : i32
        %convert_element_type3A_848 = arith.extui %lt3A_847 : i1 to i32
        %cond3A_849 = arith.constant 0 : i32
        %cond3A_850 = arith.cmpi ne, %convert_element_type3A_848, %cond3A_849 : i32
        scf.if %cond3A_850 {
          %mul3A_856 = arith.constant 3200 : i32
          %mul3A_857 = arith.muli %add3A, %mul3A_856 : i32
          %mul3A_858 = arith.constant 128 : i32
          %mul3A_859 = arith.muli %mul3A_55, %mul3A_858 : i32
          %add3A_860 = arith.addi %mul3A_857, %mul3A_859 : i32
          %multiple_of3A_861 = tpu.assume_multiple %add3A_860, 8 : i32
          %dma_start3A_862 = arith.constant 0 : i32
          %dma_start3A_863 = tpu.memref_slice %arg10[%multiple_of3A_845, %dma_start3A_862] : memref<4096x128xf32, #tpu.memory_space<vmem_shared>> -> memref<128x128xf32, #tpu.memory_space<vmem_shared>>
          %dma_start3A_864 = arith.constant 0 : i32
          %dma_start3A_865 = tpu.memref_slice %arg3[%multiple_of3A_861, %dma_start3A_864] : memref<100001x128xf32, #tpu.memory_space<hbm>> -> memref<128x128xf32, #tpu.memory_space<hbm>>
          tpu.enqueue_dma source(%dma_start3A_865 : memref<128x128xf32, #tpu.memory_space<hbm>>) target(%dma_start3A_863 : memref<128x128xf32, #tpu.memory_space<vmem_shared>>) target_semaphore(%arg13 : memref<!tpu.dma_semaphore, #tpu.memory_space<semaphore_mem>>)
        } else {
        }
        %eq3A_851 = arith.constant 31 : i32
        %eq3A_852 = arith.cmpi eq, %add3A, %eq3A_851 : i32
        %convert_element_type3A_853 = arith.extui %eq3A_852 : i1 to i32
        %cond3A_854 = arith.constant 0 : i32
        %cond3A_855 = arith.cmpi ne, %convert_element_type3A_853, %cond3A_854 : i32
        scf.if %cond3A_855 {
          %mul3A_856 = arith.constant 32 : i32
          %mul3A_857 = arith.muli %mul3A_55, %mul3A_856 : i32
          %add3A_858 = arith.constant 99200 : i32
          %add3A_859 = arith.addi %add3A_858, %mul3A_857 : i32
          %multiple_of3A_860 = tpu.assume_multiple %add3A_859, 8 : i32
          %dma_start3A_861 = arith.constant 0 : i32
          %dma_start3A_862 = tpu.memref_slice %arg10[%multiple_of3A_845, %dma_start3A_861] : memref<4096x128xf32, #tpu.memory_space<vmem_shared>> -> memref<32x128xf32, #tpu.memory_space<vmem_shared>>
          %dma_start3A_863 = arith.constant 0 : i32
          %dma_start3A_864 = tpu.memref_slice %arg3[%multiple_of3A_860, %dma_start3A_863] : memref<100001x128xf32, #tpu.memory_space<hbm>> -> memref<32x128xf32, #tpu.memory_space<hbm>>
          tpu.enqueue_dma source(%dma_start3A_864 : memref<32x128xf32, #tpu.memory_space<hbm>>) target(%dma_start3A_862 : memref<32x128xf32, #tpu.memory_space<vmem_shared>>) target_semaphore(%arg13 : memref<!tpu.dma_semaphore, #tpu.memory_space<semaphore_mem>>)
        } else {
        }
      } else {
      }
      %lt3A_81 = arith.constant 25 : i32
      %lt3A_82 = arith.cmpi slt, %add3A_59, %lt3A_81 : i32
      %convert_element_type3A_83 = arith.extui %lt3A_82 : i1 to i32
      %cond3A_84 = arith.constant 0 : i32
      %cond3A_85 = arith.cmpi ne, %convert_element_type3A_83, %cond3A_84 : i32
      scf.if %cond3A_85 {
        %mul3A_841 = arith.constant 256 : i32
        %mul3A_842 = arith.muli %arg1, %mul3A_841 : i32
        %add3A_843 = arith.constant 128 : i32
        %add3A_844 = arith.addi %mul3A_842, %add3A_843 : i32
        %multiple_of3A_845 = tpu.assume_multiple %add3A_844, 8 : i32
        %lt3A_846 = arith.constant 31 : i32
        %lt3A_847 = arith.cmpi slt, %add3A, %lt3A_846 : i32
        %convert_element_type3A_848 = arith.extui %lt3A_847 : i1 to i32
        %cond3A_849 = arith.constant 0 : i32
        %cond3A_850 = arith.cmpi ne, %convert_element_type3A_848, %cond3A_849 : i32
        scf.if %cond3A_850 {
          %mul3A_856 = arith.constant 3200 : i32
          %mul3A_857 = arith.muli %add3A, %mul3A_856 : i32
          %mul3A_858 = arith.constant 128 : i32
          %mul3A_859 = arith.muli %add3A_59, %mul3A_858 : i32
          %add3A_860 = arith.addi %mul3A_857, %mul3A_859 : i32
          %multiple_of3A_861 = tpu.assume_multiple %add3A_860, 8 : i32
          %dma_start3A_862 = arith.constant 0 : i32
          %dma_start3A_863 = tpu.memref_slice %arg10[%multiple_of3A_845, %dma_start3A_862] : memref<4096x128xf32, #tpu.memory_space<vmem_shared>> -> memref<128x128xf32, #tpu.memory_space<vmem_shared>>
          %dma_start3A_864 = arith.constant 0 : i32
          %dma_start3A_865 = tpu.memref_slice %arg3[%multiple_of3A_861, %dma_start3A_864] : memref<100001x128xf32, #tpu.memory_space<hbm>> -> memref<128x128xf32, #tpu.memory_space<hbm>>
          tpu.enqueue_dma source(%dma_start3A_865 : memref<128x128xf32, #tpu.memory_space<hbm>>) target(%dma_start3A_863 : memref<128x128xf32, #tpu.memory_space<vmem_shared>>) target_semaphore(%arg14 : memref<!tpu.dma_semaphore, #tpu.memory_space<semaphore_mem>>)
        } else {
        }
        %eq3A_851 = arith.constant 31 : i32
        %eq3A_852 = arith.cmpi eq, %add3A, %eq3A_851 : i32
        %convert_element_type3A_853 = arith.extui %eq3A_852 : i1 to i32
        %cond3A_854 = arith.constant 0 : i32
        %cond3A_855 = arith.cmpi ne, %convert_element_type3A_853, %cond3A_854 : i32
        scf.if %cond3A_855 {
          %mul3A_856 = arith.constant 32 : i32
          %mul3A_857 = arith.muli %add3A_59, %mul3A_856 : i32
          %add3A_858 = arith.constant 99200 : i32
          %add3A_859 = arith.addi %add3A_858, %mul3A_857 : i32
          %multiple_of3A_860 = tpu.assume_multiple %add3A_859, 8 : i32
          %dma_start3A_861 = arith.constant 0 : i32
          %dma_start3A_862 = tpu.memref_slice %arg10[%multiple_of3A_845, %dma_start3A_861] : memref<4096x128xf32, #tpu.memory_space<vmem_shared>> -> memref<32x128xf32, #tpu.memory_space<vmem_shared>>
          %dma_start3A_863 = arith.constant 0 : i32
          %dma_start3A_864 = tpu.memref_slice %arg3[%multiple_of3A_860, %dma_start3A_863] : memref<100001x128xf32, #tpu.memory_space<hbm>> -> memref<32x128xf32, #tpu.memory_space<hbm>>
          tpu.enqueue_dma source(%dma_start3A_864 : memref<32x128xf32, #tpu.memory_space<hbm>>) target(%dma_start3A_862 : memref<32x128xf32, #tpu.memory_space<vmem_shared>>) target_semaphore(%arg14 : memref<!tpu.dma_semaphore, #tpu.memory_space<semaphore_mem>>)
        } else {
        }
      } else {
      }
      %mul3A_86 = arith.constant 200 : i32
      %mul3A_87 = arith.muli %mul3A_53, %mul3A_86 : i32
      %multiple_of3A_88 = tpu.assume_multiple %mul3A_87, 8 : i32
      %add3A_89 = arith.constant 0 : i32
      %add3A_90 = arith.addi %multiple_of3A_88, %add3A_89 : i32
      %dma_wait3A = arith.constant 0 : i32
      %dma_wait3A_91 = arith.constant 0 : i32
      %dma_wait3A_92 = tpu.memref_slice %arg7[%dma_wait3A, %dma_wait3A_91] : memref<200x128xf32, #tpu.memory_space<vmem>> -> memref<56x128xf32, #tpu.memory_space<vmem>>
      %dma_wait3A_93 = tpu.memref_slice %arg6[%add3A_90] : memref<6400xi32, #tpu.memory_space<vmem>> -> memref<56xi32, #tpu.memory_space<vmem>>
      %dma_wait3A_94 = arith.constant 0 : i32
      %dma_wait3A_95 = arith.constant 0 : i32
      %dma_wait3A_96 = tpu.memref_slice %arg3[%dma_wait3A_94, %dma_wait3A_95] : memref<100001x128xf32, #tpu.memory_space<hbm>> -> memref<100001x128xf32, #tpu.memory_space<hbm>>
      tpu.wait_indirect_dma semaphore(%arg11 : memref<!tpu.dma_semaphore, #tpu.memory_space<semaphore_mem>>) src(%dma_wait3A_96 : memref<100001x128xf32, #tpu.memory_space<hbm>>) dst(%dma_wait3A_92 : memref<56x128xf32, #tpu.memory_space<vmem>>)
      %add3A_97 = arith.constant 56 : i32
      %add3A_98 = arith.addi %multiple_of3A_88, %add3A_97 : i32
      %dma_wait3A_99 = arith.constant 56 : i32
      %dma_wait3A_100 = arith.constant 0 : i32
      %dma_wait3A_101 = tpu.memref_slice %arg7[%dma_wait3A_99, %dma_wait3A_100] : memref<200x128xf32, #tpu.memory_space<vmem>> -> memref<48x128xf32, #tpu.memory_space<vmem>>
      %dma_wait3A_102 = tpu.memref_slice %arg6[%add3A_98] : memref<6400xi32, #tpu.memory_space<vmem>> -> memref<48xi32, #tpu.memory_space<vmem>>
      %dma_wait3A_103 = arith.constant 0 : i32
      %dma_wait3A_104 = arith.constant 0 : i32
      %dma_wait3A_105 = tpu.memref_slice %arg3[%dma_wait3A_103, %dma_wait3A_104] : memref<100001x128xf32, #tpu.memory_space<hbm>> -> memref<100001x128xf32, #tpu.memory_space<hbm>>
      tpu.wait_indirect_dma semaphore(%arg11 : memref<!tpu.dma_semaphore, #tpu.memory_space<semaphore_mem>>) src(%dma_wait3A_105 : memref<100001x128xf32, #tpu.memory_space<hbm>>) dst(%dma_wait3A_101 : memref<48x128xf32, #tpu.memory_space<vmem>>)
      %add3A_106 = arith.constant 104 : i32
      %add3A_107 = arith.addi %multiple_of3A_88, %add3A_106 : i32
      %dma_wait3A_108 = arith.constant 104 : i32
      %dma_wait3A_109 = arith.constant 0 : i32
      %dma_wait3A_110 = tpu.memref_slice %arg7[%dma_wait3A_108, %dma_wait3A_109] : memref<200x128xf32, #tpu.memory_space<vmem>> -> memref<56x128xf32, #tpu.memory_space<vmem>>
      %dma_wait3A_111 = tpu.memref_slice %arg6[%add3A_107] : memref<6400xi32, #tpu.memory_space<vmem>> -> memref<56xi32, #tpu.memory_space<vmem>>
      %dma_wait3A_112 = arith.constant 0 : i32
      %dma_wait3A_113 = arith.constant 0 : i32
      %dma_wait3A_114 = tpu.memref_slice %arg3[%dma_wait3A_112, %dma_wait3A_113] : memref<100001x128xf32, #tpu.memory_space<hbm>> -> memref<100001x128xf32, #tpu.memory_space<hbm>>
      tpu.wait_indirect_dma semaphore(%arg11 : memref<!tpu.dma_semaphore, #tpu.memory_space<semaphore_mem>>) src(%dma_wait3A_114 : memref<100001x128xf32, #tpu.memory_space<hbm>>) dst(%dma_wait3A_110 : memref<56x128xf32, #tpu.memory_space<vmem>>)
      %add3A_115 = arith.constant 160 : i32
      %add3A_116 = arith.addi %multiple_of3A_88, %add3A_115 : i32
      %dma_wait3A_117 = arith.constant 160 : i32
      %dma_wait3A_118 = arith.constant 0 : i32
      %dma_wait3A_119 = tpu.memref_slice %arg7[%dma_wait3A_117, %dma_wait3A_118] : memref<200x128xf32, #tpu.memory_space<vmem>> -> memref<40x128xf32, #tpu.memory_space<vmem>>
      %dma_wait3A_120 = tpu.memref_slice %arg6[%add3A_116] : memref<6400xi32, #tpu.memory_space<vmem>> -> memref<40xi32, #tpu.memory_space<vmem>>
      %dma_wait3A_121 = arith.constant 0 : i32
      %dma_wait3A_122 = arith.constant 0 : i32
      %dma_wait3A_123 = tpu.memref_slice %arg3[%dma_wait3A_121, %dma_wait3A_122] : memref<100001x128xf32, #tpu.memory_space<hbm>> -> memref<100001x128xf32, #tpu.memory_space<hbm>>
      tpu.wait_indirect_dma semaphore(%arg11 : memref<!tpu.dma_semaphore, #tpu.memory_space<semaphore_mem>>) src(%dma_wait3A_123 : memref<100001x128xf32, #tpu.memory_space<hbm>>) dst(%dma_wait3A_119 : memref<40x128xf32, #tpu.memory_space<vmem>>)
      %add3A_124 = arith.constant 1 : i32
      %add3A_125 = arith.addi %mul3A_53, %add3A_124 : i32
      %mul3A_126 = arith.constant 200 : i32
      %mul3A_127 = arith.muli %add3A_125, %mul3A_126 : i32
      %multiple_of3A_128 = tpu.assume_multiple %mul3A_127, 8 : i32
      %add3A_129 = arith.constant 0 : i32
      %add3A_130 = arith.addi %multiple_of3A_128, %add3A_129 : i32
      %dma_start3A_131 = arith.constant 0 : i32
      %dma_start3A_132 = arith.constant 0 : i32
      %dma_start3A_133 = tpu.memref_slice %arg8[%dma_start3A_131, %dma_start3A_132] : memref<200x128xf32, #tpu.memory_space<vmem>> -> memref<56x128xf32, #tpu.memory_space<vmem>>
      %dma_start3A_134 = tpu.memref_slice %arg6[%add3A_130] : memref<6400xi32, #tpu.memory_space<vmem>> -> memref<56xi32, #tpu.memory_space<vmem>>
      %dma_start3A_135 = arith.constant 0 : i32
      %dma_start3A_136 = arith.constant 0 : i32
      %dma_start3A_137 = tpu.memref_slice %arg3[%dma_start3A_135, %dma_start3A_136] : memref<100001x128xf32, #tpu.memory_space<hbm>> -> memref<100001x128xf32, #tpu.memory_space<hbm>>
      tpu.enqueue_indirect_dma source(%dma_start3A_137 : memref<100001x128xf32, #tpu.memory_space<hbm>>) target(%dma_start3A_133 : memref<56x128xf32, #tpu.memory_space<vmem>>) offsets(%dma_start3A_134 : memref<56xi32, #tpu.memory_space<vmem>>) semaphore(%arg12 : memref<!tpu.dma_semaphore, #tpu.memory_space<semaphore_mem>>)
      %add3A_138 = arith.constant 56 : i32
      %add3A_139 = arith.addi %multiple_of3A_128, %add3A_138 : i32
      %dma_start3A_140 = arith.constant 56 : i32
      %dma_start3A_141 = arith.constant 0 : i32
      %dma_start3A_142 = tpu.memref_slice %arg8[%dma_start3A_140, %dma_start3A_141] : memref<200x128xf32, #tpu.memory_space<vmem>> -> memref<48x128xf32, #tpu.memory_space<vmem>>
      %dma_start3A_143 = tpu.memref_slice %arg6[%add3A_139] : memref<6400xi32, #tpu.memory_space<vmem>> -> memref<48xi32, #tpu.memory_space<vmem>>
      %dma_start3A_144 = arith.constant 0 : i32
      %dma_start3A_145 = arith.constant 0 : i32
      %dma_start3A_146 = tpu.memref_slice %arg3[%dma_start3A_144, %dma_start3A_145] : memref<100001x128xf32, #tpu.memory_space<hbm>> -> memref<100001x128xf32, #tpu.memory_space<hbm>>
      tpu.enqueue_indirect_dma source(%dma_start3A_146 : memref<100001x128xf32, #tpu.memory_space<hbm>>) target(%dma_start3A_142 : memref<48x128xf32, #tpu.memory_space<vmem>>) offsets(%dma_start3A_143 : memref<48xi32, #tpu.memory_space<vmem>>) semaphore(%arg12 : memref<!tpu.dma_semaphore, #tpu.memory_space<semaphore_mem>>)
      %add3A_147 = arith.constant 104 : i32
      %add3A_148 = arith.addi %multiple_of3A_128, %add3A_147 : i32
      %dma_start3A_149 = arith.constant 104 : i32
      %dma_start3A_150 = arith.constant 0 : i32
      %dma_start3A_151 = tpu.memref_slice %arg8[%dma_start3A_149, %dma_start3A_150] : memref<200x128xf32, #tpu.memory_space<vmem>> -> memref<56x128xf32, #tpu.memory_space<vmem>>
      %dma_start3A_152 = tpu.memref_slice %arg6[%add3A_148] : memref<6400xi32, #tpu.memory_space<vmem>> -> memref<56xi32, #tpu.memory_space<vmem>>
      %dma_start3A_153 = arith.constant 0 : i32
      %dma_start3A_154 = arith.constant 0 : i32
      %dma_start3A_155 = tpu.memref_slice %arg3[%dma_start3A_153, %dma_start3A_154] : memref<100001x128xf32, #tpu.memory_space<hbm>> -> memref<100001x128xf32, #tpu.memory_space<hbm>>
      tpu.enqueue_indirect_dma source(%dma_start3A_155 : memref<100001x128xf32, #tpu.memory_space<hbm>>) target(%dma_start3A_151 : memref<56x128xf32, #tpu.memory_space<vmem>>) offsets(%dma_start3A_152 : memref<56xi32, #tpu.memory_space<vmem>>) semaphore(%arg12 : memref<!tpu.dma_semaphore, #tpu.memory_space<semaphore_mem>>)
      %add3A_156 = arith.constant 160 : i32
      %add3A_157 = arith.addi %multiple_of3A_128, %add3A_156 : i32
      %dma_start3A_158 = arith.constant 160 : i32
      %dma_start3A_159 = arith.constant 0 : i32
      %dma_start3A_160 = tpu.memref_slice %arg8[%dma_start3A_158, %dma_start3A_159] : memref<200x128xf32, #tpu.memory_space<vmem>> -> memref<40x128xf32, #tpu.memory_space<vmem>>
      %dma_start3A_161 = tpu.memref_slice %arg6[%add3A_157] : memref<6400xi32, #tpu.memory_space<vmem>> -> memref<40xi32, #tpu.memory_space<vmem>>
      %dma_start3A_162 = arith.constant 0 : i32
      %dma_start3A_163 = arith.constant 0 : i32
      %dma_start3A_164 = tpu.memref_slice %arg3[%dma_start3A_162, %dma_start3A_163] : memref<100001x128xf32, #tpu.memory_space<hbm>> -> memref<100001x128xf32, #tpu.memory_space<hbm>>
      tpu.enqueue_indirect_dma source(%dma_start3A_164 : memref<100001x128xf32, #tpu.memory_space<hbm>>) target(%dma_start3A_160 : memref<40x128xf32, #tpu.memory_space<vmem>>) offsets(%dma_start3A_161 : memref<40xi32, #tpu.memory_space<vmem>>) semaphore(%arg12 : memref<!tpu.dma_semaphore, #tpu.memory_space<semaphore_mem>>)
      %broadcast_in_dim3A = arith.constant 0.000000e+00 : f32
      %broadcast_in_dim3A_165 = vector.broadcast %broadcast_in_dim3A : f32 to vector<16xf32>
      %broadcast_in_dim3A_166 = arith.constant 0.000000e+00 : f32
      %broadcast_in_dim3A_167 = vector.broadcast %broadcast_in_dim3A_166 : f32 to vector<16xf32>
      %broadcast_in_dim3A_168 = arith.constant 0.000000e+00 : f32
      %broadcast_in_dim3A_169 = vector.broadcast %broadcast_in_dim3A_168 : f32 to vector<16xf32>
      %broadcast_in_dim3A_170 = arith.constant 0.000000e+00 : f32
      %broadcast_in_dim3A_171 = vector.broadcast %broadcast_in_dim3A_170 : f32 to vector<16xf32>
      %broadcast_in_dim3A_172 = arith.constant 0.000000e+00 : f32
      %broadcast_in_dim3A_173 = vector.broadcast %broadcast_in_dim3A_172 : f32 to vector<16xf32>
      %broadcast_in_dim3A_174 = arith.constant 0.000000e+00 : f32
      %broadcast_in_dim3A_175 = vector.broadcast %broadcast_in_dim3A_174 : f32 to vector<16xf32>
      %broadcast_in_dim3A_176 = arith.constant 0.000000e+00 : f32
      %broadcast_in_dim3A_177 = vector.broadcast %broadcast_in_dim3A_176 : f32 to vector<16xf32>
      %broadcast_in_dim3A_178 = arith.constant 0.000000e+00 : f32
      %broadcast_in_dim3A_179 = vector.broadcast %broadcast_in_dim3A_178 : f32 to vector<16xf32>
      %broadcast_in_dim3A_180 = arith.constant 0.000000e+00 : f32
      %broadcast_in_dim3A_181 = vector.broadcast %broadcast_in_dim3A_180 : f32 to vector<16xf32>
      %broadcast_in_dim3A_182 = arith.constant 0.000000e+00 : f32
      %broadcast_in_dim3A_183 = vector.broadcast %broadcast_in_dim3A_182 : f32 to vector<16xf32>
      %broadcast_in_dim3A_184 = arith.constant 0.000000e+00 : f32
      %broadcast_in_dim3A_185 = vector.broadcast %broadcast_in_dim3A_184 : f32 to vector<16xf32>
      %broadcast_in_dim3A_186 = arith.constant 0.000000e+00 : f32
      %broadcast_in_dim3A_187 = vector.broadcast %broadcast_in_dim3A_186 : f32 to vector<16xf32>
      %broadcast_in_dim3A_188 = arith.constant 0.000000e+00 : f32
      %broadcast_in_dim3A_189 = vector.broadcast %broadcast_in_dim3A_188 : f32 to vector<16xf32>
      %broadcast_in_dim3A_190 = arith.constant 0.000000e+00 : f32
      %broadcast_in_dim3A_191 = vector.broadcast %broadcast_in_dim3A_190 : f32 to vector<16xf32>
      %broadcast_in_dim3A_192 = arith.constant 0.000000e+00 : f32
      %broadcast_in_dim3A_193 = vector.broadcast %broadcast_in_dim3A_192 : f32 to vector<16xf32>
      %broadcast_in_dim3A_194 = arith.constant 0.000000e+00 : f32
      %broadcast_in_dim3A_195 = vector.broadcast %broadcast_in_dim3A_194 : f32 to vector<16xf32>
      %broadcast_in_dim3A_196 = arith.constant 0.000000e+00 : f32
      %broadcast_in_dim3A_197 = vector.broadcast %broadcast_in_dim3A_196 : f32 to vector<16xf32>
      %broadcast_in_dim3A_198 = arith.constant 0.000000e+00 : f32
      %broadcast_in_dim3A_199 = vector.broadcast %broadcast_in_dim3A_198 : f32 to vector<16xf32>
      %broadcast_in_dim3A_200 = arith.constant 0.000000e+00 : f32
      %broadcast_in_dim3A_201 = vector.broadcast %broadcast_in_dim3A_200 : f32 to vector<16xf32>
      %broadcast_in_dim3A_202 = arith.constant 0.000000e+00 : f32
      %broadcast_in_dim3A_203 = vector.broadcast %broadcast_in_dim3A_202 : f32 to vector<16xf32>
      %broadcast_in_dim3A_204 = arith.constant 0.000000e+00 : f32
      %broadcast_in_dim3A_205 = vector.broadcast %broadcast_in_dim3A_204 : f32 to vector<16xf32>
      %broadcast_in_dim3A_206 = arith.constant 0.000000e+00 : f32
      %broadcast_in_dim3A_207 = vector.broadcast %broadcast_in_dim3A_206 : f32 to vector<16xf32>
      %broadcast_in_dim3A_208 = arith.constant 0.000000e+00 : f32
      %broadcast_in_dim3A_209 = vector.broadcast %broadcast_in_dim3A_208 : f32 to vector<16xf32>
      %broadcast_in_dim3A_210 = arith.constant 0.000000e+00 : f32
      %broadcast_in_dim3A_211 = vector.broadcast %broadcast_in_dim3A_210 : f32 to vector<16xf32>
      %broadcast_in_dim3A_212 = arith.constant 0.000000e+00 : f32
      %broadcast_in_dim3A_213 = vector.broadcast %broadcast_in_dim3A_212 : f32 to vector<16xf32>
      %broadcast_in_dim3A_214 = arith.constant 0.000000e+00 : f32
      %broadcast_in_dim3A_215 = vector.broadcast %broadcast_in_dim3A_214 : f32 to vector<16xf32>
      %broadcast_in_dim3A_216 = arith.constant 0.000000e+00 : f32
      %broadcast_in_dim3A_217 = vector.broadcast %broadcast_in_dim3A_216 : f32 to vector<16xf32>
      %broadcast_in_dim3A_218 = arith.constant 0.000000e+00 : f32
      %broadcast_in_dim3A_219 = vector.broadcast %broadcast_in_dim3A_218 : f32 to vector<16xf32>
      %broadcast_in_dim3A_220 = arith.constant 0.000000e+00 : f32
      %broadcast_in_dim3A_221 = vector.broadcast %broadcast_in_dim3A_220 : f32 to vector<16xf32>
      %broadcast_in_dim3A_222 = arith.constant 0.000000e+00 : f32
      %broadcast_in_dim3A_223 = vector.broadcast %broadcast_in_dim3A_222 : f32 to vector<16xf32>
      %broadcast_in_dim3A_224 = arith.constant 0.000000e+00 : f32
      %broadcast_in_dim3A_225 = vector.broadcast %broadcast_in_dim3A_224 : f32 to vector<16xf32>
      %broadcast_in_dim3A_226 = arith.constant 0.000000e+00 : f32
      %broadcast_in_dim3A_227 = vector.broadcast %broadcast_in_dim3A_226 : f32 to vector<16xf32>
      %scan3A_228 = arith.constant 0 : i32
      %scan3A_229 = arith.constant 50 : i32
      %scan3A_230 = arith.addi %scan3A_228, %scan3A_229 : i32
      %scan3A_231 = arith.constant 1 : i32
      %scan3A_232:32 = scf.for %scan3A_841 = %scan3A_228 to %scan3A_230 step %scan3A_231 iter_args(%scan3A_842 = %broadcast_in_dim3A_165, %scan3A_843 = %broadcast_in_dim3A_167, %scan3A_844 = %broadcast_in_dim3A_169, %scan3A_845 = %broadcast_in_dim3A_171, %scan3A_846 = %broadcast_in_dim3A_173, %scan3A_847 = %broadcast_in_dim3A_175, %scan3A_848 = %broadcast_in_dim3A_177, %scan3A_849 = %broadcast_in_dim3A_179, %scan3A_850 = %broadcast_in_dim3A_181, %scan3A_851 = %broadcast_in_dim3A_183, %scan3A_852 = %broadcast_in_dim3A_185, %scan3A_853 = %broadcast_in_dim3A_187, %scan3A_854 = %broadcast_in_dim3A_189, %scan3A_855 = %broadcast_in_dim3A_191, %scan3A_856 = %broadcast_in_dim3A_193, %scan3A_857 = %broadcast_in_dim3A_195, %scan3A_858 = %broadcast_in_dim3A_197, %scan3A_859 = %broadcast_in_dim3A_199, %scan3A_860 = %broadcast_in_dim3A_201, %scan3A_861 = %broadcast_in_dim3A_203, %scan3A_862 = %broadcast_in_dim3A_205, %scan3A_863 = %broadcast_in_dim3A_207, %scan3A_864 = %broadcast_in_dim3A_209, %scan3A_865 = %broadcast_in_dim3A_211, %scan3A_866 = %broadcast_in_dim3A_213, %scan3A_867 = %broadcast_in_dim3A_215, %scan3A_868 = %broadcast_in_dim3A_217, %scan3A_869 = %broadcast_in_dim3A_219, %scan3A_870 = %broadcast_in_dim3A_221, %scan3A_871 = %broadcast_in_dim3A_223, %scan3A_872 = %broadcast_in_dim3A_225, %scan3A_873 = %broadcast_in_dim3A_227) -> (vector<16xf32>, vector<16xf32>, vector<16xf32>, vector<16xf32>, vector<16xf32>, vector<16xf32>, vector<16xf32>, vector<16xf32>, vector<16xf32>, vector<16xf32>, vector<16xf32>, vector<16xf32>, vector<16xf32>, vector<16xf32>, vector<16xf32>, vector<16xf32>, vector<16xf32>, vector<16xf32>, vector<16xf32>, vector<16xf32>, vector<16xf32>, vector<16xf32>, vector<16xf32>, vector<16xf32>, vector<16xf32>, vector<16xf32>, vector<16xf32>, vector<16xf32>, vector<16xf32>, vector<16xf32>, vector<16xf32>, vector<16xf32>)  : i32 {
        %add3A_874 = arith.constant 0 : i32
        %add3A_875 = arith.addi %add3A_874, %scan3A_841 : i32
        %get3A = arith.index_cast %add3A_875 : i32 to index
        %get3A_876 = arith.constant 0 : index
        %get3A_877 = tpu.vector_load %arg7[%get3A, %get3A_876] {strides = array<i32>} : memref<200x128xf32, #tpu.memory_space<vmem>>, vector<1x16xf32>,
        %get3A_878 = vector.shape_cast %get3A_877 : vector<1x16xf32> to vector<16xf32>
        %add3A_879 = arith.addf %scan3A_842, %get3A_878 : vector<16xf32>
        %add3A_880 = arith.constant 0 : i32
        %add3A_881 = arith.addi %add3A_880, %scan3A_841 : i32
        %get3A_882 = arith.index_cast %add3A_881 : i32 to index
        %get3A_883 = arith.constant 16 : index
        %get3A_884 = tpu.vector_load %arg7[%get3A_882, %get3A_883] {strides = array<i32>} : memref<200x128xf32, #tpu.memory_space<vmem>>, vector<1x16xf32>,
        %get3A_885 = vector.shape_cast %get3A_884 : vector<1x16xf32> to vector<16xf32>
        %add3A_886 = arith.addf %scan3A_843, %get3A_885 : vector<16xf32>
        %add3A_887 = arith.constant 0 : i32
        %add3A_888 = arith.addi %add3A_887, %scan3A_841 : i32
        %get3A_889 = arith.index_cast %add3A_888 : i32 to index
        %get3A_890 = arith.constant 32 : index
        %get3A_891 = tpu.vector_load %arg7[%get3A_889, %get3A_890] {strides = array<i32>} : memref<200x128xf32, #tpu.memory_space<vmem>>, vector<1x16xf32>,
        %get3A_892 = vector.shape_cast %get3A_891 : vector<1x16xf32> to vector<16xf32>
        %add3A_893 = arith.addf %scan3A_844, %get3A_892 : vector<16xf32>
        %add3A_894 = arith.constant 0 : i32
        %add3A_895 = arith.addi %add3A_894, %scan3A_841 : i32
        %get3A_896 = arith.index_cast %add3A_895 : i32 to index
        %get3A_897 = arith.constant 48 : index
        %get3A_898 = tpu.vector_load %arg7[%get3A_896, %get3A_897] {strides = array<i32>} : memref<200x128xf32, #tpu.memory_space<vmem>>, vector<1x16xf32>,
        %get3A_899 = vector.shape_cast %get3A_898 : vector<1x16xf32> to vector<16xf32>
        %add3A_900 = arith.addf %scan3A_845, %get3A_899 : vector<16xf32>
        %add3A_901 = arith.constant 0 : i32
        %add3A_902 = arith.addi %add3A_901, %scan3A_841 : i32
        %get3A_903 = arith.index_cast %add3A_902 : i32 to index
        %get3A_904 = arith.constant 64 : index
        %get3A_905 = tpu.vector_load %arg7[%get3A_903, %get3A_904] {strides = array<i32>} : memref<200x128xf32, #tpu.memory_space<vmem>>, vector<1x16xf32>,
        %get3A_906 = vector.shape_cast %get3A_905 : vector<1x16xf32> to vector<16xf32>
        %add3A_907 = arith.addf %scan3A_846, %get3A_906 : vector<16xf32>
        %add3A_908 = arith.constant 0 : i32
        %add3A_909 = arith.addi %add3A_908, %scan3A_841 : i32
        %get3A_910 = arith.index_cast %add3A_909 : i32 to index
        %get3A_911 = arith.constant 80 : index
        %get3A_912 = tpu.vector_load %arg7[%get3A_910, %get3A_911] {strides = array<i32>} : memref<200x128xf32, #tpu.memory_space<vmem>>, vector<1x16xf32>,
        %get3A_913 = vector.shape_cast %get3A_912 : vector<1x16xf32> to vector<16xf32>
        %add3A_914 = arith.addf %scan3A_847, %get3A_913 : vector<16xf32>
        %add3A_915 = arith.constant 0 : i32
        %add3A_916 = arith.addi %add3A_915, %scan3A_841 : i32
        %get3A_917 = arith.index_cast %add3A_916 : i32 to index
        %get3A_918 = arith.constant 96 : index
        %get3A_919 = tpu.vector_load %arg7[%get3A_917, %get3A_918] {strides = array<i32>} : memref<200x128xf32, #tpu.memory_space<vmem>>, vector<1x16xf32>,
        %get3A_920 = vector.shape_cast %get3A_919 : vector<1x16xf32> to vector<16xf32>
        %add3A_921 = arith.addf %scan3A_848, %get3A_920 : vector<16xf32>
        %add3A_922 = arith.constant 0 : i32
        %add3A_923 = arith.addi %add3A_922, %scan3A_841 : i32
        %get3A_924 = arith.index_cast %add3A_923 : i32 to index
        %get3A_925 = arith.constant 112 : index
        %get3A_926 = tpu.vector_load %arg7[%get3A_924, %get3A_925] {strides = array<i32>} : memref<200x128xf32, #tpu.memory_space<vmem>>, vector<1x16xf32>,
        %get3A_927 = vector.shape_cast %get3A_926 : vector<1x16xf32> to vector<16xf32>
        %add3A_928 = arith.addf %scan3A_849, %get3A_927 : vector<16xf32>
        %add3A_929 = arith.constant 50 : i32
        %add3A_930 = arith.addi %add3A_929, %scan3A_841 : i32
        %get3A_931 = arith.index_cast %add3A_930 : i32 to index
        %get3A_932 = arith.constant 0 : index
        %get3A_933 = tpu.vector_load %arg7[%get3A_931, %get3A_932] {strides = array<i32>} : memref<200x128xf32, #tpu.memory_space<vmem>>, vector<1x16xf32>,
        %get3A_934 = vector.shape_cast %get3A_933 : vector<1x16xf32> to vector<16xf32>
        %add3A_935 = arith.addf %scan3A_850, %get3A_934 : vector<16xf32>
        %add3A_936 = arith.constant 50 : i32
        %add3A_937 = arith.addi %add3A_936, %scan3A_841 : i32
        %get3A_938 = arith.index_cast %add3A_937 : i32 to index
        %get3A_939 = arith.constant 16 : index
        %get3A_940 = tpu.vector_load %arg7[%get3A_938, %get3A_939] {strides = array<i32>} : memref<200x128xf32, #tpu.memory_space<vmem>>, vector<1x16xf32>,
        %get3A_941 = vector.shape_cast %get3A_940 : vector<1x16xf32> to vector<16xf32>
        %add3A_942 = arith.addf %scan3A_851, %get3A_941 : vector<16xf32>
        %add3A_943 = arith.constant 50 : i32
        %add3A_944 = arith.addi %add3A_943, %scan3A_841 : i32
        %get3A_945 = arith.index_cast %add3A_944 : i32 to index
        %get3A_946 = arith.constant 32 : index
        %get3A_947 = tpu.vector_load %arg7[%get3A_945, %get3A_946] {strides = array<i32>} : memref<200x128xf32, #tpu.memory_space<vmem>>, vector<1x16xf32>,
        %get3A_948 = vector.shape_cast %get3A_947 : vector<1x16xf32> to vector<16xf32>
        %add3A_949 = arith.addf %scan3A_852, %get3A_948 : vector<16xf32>
        %add3A_950 = arith.constant 50 : i32
        %add3A_951 = arith.addi %add3A_950, %scan3A_841 : i32
        %get3A_952 = arith.index_cast %add3A_951 : i32 to index
        %get3A_953 = arith.constant 48 : index
        %get3A_954 = tpu.vector_load %arg7[%get3A_952, %get3A_953] {strides = array<i32>} : memref<200x128xf32, #tpu.memory_space<vmem>>, vector<1x16xf32>,
        %get3A_955 = vector.shape_cast %get3A_954 : vector<1x16xf32> to vector<16xf32>
        %add3A_956 = arith.addf %scan3A_853, %get3A_955 : vector<16xf32>
        %add3A_957 = arith.constant 50 : i32
        %add3A_958 = arith.addi %add3A_957, %scan3A_841 : i32
        %get3A_959 = arith.index_cast %add3A_958 : i32 to index
        %get3A_960 = arith.constant 64 : index
        %get3A_961 = tpu.vector_load %arg7[%get3A_959, %get3A_960] {strides = array<i32>} : memref<200x128xf32, #tpu.memory_space<vmem>>, vector<1x16xf32>,
        %get3A_962 = vector.shape_cast %get3A_961 : vector<1x16xf32> to vector<16xf32>
        %add3A_963 = arith.addf %scan3A_854, %get3A_962 : vector<16xf32>
        %add3A_964 = arith.constant 50 : i32
        %add3A_965 = arith.addi %add3A_964, %scan3A_841 : i32
        %get3A_966 = arith.index_cast %add3A_965 : i32 to index
        %get3A_967 = arith.constant 80 : index
        %get3A_968 = tpu.vector_load %arg7[%get3A_966, %get3A_967] {strides = array<i32>} : memref<200x128xf32, #tpu.memory_space<vmem>>, vector<1x16xf32>,
        %get3A_969 = vector.shape_cast %get3A_968 : vector<1x16xf32> to vector<16xf32>
        %add3A_970 = arith.addf %scan3A_855, %get3A_969 : vector<16xf32>
        %add3A_971 = arith.constant 50 : i32
        %add3A_972 = arith.addi %add3A_971, %scan3A_841 : i32
        %get3A_973 = arith.index_cast %add3A_972 : i32 to index
        %get3A_974 = arith.constant 96 : index
        %get3A_975 = tpu.vector_load %arg7[%get3A_973, %get3A_974] {strides = array<i32>} : memref<200x128xf32, #tpu.memory_space<vmem>>, vector<1x16xf32>,
        %get3A_976 = vector.shape_cast %get3A_975 : vector<1x16xf32> to vector<16xf32>
        %add3A_977 = arith.addf %scan3A_856, %get3A_976 : vector<16xf32>
        %add3A_978 = arith.constant 50 : i32
        %add3A_979 = arith.addi %add3A_978, %scan3A_841 : i32
        %get3A_980 = arith.index_cast %add3A_979 : i32 to index
        %get3A_981 = arith.constant 112 : index
        %get3A_982 = tpu.vector_load %arg7[%get3A_980, %get3A_981] {strides = array<i32>} : memref<200x128xf32, #tpu.memory_space<vmem>>, vector<1x16xf32>,
        %get3A_983 = vector.shape_cast %get3A_982 : vector<1x16xf32> to vector<16xf32>
        %add3A_984 = arith.addf %scan3A_857, %get3A_983 : vector<16xf32>
        %add3A_985 = arith.constant 100 : i32
        %add3A_986 = arith.addi %add3A_985, %scan3A_841 : i32
        %get3A_987 = arith.index_cast %add3A_986 : i32 to index
        %get3A_988 = arith.constant 0 : index
        %get3A_989 = tpu.vector_load %arg7[%get3A_987, %get3A_988] {strides = array<i32>} : memref<200x128xf32, #tpu.memory_space<vmem>>, vector<1x16xf32>,
        %get3A_990 = vector.shape_cast %get3A_989 : vector<1x16xf32> to vector<16xf32>
        %add3A_991 = arith.addf %scan3A_858, %get3A_990 : vector<16xf32>
        %add3A_992 = arith.constant 100 : i32
        %add3A_993 = arith.addi %add3A_992, %scan3A_841 : i32
        %get3A_994 = arith.index_cast %add3A_993 : i32 to index
        %get3A_995 = arith.constant 16 : index
        %get3A_996 = tpu.vector_load %arg7[%get3A_994, %get3A_995] {strides = array<i32>} : memref<200x128xf32, #tpu.memory_space<vmem>>, vector<1x16xf32>,
        %get3A_997 = vector.shape_cast %get3A_996 : vector<1x16xf32> to vector<16xf32>
        %add3A_998 = arith.addf %scan3A_859, %get3A_997 : vector<16xf32>
        %add3A_999 = arith.constant 100 : i32
        %add3A_1000 = arith.addi %add3A_999, %scan3A_841 : i32
        %get3A_1001 = arith.index_cast %add3A_1000 : i32 to index
        %get3A_1002 = arith.constant 32 : index
        %get3A_1003 = tpu.vector_load %arg7[%get3A_1001, %get3A_1002] {strides = array<i32>} : memref<200x128xf32, #tpu.memory_space<vmem>>, vector<1x16xf32>,
        %get3A_1004 = vector.shape_cast %get3A_1003 : vector<1x16xf32> to vector<16xf32>
        %add3A_1005 = arith.addf %scan3A_860, %get3A_1004 : vector<16xf32>
        %add3A_1006 = arith.constant 100 : i32
        %add3A_1007 = arith.addi %add3A_1006, %scan3A_841 : i32
        %get3A_1008 = arith.index_cast %add3A_1007 : i32 to index
        %get3A_1009 = arith.constant 48 : index
        %get3A_1010 = tpu.vector_load %arg7[%get3A_1008, %get3A_1009] {strides = array<i32>} : memref<200x128xf32, #tpu.memory_space<vmem>>, vector<1x16xf32>,
        %get3A_1011 = vector.shape_cast %get3A_1010 : vector<1x16xf32> to vector<16xf32>
        %add3A_1012 = arith.addf %scan3A_861, %get3A_1011 : vector<16xf32>
        %add3A_1013 = arith.constant 100 : i32
        %add3A_1014 = arith.addi %add3A_1013, %scan3A_841 : i32
        %get3A_1015 = arith.index_cast %add3A_1014 : i32 to index
        %get3A_1016 = arith.constant 64 : index
        %get3A_1017 = tpu.vector_load %arg7[%get3A_1015, %get3A_1016] {strides = array<i32>} : memref<200x128xf32, #tpu.memory_space<vmem>>, vector<1x16xf32>,
        %get3A_1018 = vector.shape_cast %get3A_1017 : vector<1x16xf32> to vector<16xf32>
        %add3A_1019 = arith.addf %scan3A_862, %get3A_1018 : vector<16xf32>
        %add3A_1020 = arith.constant 100 : i32
        %add3A_1021 = arith.addi %add3A_1020, %scan3A_841 : i32
        %get3A_1022 = arith.index_cast %add3A_1021 : i32 to index
        %get3A_1023 = arith.constant 80 : index
        %get3A_1024 = tpu.vector_load %arg7[%get3A_1022, %get3A_1023] {strides = array<i32>} : memref<200x128xf32, #tpu.memory_space<vmem>>, vector<1x16xf32>,
        %get3A_1025 = vector.shape_cast %get3A_1024 : vector<1x16xf32> to vector<16xf32>
        %add3A_1026 = arith.addf %scan3A_863, %get3A_1025 : vector<16xf32>
        %add3A_1027 = arith.constant 100 : i32
        %add3A_1028 = arith.addi %add3A_1027, %scan3A_841 : i32
        %get3A_1029 = arith.index_cast %add3A_1028 : i32 to index
        %get3A_1030 = arith.constant 96 : index
        %get3A_1031 = tpu.vector_load %arg7[%get3A_1029, %get3A_1030] {strides = array<i32>} : memref<200x128xf32, #tpu.memory_space<vmem>>, vector<1x16xf32>,
        %get3A_1032 = vector.shape_cast %get3A_1031 : vector<1x16xf32> to vector<16xf32>
        %add3A_1033 = arith.addf %scan3A_864, %get3A_1032 : vector<16xf32>
        %add3A_1034 = arith.constant 100 : i32
        %add3A_1035 = arith.addi %add3A_1034, %scan3A_841 : i32
        %get3A_1036 = arith.index_cast %add3A_1035 : i32 to index
        %get3A_1037 = arith.constant 112 : index
        %get3A_1038 = tpu.vector_load %arg7[%get3A_1036, %get3A_1037] {strides = array<i32>} : memref<200x128xf32, #tpu.memory_space<vmem>>, vector<1x16xf32>,
        %get3A_1039 = vector.shape_cast %get3A_1038 : vector<1x16xf32> to vector<16xf32>
        %add3A_1040 = arith.addf %scan3A_865, %get3A_1039 : vector<16xf32>
        %add3A_1041 = arith.constant 150 : i32
        %add3A_1042 = arith.addi %add3A_1041, %scan3A_841 : i32
        %get3A_1043 = arith.index_cast %add3A_1042 : i32 to index
        %get3A_1044 = arith.constant 0 : index
        %get3A_1045 = tpu.vector_load %arg7[%get3A_1043, %get3A_1044] {strides = array<i32>} : memref<200x128xf32, #tpu.memory_space<vmem>>, vector<1x16xf32>,
        %get3A_1046 = vector.shape_cast %get3A_1045 : vector<1x16xf32> to vector<16xf32>
        %add3A_1047 = arith.addf %scan3A_866, %get3A_1046 : vector<16xf32>
        %add3A_1048 = arith.constant 150 : i32
        %add3A_1049 = arith.addi %add3A_1048, %scan3A_841 : i32
        %get3A_1050 = arith.index_cast %add3A_1049 : i32 to index
        %get3A_1051 = arith.constant 16 : index
        %get3A_1052 = tpu.vector_load %arg7[%get3A_1050, %get3A_1051] {strides = array<i32>} : memref<200x128xf32, #tpu.memory_space<vmem>>, vector<1x16xf32>,
        %get3A_1053 = vector.shape_cast %get3A_1052 : vector<1x16xf32> to vector<16xf32>
        %add3A_1054 = arith.addf %scan3A_867, %get3A_1053 : vector<16xf32>
        %add3A_1055 = arith.constant 150 : i32
        %add3A_1056 = arith.addi %add3A_1055, %scan3A_841 : i32
        %get3A_1057 = arith.index_cast %add3A_1056 : i32 to index
        %get3A_1058 = arith.constant 32 : index
        %get3A_1059 = tpu.vector_load %arg7[%get3A_1057, %get3A_1058] {strides = array<i32>} : memref<200x128xf32, #tpu.memory_space<vmem>>, vector<1x16xf32>,
        %get3A_1060 = vector.shape_cast %get3A_1059 : vector<1x16xf32> to vector<16xf32>
        %add3A_1061 = arith.addf %scan3A_868, %get3A_1060 : vector<16xf32>
        %add3A_1062 = arith.constant 150 : i32
        %add3A_1063 = arith.addi %add3A_1062, %scan3A_841 : i32
        %get3A_1064 = arith.index_cast %add3A_1063 : i32 to index
        %get3A_1065 = arith.constant 48 : index
        %get3A_1066 = tpu.vector_load %arg7[%get3A_1064, %get3A_1065] {strides = array<i32>} : memref<200x128xf32, #tpu.memory_space<vmem>>, vector<1x16xf32>,
        %get3A_1067 = vector.shape_cast %get3A_1066 : vector<1x16xf32> to vector<16xf32>
        %add3A_1068 = arith.addf %scan3A_869, %get3A_1067 : vector<16xf32>
        %add3A_1069 = arith.constant 150 : i32
        %add3A_1070 = arith.addi %add3A_1069, %scan3A_841 : i32
        %get3A_1071 = arith.index_cast %add3A_1070 : i32 to index
        %get3A_1072 = arith.constant 64 : index
        %get3A_1073 = tpu.vector_load %arg7[%get3A_1071, %get3A_1072] {strides = array<i32>} : memref<200x128xf32, #tpu.memory_space<vmem>>, vector<1x16xf32>,
        %get3A_1074 = vector.shape_cast %get3A_1073 : vector<1x16xf32> to vector<16xf32>
        %add3A_1075 = arith.addf %scan3A_870, %get3A_1074 : vector<16xf32>
        %add3A_1076 = arith.constant 150 : i32
        %add3A_1077 = arith.addi %add3A_1076, %scan3A_841 : i32
        %get3A_1078 = arith.index_cast %add3A_1077 : i32 to index
        %get3A_1079 = arith.constant 80 : index
        %get3A_1080 = tpu.vector_load %arg7[%get3A_1078, %get3A_1079] {strides = array<i32>} : memref<200x128xf32, #tpu.memory_space<vmem>>, vector<1x16xf32>,
        %get3A_1081 = vector.shape_cast %get3A_1080 : vector<1x16xf32> to vector<16xf32>
        %add3A_1082 = arith.addf %scan3A_871, %get3A_1081 : vector<16xf32>
        %add3A_1083 = arith.constant 150 : i32
        %add3A_1084 = arith.addi %add3A_1083, %scan3A_841 : i32
        %get3A_1085 = arith.index_cast %add3A_1084 : i32 to index
        %get3A_1086 = arith.constant 96 : index
        %get3A_1087 = tpu.vector_load %arg7[%get3A_1085, %get3A_1086] {strides = array<i32>} : memref<200x128xf32, #tpu.memory_space<vmem>>, vector<1x16xf32>,
        %get3A_1088 = vector.shape_cast %get3A_1087 : vector<1x16xf32> to vector<16xf32>
        %add3A_1089 = arith.addf %scan3A_872, %get3A_1088 : vector<16xf32>
        %add3A_1090 = arith.constant 150 : i32
        %add3A_1091 = arith.addi %add3A_1090, %scan3A_841 : i32
        %get3A_1092 = arith.index_cast %add3A_1091 : i32 to index
        %get3A_1093 = arith.constant 112 : index
        %get3A_1094 = tpu.vector_load %arg7[%get3A_1092, %get3A_1093] {strides = array<i32>} : memref<200x128xf32, #tpu.memory_space<vmem>>, vector<1x16xf32>,
        %get3A_1095 = vector.shape_cast %get3A_1094 : vector<1x16xf32> to vector<16xf32>
        %add3A_1096 = arith.addf %scan3A_873, %get3A_1095 : vector<16xf32>
        scf.yield %add3A_879, %add3A_886, %add3A_893, %add3A_900, %add3A_907, %add3A_914, %add3A_921, %add3A_928, %add3A_935, %add3A_942, %add3A_949, %add3A_956, %add3A_963, %add3A_970, %add3A_977, %add3A_984, %add3A_991, %add3A_998, %add3A_1005, %add3A_1012, %add3A_1019, %add3A_1026, %add3A_1033, %add3A_1040, %add3A_1047, %add3A_1054, %add3A_1061, %add3A_1068, %add3A_1075, %add3A_1082, %add3A_1089, %add3A_1096 : vector<16xf32>, vector<16xf32>, vector<16xf32>, vector<16xf32>, vector<16xf32>, vector<16xf32>, vector<16xf32>, vector<16xf32>, vector<16xf32>, vector<16xf32>, vector<16xf32>, vector<16xf32>, vector<16xf32>, vector<16xf32>, vector<16xf32>, vector<16xf32>, vector<16xf32>, vector<16xf32>, vector<16xf32>, vector<16xf32>, vector<16xf32>, vector<16xf32>, vector<16xf32>, vector<16xf32>, vector<16xf32>, vector<16xf32>, vector<16xf32>, vector<16xf32>, vector<16xf32>, vector<16xf32>, vector<16xf32>, vector<16xf32>
      }
      %scan3A_233 = arith.constant 50 : i32
      %mul3A_234 = arith.constant 4 : i32
      %mul3A_235 = arith.muli %mul3A_53, %mul3A_234 : i32
      %add3A_236 = arith.constant 0 : i32
      %add3A_237 = arith.addi %mul3A_235, %add3A_236 : i32
      %mul3A_238 = vector.broadcast %scan3A_40 : f32 to vector<16xf32>
      %mul3A_239 = arith.mulf %scan3A_232#0, %mul3A_238 : vector<16xf32>
      %swap3A = arith.index_cast %add3A_237 : i32 to index
      %swap3A_240 = arith.constant 0 : index
      %swap3A_241 = tpu.vector_load %arg9[%swap3A, %swap3A_240] {strides = array<i32>} : memref<128x128xf32, #tpu.memory_space<vmem>>, vector<1x16xf32>,
      %swap3A_242 = vector.shape_cast %swap3A_241 : vector<1x16xf32> to vector<16xf32>
      %swap3A_243 = vector.shape_cast %mul3A_239 : vector<16xf32> to vector<1x16xf32>
      tpu.vector_store %arg9[%swap3A, %swap3A_240], %swap3A_243 {strides = array<i32>} : memref<128x128xf32, #tpu.memory_space<vmem>>, vector<1x16xf32>,
      %mul3A_244 = vector.broadcast %scan3A_40 : f32 to vector<16xf32>
      %mul3A_245 = arith.mulf %scan3A_232#1, %mul3A_244 : vector<16xf32>
      %swap3A_246 = arith.index_cast %add3A_237 : i32 to index
      %swap3A_247 = arith.constant 16 : index
      %swap3A_248 = tpu.vector_load %arg9[%swap3A_246, %swap3A_247] {strides = array<i32>} : memref<128x128xf32, #tpu.memory_space<vmem>>, vector<1x16xf32>,
      %swap3A_249 = vector.shape_cast %swap3A_248 : vector<1x16xf32> to vector<16xf32>
      %swap3A_250 = vector.shape_cast %mul3A_245 : vector<16xf32> to vector<1x16xf32>
      tpu.vector_store %arg9[%swap3A_246, %swap3A_247], %swap3A_250 {strides = array<i32>} : memref<128x128xf32, #tpu.memory_space<vmem>>, vector<1x16xf32>,
      %mul3A_251 = vector.broadcast %scan3A_40 : f32 to vector<16xf32>
      %mul3A_252 = arith.mulf %scan3A_232#2, %mul3A_251 : vector<16xf32>
      %swap3A_253 = arith.index_cast %add3A_237 : i32 to index
      %swap3A_254 = arith.constant 32 : index
      %swap3A_255 = tpu.vector_load %arg9[%swap3A_253, %swap3A_254] {strides = array<i32>} : memref<128x128xf32, #tpu.memory_space<vmem>>, vector<1x16xf32>,
      %swap3A_256 = vector.shape_cast %swap3A_255 : vector<1x16xf32> to vector<16xf32>
      %swap3A_257 = vector.shape_cast %mul3A_252 : vector<16xf32> to vector<1x16xf32>
      tpu.vector_store %arg9[%swap3A_253, %swap3A_254], %swap3A_257 {strides = array<i32>} : memref<128x128xf32, #tpu.memory_space<vmem>>, vector<1x16xf32>,
      %mul3A_258 = vector.broadcast %scan3A_40 : f32 to vector<16xf32>
      %mul3A_259 = arith.mulf %scan3A_232#3, %mul3A_258 : vector<16xf32>
      %swap3A_260 = arith.index_cast %add3A_237 : i32 to index
      %swap3A_261 = arith.constant 48 : index
      %swap3A_262 = tpu.vector_load %arg9[%swap3A_260, %swap3A_261] {strides = array<i32>} : memref<128x128xf32, #tpu.memory_space<vmem>>, vector<1x16xf32>,
      %swap3A_263 = vector.shape_cast %swap3A_262 : vector<1x16xf32> to vector<16xf32>
      %swap3A_264 = vector.shape_cast %mul3A_259 : vector<16xf32> to vector<1x16xf32>
      tpu.vector_store %arg9[%swap3A_260, %swap3A_261], %swap3A_264 {strides = array<i32>} : memref<128x128xf32, #tpu.memory_space<vmem>>, vector<1x16xf32>,
      %mul3A_265 = vector.broadcast %scan3A_40 : f32 to vector<16xf32>
      %mul3A_266 = arith.mulf %scan3A_232#4, %mul3A_265 : vector<16xf32>
      %swap3A_267 = arith.index_cast %add3A_237 : i32 to index
      %swap3A_268 = arith.constant 64 : index
      %swap3A_269 = tpu.vector_load %arg9[%swap3A_267, %swap3A_268] {strides = array<i32>} : memref<128x128xf32, #tpu.memory_space<vmem>>, vector<1x16xf32>,
      %swap3A_270 = vector.shape_cast %swap3A_269 : vector<1x16xf32> to vector<16xf32>
      %swap3A_271 = vector.shape_cast %mul3A_266 : vector<16xf32> to vector<1x16xf32>
      tpu.vector_store %arg9[%swap3A_267, %swap3A_268], %swap3A_271 {strides = array<i32>} : memref<128x128xf32, #tpu.memory_space<vmem>>, vector<1x16xf32>,
      %mul3A_272 = vector.broadcast %scan3A_40 : f32 to vector<16xf32>
      %mul3A_273 = arith.mulf %scan3A_232#5, %mul3A_272 : vector<16xf32>
      %swap3A_274 = arith.index_cast %add3A_237 : i32 to index
      %swap3A_275 = arith.constant 80 : index
      %swap3A_276 = tpu.vector_load %arg9[%swap3A_274, %swap3A_275] {strides = array<i32>} : memref<128x128xf32, #tpu.memory_space<vmem>>, vector<1x16xf32>,
      %swap3A_277 = vector.shape_cast %swap3A_276 : vector<1x16xf32> to vector<16xf32>
      %swap3A_278 = vector.shape_cast %mul3A_273 : vector<16xf32> to vector<1x16xf32>
      tpu.vector_store %arg9[%swap3A_274, %swap3A_275], %swap3A_278 {strides = array<i32>} : memref<128x128xf32, #tpu.memory_space<vmem>>, vector<1x16xf32>,
      %mul3A_279 = vector.broadcast %scan3A_40 : f32 to vector<16xf32>
      %mul3A_280 = arith.mulf %scan3A_232#6, %mul3A_279 : vector<16xf32>
      %swap3A_281 = arith.index_cast %add3A_237 : i32 to index
      %swap3A_282 = arith.constant 96 : index
      %swap3A_283 = tpu.vector_load %arg9[%swap3A_281, %swap3A_282] {strides = array<i32>} : memref<128x128xf32, #tpu.memory_space<vmem>>, vector<1x16xf32>,
      %swap3A_284 = vector.shape_cast %swap3A_283 : vector<1x16xf32> to vector<16xf32>
      %swap3A_285 = vector.shape_cast %mul3A_280 : vector<16xf32> to vector<1x16xf32>
      tpu.vector_store %arg9[%swap3A_281, %swap3A_282], %swap3A_285 {strides = array<i32>} : memref<128x128xf32, #tpu.memory_space<vmem>>, vector<1x16xf32>,
      %mul3A_286 = vector.broadcast %scan3A_40 : f32 to vector<16xf32>
      %mul3A_287 = arith.mulf %scan3A_232#7, %mul3A_286 : vector<16xf32>
      %swap3A_288 = arith.index_cast %add3A_237 : i32 to index
      %swap3A_289 = arith.constant 112 : index
      %swap3A_290 = tpu.vector_load %arg9[%swap3A_288, %swap3A_289] {strides = array<i32>} : memref<128x128xf32, #tpu.memory_space<vmem>>, vector<1x16xf32>,
      %swap3A_291 = vector.shape_cast %swap3A_290 : vector<1x16xf32> to vector<16xf32>
      %swap3A_292 = vector.shape_cast %mul3A_287 : vector<16xf32> to vector<1x16xf32>
      tpu.vector_store %arg9[%swap3A_288, %swap3A_289], %swap3A_292 {strides = array<i32>} : memref<128x128xf32, #tpu.memory_space<vmem>>, vector<1x16xf32>,
      %mul3A_293 = arith.constant 4 : i32
      %mul3A_294 = arith.muli %mul3A_53, %mul3A_293 : i32
      %add3A_295 = arith.constant 1 : i32
      %add3A_296 = arith.addi %mul3A_294, %add3A_295 : i32
      %mul3A_297 = vector.broadcast %scan3A_40 : f32 to vector<16xf32>
      %mul3A_298 = arith.mulf %scan3A_232#8, %mul3A_297 : vector<16xf32>
      %swap3A_299 = arith.index_cast %add3A_296 : i32 to index
      %swap3A_300 = arith.constant 0 : index
      %swap3A_301 = tpu.vector_load %arg9[%swap3A_299, %swap3A_300] {strides = array<i32>} : memref<128x128xf32, #tpu.memory_space<vmem>>, vector<1x16xf32>,
      %swap3A_302 = vector.shape_cast %swap3A_301 : vector<1x16xf32> to vector<16xf32>
      %swap3A_303 = vector.shape_cast %mul3A_298 : vector<16xf32> to vector<1x16xf32>
      tpu.vector_store %arg9[%swap3A_299, %swap3A_300], %swap3A_303 {strides = array<i32>} : memref<128x128xf32, #tpu.memory_space<vmem>>, vector<1x16xf32>,
      %mul3A_304 = vector.broadcast %scan3A_40 : f32 to vector<16xf32>
      %mul3A_305 = arith.mulf %scan3A_232#9, %mul3A_304 : vector<16xf32>
      %swap3A_306 = arith.index_cast %add3A_296 : i32 to index
      %swap3A_307 = arith.constant 16 : index
      %swap3A_308 = tpu.vector_load %arg9[%swap3A_306, %swap3A_307] {strides = array<i32>} : memref<128x128xf32, #tpu.memory_space<vmem>>, vector<1x16xf32>,
      %swap3A_309 = vector.shape_cast %swap3A_308 : vector<1x16xf32> to vector<16xf32>
      %swap3A_310 = vector.shape_cast %mul3A_305 : vector<16xf32> to vector<1x16xf32>
      tpu.vector_store %arg9[%swap3A_306, %swap3A_307], %swap3A_310 {strides = array<i32>} : memref<128x128xf32, #tpu.memory_space<vmem>>, vector<1x16xf32>,
      %mul3A_311 = vector.broadcast %scan3A_40 : f32 to vector<16xf32>
      %mul3A_312 = arith.mulf %scan3A_232#10, %mul3A_311 : vector<16xf32>
      %swap3A_313 = arith.index_cast %add3A_296 : i32 to index
      %swap3A_314 = arith.constant 32 : index
      %swap3A_315 = tpu.vector_load %arg9[%swap3A_313, %swap3A_314] {strides = array<i32>} : memref<128x128xf32, #tpu.memory_space<vmem>>, vector<1x16xf32>,
      %swap3A_316 = vector.shape_cast %swap3A_315 : vector<1x16xf32> to vector<16xf32>
      %swap3A_317 = vector.shape_cast %mul3A_312 : vector<16xf32> to vector<1x16xf32>
      tpu.vector_store %arg9[%swap3A_313, %swap3A_314], %swap3A_317 {strides = array<i32>} : memref<128x128xf32, #tpu.memory_space<vmem>>, vector<1x16xf32>,
      %mul3A_318 = vector.broadcast %scan3A_40 : f32 to vector<16xf32>
      %mul3A_319 = arith.mulf %scan3A_232#11, %mul3A_318 : vector<16xf32>
      %swap3A_320 = arith.index_cast %add3A_296 : i32 to index
      %swap3A_321 = arith.constant 48 : index
      %swap3A_322 = tpu.vector_load %arg9[%swap3A_320, %swap3A_321] {strides = array<i32>} : memref<128x128xf32, #tpu.memory_space<vmem>>, vector<1x16xf32>,
      %swap3A_323 = vector.shape_cast %swap3A_322 : vector<1x16xf32> to vector<16xf32>
      %swap3A_324 = vector.shape_cast %mul3A_319 : vector<16xf32> to vector<1x16xf32>
      tpu.vector_store %arg9[%swap3A_320, %swap3A_321], %swap3A_324 {strides = array<i32>} : memref<128x128xf32, #tpu.memory_space<vmem>>, vector<1x16xf32>,
      %mul3A_325 = vector.broadcast %scan3A_40 : f32 to vector<16xf32>
      %mul3A_326 = arith.mulf %scan3A_232#12, %mul3A_325 : vector<16xf32>
      %swap3A_327 = arith.index_cast %add3A_296 : i32 to index
      %swap3A_328 = arith.constant 64 : index
      %swap3A_329 = tpu.vector_load %arg9[%swap3A_327, %swap3A_328] {strides = array<i32>} : memref<128x128xf32, #tpu.memory_space<vmem>>, vector<1x16xf32>,
      %swap3A_330 = vector.shape_cast %swap3A_329 : vector<1x16xf32> to vector<16xf32>
      %swap3A_331 = vector.shape_cast %mul3A_326 : vector<16xf32> to vector<1x16xf32>
      tpu.vector_store %arg9[%swap3A_327, %swap3A_328], %swap3A_331 {strides = array<i32>} : memref<128x128xf32, #tpu.memory_space<vmem>>, vector<1x16xf32>,
      %mul3A_332 = vector.broadcast %scan3A_40 : f32 to vector<16xf32>
      %mul3A_333 = arith.mulf %scan3A_232#13, %mul3A_332 : vector<16xf32>
      %swap3A_334 = arith.index_cast %add3A_296 : i32 to index
      %swap3A_335 = arith.constant 80 : index
      %swap3A_336 = tpu.vector_load %arg9[%swap3A_334, %swap3A_335] {strides = array<i32>} : memref<128x128xf32, #tpu.memory_space<vmem>>, vector<1x16xf32>,
      %swap3A_337 = vector.shape_cast %swap3A_336 : vector<1x16xf32> to vector<16xf32>
      %swap3A_338 = vector.shape_cast %mul3A_333 : vector<16xf32> to vector<1x16xf32>
      tpu.vector_store %arg9[%swap3A_334, %swap3A_335], %swap3A_338 {strides = array<i32>} : memref<128x128xf32, #tpu.memory_space<vmem>>, vector<1x16xf32>,
      %mul3A_339 = vector.broadcast %scan3A_40 : f32 to vector<16xf32>
      %mul3A_340 = arith.mulf %scan3A_232#14, %mul3A_339 : vector<16xf32>
      %swap3A_341 = arith.index_cast %add3A_296 : i32 to index
      %swap3A_342 = arith.constant 96 : index
      %swap3A_343 = tpu.vector_load %arg9[%swap3A_341, %swap3A_342] {strides = array<i32>} : memref<128x128xf32, #tpu.memory_space<vmem>>, vector<1x16xf32>,
      %swap3A_344 = vector.shape_cast %swap3A_343 : vector<1x16xf32> to vector<16xf32>
      %swap3A_345 = vector.shape_cast %mul3A_340 : vector<16xf32> to vector<1x16xf32>
      tpu.vector_store %arg9[%swap3A_341, %swap3A_342], %swap3A_345 {strides = array<i32>} : memref<128x128xf32, #tpu.memory_space<vmem>>, vector<1x16xf32>,
      %mul3A_346 = vector.broadcast %scan3A_40 : f32 to vector<16xf32>
      %mul3A_347 = arith.mulf %scan3A_232#15, %mul3A_346 : vector<16xf32>
      %swap3A_348 = arith.index_cast %add3A_296 : i32 to index
      %swap3A_349 = arith.constant 112 : index
      %swap3A_350 = tpu.vector_load %arg9[%swap3A_348, %swap3A_349] {strides = array<i32>} : memref<128x128xf32, #tpu.memory_space<vmem>>, vector<1x16xf32>,
      %swap3A_351 = vector.shape_cast %swap3A_350 : vector<1x16xf32> to vector<16xf32>
      %swap3A_352 = vector.shape_cast %mul3A_347 : vector<16xf32> to vector<1x16xf32>
      tpu.vector_store %arg9[%swap3A_348, %swap3A_349], %swap3A_352 {strides = array<i32>} : memref<128x128xf32, #tpu.memory_space<vmem>>, vector<1x16xf32>,
      %mul3A_353 = arith.constant 4 : i32
      %mul3A_354 = arith.muli %mul3A_53, %mul3A_353 : i32
      %add3A_355 = arith.constant 2 : i32
      %add3A_356 = arith.addi %mul3A_354, %add3A_355 : i32
      %mul3A_357 = vector.broadcast %scan3A_40 : f32 to vector<16xf32>
      %mul3A_358 = arith.mulf %scan3A_232#16, %mul3A_357 : vector<16xf32>
      %swap3A_359 = arith.index_cast %add3A_356 : i32 to index
      %swap3A_360 = arith.constant 0 : index
      %swap3A_361 = tpu.vector_load %arg9[%swap3A_359, %swap3A_360] {strides = array<i32>} : memref<128x128xf32, #tpu.memory_space<vmem>>, vector<1x16xf32>,
      %swap3A_362 = vector.shape_cast %swap3A_361 : vector<1x16xf32> to vector<16xf32>
      %swap3A_363 = vector.shape_cast %mul3A_358 : vector<16xf32> to vector<1x16xf32>
      tpu.vector_store %arg9[%swap3A_359, %swap3A_360], %swap3A_363 {strides = array<i32>} : memref<128x128xf32, #tpu.memory_space<vmem>>, vector<1x16xf32>,
      %mul3A_364 = vector.broadcast %scan3A_40 : f32 to vector<16xf32>
      %mul3A_365 = arith.mulf %scan3A_232#17, %mul3A_364 : vector<16xf32>
      %swap3A_366 = arith.index_cast %add3A_356 : i32 to index
      %swap3A_367 = arith.constant 16 : index
      %swap3A_368 = tpu.vector_load %arg9[%swap3A_366, %swap3A_367] {strides = array<i32>} : memref<128x128xf32, #tpu.memory_space<vmem>>, vector<1x16xf32>,
      %swap3A_369 = vector.shape_cast %swap3A_368 : vector<1x16xf32> to vector<16xf32>
      %swap3A_370 = vector.shape_cast %mul3A_365 : vector<16xf32> to vector<1x16xf32>
      tpu.vector_store %arg9[%swap3A_366, %swap3A_367], %swap3A_370 {strides = array<i32>} : memref<128x128xf32, #tpu.memory_space<vmem>>, vector<1x16xf32>,
      %mul3A_371 = vector.broadcast %scan3A_40 : f32 to vector<16xf32>
      %mul3A_372 = arith.mulf %scan3A_232#18, %mul3A_371 : vector<16xf32>
      %swap3A_373 = arith.index_cast %add3A_356 : i32 to index
      %swap3A_374 = arith.constant 32 : index
      %swap3A_375 = tpu.vector_load %arg9[%swap3A_373, %swap3A_374] {strides = array<i32>} : memref<128x128xf32, #tpu.memory_space<vmem>>, vector<1x16xf32>,
      %swap3A_376 = vector.shape_cast %swap3A_375 : vector<1x16xf32> to vector<16xf32>
      %swap3A_377 = vector.shape_cast %mul3A_372 : vector<16xf32> to vector<1x16xf32>
      tpu.vector_store %arg9[%swap3A_373, %swap3A_374], %swap3A_377 {strides = array<i32>} : memref<128x128xf32, #tpu.memory_space<vmem>>, vector<1x16xf32>,
      %mul3A_378 = vector.broadcast %scan3A_40 : f32 to vector<16xf32>
      %mul3A_379 = arith.mulf %scan3A_232#19, %mul3A_378 : vector<16xf32>
      %swap3A_380 = arith.index_cast %add3A_356 : i32 to index
      %swap3A_381 = arith.constant 48 : index
      %swap3A_382 = tpu.vector_load %arg9[%swap3A_380, %swap3A_381] {strides = array<i32>} : memref<128x128xf32, #tpu.memory_space<vmem>>, vector<1x16xf32>,
      %swap3A_383 = vector.shape_cast %swap3A_382 : vector<1x16xf32> to vector<16xf32>
      %swap3A_384 = vector.shape_cast %mul3A_379 : vector<16xf32> to vector<1x16xf32>
      tpu.vector_store %arg9[%swap3A_380, %swap3A_381], %swap3A_384 {strides = array<i32>} : memref<128x128xf32, #tpu.memory_space<vmem>>, vector<1x16xf32>,
      %mul3A_385 = vector.broadcast %scan3A_40 : f32 to vector<16xf32>
      %mul3A_386 = arith.mulf %scan3A_232#20, %mul3A_385 : vector<16xf32>
      %swap3A_387 = arith.index_cast %add3A_356 : i32 to index
      %swap3A_388 = arith.constant 64 : index
      %swap3A_389 = tpu.vector_load %arg9[%swap3A_387, %swap3A_388] {strides = array<i32>} : memref<128x128xf32, #tpu.memory_space<vmem>>, vector<1x16xf32>,
      %swap3A_390 = vector.shape_cast %swap3A_389 : vector<1x16xf32> to vector<16xf32>
      %swap3A_391 = vector.shape_cast %mul3A_386 : vector<16xf32> to vector<1x16xf32>
      tpu.vector_store %arg9[%swap3A_387, %swap3A_388], %swap3A_391 {strides = array<i32>} : memref<128x128xf32, #tpu.memory_space<vmem>>, vector<1x16xf32>,
      %mul3A_392 = vector.broadcast %scan3A_40 : f32 to vector<16xf32>
      %mul3A_393 = arith.mulf %scan3A_232#21, %mul3A_392 : vector<16xf32>
      %swap3A_394 = arith.index_cast %add3A_356 : i32 to index
      %swap3A_395 = arith.constant 80 : index
      %swap3A_396 = tpu.vector_load %arg9[%swap3A_394, %swap3A_395] {strides = array<i32>} : memref<128x128xf32, #tpu.memory_space<vmem>>, vector<1x16xf32>,
      %swap3A_397 = vector.shape_cast %swap3A_396 : vector<1x16xf32> to vector<16xf32>
      %swap3A_398 = vector.shape_cast %mul3A_393 : vector<16xf32> to vector<1x16xf32>
      tpu.vector_store %arg9[%swap3A_394, %swap3A_395], %swap3A_398 {strides = array<i32>} : memref<128x128xf32, #tpu.memory_space<vmem>>, vector<1x16xf32>,
      %mul3A_399 = vector.broadcast %scan3A_40 : f32 to vector<16xf32>
      %mul3A_400 = arith.mulf %scan3A_232#22, %mul3A_399 : vector<16xf32>
      %swap3A_401 = arith.index_cast %add3A_356 : i32 to index
      %swap3A_402 = arith.constant 96 : index
      %swap3A_403 = tpu.vector_load %arg9[%swap3A_401, %swap3A_402] {strides = array<i32>} : memref<128x128xf32, #tpu.memory_space<vmem>>, vector<1x16xf32>,
      %swap3A_404 = vector.shape_cast %swap3A_403 : vector<1x16xf32> to vector<16xf32>
      %swap3A_405 = vector.shape_cast %mul3A_400 : vector<16xf32> to vector<1x16xf32>
      tpu.vector_store %arg9[%swap3A_401, %swap3A_402], %swap3A_405 {strides = array<i32>} : memref<128x128xf32, #tpu.memory_space<vmem>>, vector<1x16xf32>,
      %mul3A_406 = vector.broadcast %scan3A_40 : f32 to vector<16xf32>
      %mul3A_407 = arith.mulf %scan3A_232#23, %mul3A_406 : vector<16xf32>
      %swap3A_408 = arith.index_cast %add3A_356 : i32 to index
      %swap3A_409 = arith.constant 112 : index
      %swap3A_410 = tpu.vector_load %arg9[%swap3A_408, %swap3A_409] {strides = array<i32>} : memref<128x128xf32, #tpu.memory_space<vmem>>, vector<1x16xf32>,
      %swap3A_411 = vector.shape_cast %swap3A_410 : vector<1x16xf32> to vector<16xf32>
      %swap3A_412 = vector.shape_cast %mul3A_407 : vector<16xf32> to vector<1x16xf32>
      tpu.vector_store %arg9[%swap3A_408, %swap3A_409], %swap3A_412 {strides = array<i32>} : memref<128x128xf32, #tpu.memory_space<vmem>>, vector<1x16xf32>,
      %mul3A_413 = arith.constant 4 : i32
      %mul3A_414 = arith.muli %mul3A_53, %mul3A_413 : i32
      %add3A_415 = arith.constant 3 : i32
      %add3A_416 = arith.addi %mul3A_414, %add3A_415 : i32
      %mul3A_417 = vector.broadcast %scan3A_40 : f32 to vector<16xf32>
      %mul3A_418 = arith.mulf %scan3A_232#24, %mul3A_417 : vector<16xf32>
      %swap3A_419 = arith.index_cast %add3A_416 : i32 to index
      %swap3A_420 = arith.constant 0 : index
      %swap3A_421 = tpu.vector_load %arg9[%swap3A_419, %swap3A_420] {strides = array<i32>} : memref<128x128xf32, #tpu.memory_space<vmem>>, vector<1x16xf32>,
      %swap3A_422 = vector.shape_cast %swap3A_421 : vector<1x16xf32> to vector<16xf32>
      %swap3A_423 = vector.shape_cast %mul3A_418 : vector<16xf32> to vector<1x16xf32>
      tpu.vector_store %arg9[%swap3A_419, %swap3A_420], %swap3A_423 {strides = array<i32>} : memref<128x128xf32, #tpu.memory_space<vmem>>, vector<1x16xf32>,
      %mul3A_424 = vector.broadcast %scan3A_40 : f32 to vector<16xf32>
      %mul3A_425 = arith.mulf %scan3A_232#25, %mul3A_424 : vector<16xf32>
      %swap3A_426 = arith.index_cast %add3A_416 : i32 to index
      %swap3A_427 = arith.constant 16 : index
      %swap3A_428 = tpu.vector_load %arg9[%swap3A_426, %swap3A_427] {strides = array<i32>} : memref<128x128xf32, #tpu.memory_space<vmem>>, vector<1x16xf32>,
      %swap3A_429 = vector.shape_cast %swap3A_428 : vector<1x16xf32> to vector<16xf32>
      %swap3A_430 = vector.shape_cast %mul3A_425 : vector<16xf32> to vector<1x16xf32>
      tpu.vector_store %arg9[%swap3A_426, %swap3A_427], %swap3A_430 {strides = array<i32>} : memref<128x128xf32, #tpu.memory_space<vmem>>, vector<1x16xf32>,
      %mul3A_431 = vector.broadcast %scan3A_40 : f32 to vector<16xf32>
      %mul3A_432 = arith.mulf %scan3A_232#26, %mul3A_431 : vector<16xf32>
      %swap3A_433 = arith.index_cast %add3A_416 : i32 to index
      %swap3A_434 = arith.constant 32 : index
      %swap3A_435 = tpu.vector_load %arg9[%swap3A_433, %swap3A_434] {strides = array<i32>} : memref<128x128xf32, #tpu.memory_space<vmem>>, vector<1x16xf32>,
      %swap3A_436 = vector.shape_cast %swap3A_435 : vector<1x16xf32> to vector<16xf32>
      %swap3A_437 = vector.shape_cast %mul3A_432 : vector<16xf32> to vector<1x16xf32>
      tpu.vector_store %arg9[%swap3A_433, %swap3A_434], %swap3A_437 {strides = array<i32>} : memref<128x128xf32, #tpu.memory_space<vmem>>, vector<1x16xf32>,
      %mul3A_438 = vector.broadcast %scan3A_40 : f32 to vector<16xf32>
      %mul3A_439 = arith.mulf %scan3A_232#27, %mul3A_438 : vector<16xf32>
      %swap3A_440 = arith.index_cast %add3A_416 : i32 to index
      %swap3A_441 = arith.constant 48 : index
      %swap3A_442 = tpu.vector_load %arg9[%swap3A_440, %swap3A_441] {strides = array<i32>} : memref<128x128xf32, #tpu.memory_space<vmem>>, vector<1x16xf32>,
      %swap3A_443 = vector.shape_cast %swap3A_442 : vector<1x16xf32> to vector<16xf32>
      %swap3A_444 = vector.shape_cast %mul3A_439 : vector<16xf32> to vector<1x16xf32>
      tpu.vector_store %arg9[%swap3A_440, %swap3A_441], %swap3A_444 {strides = array<i32>} : memref<128x128xf32, #tpu.memory_space<vmem>>, vector<1x16xf32>,
      %mul3A_445 = vector.broadcast %scan3A_40 : f32 to vector<16xf32>
      %mul3A_446 = arith.mulf %scan3A_232#28, %mul3A_445 : vector<16xf32>
      %swap3A_447 = arith.index_cast %add3A_416 : i32 to index
      %swap3A_448 = arith.constant 64 : index
      %swap3A_449 = tpu.vector_load %arg9[%swap3A_447, %swap3A_448] {strides = array<i32>} : memref<128x128xf32, #tpu.memory_space<vmem>>, vector<1x16xf32>,
      %swap3A_450 = vector.shape_cast %swap3A_449 : vector<1x16xf32> to vector<16xf32>
      %swap3A_451 = vector.shape_cast %mul3A_446 : vector<16xf32> to vector<1x16xf32>
      tpu.vector_store %arg9[%swap3A_447, %swap3A_448], %swap3A_451 {strides = array<i32>} : memref<128x128xf32, #tpu.memory_space<vmem>>, vector<1x16xf32>,
      %mul3A_452 = vector.broadcast %scan3A_40 : f32 to vector<16xf32>
      %mul3A_453 = arith.mulf %scan3A_232#29, %mul3A_452 : vector<16xf32>
      %swap3A_454 = arith.index_cast %add3A_416 : i32 to index
      %swap3A_455 = arith.constant 80 : index
      %swap3A_456 = tpu.vector_load %arg9[%swap3A_454, %swap3A_455] {strides = array<i32>} : memref<128x128xf32, #tpu.memory_space<vmem>>, vector<1x16xf32>,
      %swap3A_457 = vector.shape_cast %swap3A_456 : vector<1x16xf32> to vector<16xf32>
      %swap3A_458 = vector.shape_cast %mul3A_453 : vector<16xf32> to vector<1x16xf32>
      tpu.vector_store %arg9[%swap3A_454, %swap3A_455], %swap3A_458 {strides = array<i32>} : memref<128x128xf32, #tpu.memory_space<vmem>>, vector<1x16xf32>,
      %mul3A_459 = vector.broadcast %scan3A_40 : f32 to vector<16xf32>
      %mul3A_460 = arith.mulf %scan3A_232#30, %mul3A_459 : vector<16xf32>
      %swap3A_461 = arith.index_cast %add3A_416 : i32 to index
      %swap3A_462 = arith.constant 96 : index
      %swap3A_463 = tpu.vector_load %arg9[%swap3A_461, %swap3A_462] {strides = array<i32>} : memref<128x128xf32, #tpu.memory_space<vmem>>, vector<1x16xf32>,
      %swap3A_464 = vector.shape_cast %swap3A_463 : vector<1x16xf32> to vector<16xf32>
      %swap3A_465 = vector.shape_cast %mul3A_460 : vector<16xf32> to vector<1x16xf32>
      tpu.vector_store %arg9[%swap3A_461, %swap3A_462], %swap3A_465 {strides = array<i32>} : memref<128x128xf32, #tpu.memory_space<vmem>>, vector<1x16xf32>,
      %mul3A_466 = vector.broadcast %scan3A_40 : f32 to vector<16xf32>
      %mul3A_467 = arith.mulf %scan3A_232#31, %mul3A_466 : vector<16xf32>
      %swap3A_468 = arith.index_cast %add3A_416 : i32 to index
      %swap3A_469 = arith.constant 112 : index
      %swap3A_470 = tpu.vector_load %arg9[%swap3A_468, %swap3A_469] {strides = array<i32>} : memref<128x128xf32, #tpu.memory_space<vmem>>, vector<1x16xf32>,
      %swap3A_471 = vector.shape_cast %swap3A_470 : vector<1x16xf32> to vector<16xf32>
      %swap3A_472 = vector.shape_cast %mul3A_467 : vector<16xf32> to vector<1x16xf32>
      tpu.vector_store %arg9[%swap3A_468, %swap3A_469], %swap3A_472 {strides = array<i32>} : memref<128x128xf32, #tpu.memory_space<vmem>>, vector<1x16xf32>,
      %add3A_473 = arith.constant 1 : i32
      %add3A_474 = arith.addi %mul3A_53, %add3A_473 : i32
      %mul3A_475 = arith.constant 200 : i32
      %mul3A_476 = arith.muli %add3A_474, %mul3A_475 : i32
      %multiple_of3A_477 = tpu.assume_multiple %mul3A_476, 8 : i32
      %add3A_478 = arith.constant 0 : i32
      %add3A_479 = arith.addi %multiple_of3A_477, %add3A_478 : i32
      %dma_wait3A_480 = arith.constant 0 : i32
      %dma_wait3A_481 = arith.constant 0 : i32
      %dma_wait3A_482 = tpu.memref_slice %arg8[%dma_wait3A_480, %dma_wait3A_481] : memref<200x128xf32, #tpu.memory_space<vmem>> -> memref<56x128xf32, #tpu.memory_space<vmem>>
      %dma_wait3A_483 = tpu.memref_slice %arg6[%add3A_479] : memref<6400xi32, #tpu.memory_space<vmem>> -> memref<56xi32, #tpu.memory_space<vmem>>
      %dma_wait3A_484 = arith.constant 0 : i32
      %dma_wait3A_485 = arith.constant 0 : i32
      %dma_wait3A_486 = tpu.memref_slice %arg3[%dma_wait3A_484, %dma_wait3A_485] : memref<100001x128xf32, #tpu.memory_space<hbm>> -> memref<100001x128xf32, #tpu.memory_space<hbm>>
      tpu.wait_indirect_dma semaphore(%arg12 : memref<!tpu.dma_semaphore, #tpu.memory_space<semaphore_mem>>) src(%dma_wait3A_486 : memref<100001x128xf32, #tpu.memory_space<hbm>>) dst(%dma_wait3A_482 : memref<56x128xf32, #tpu.memory_space<vmem>>)
      %add3A_487 = arith.constant 56 : i32
      %add3A_488 = arith.addi %multiple_of3A_477, %add3A_487 : i32
      %dma_wait3A_489 = arith.constant 56 : i32
      %dma_wait3A_490 = arith.constant 0 : i32
      %dma_wait3A_491 = tpu.memref_slice %arg8[%dma_wait3A_489, %dma_wait3A_490] : memref<200x128xf32, #tpu.memory_space<vmem>> -> memref<48x128xf32, #tpu.memory_space<vmem>>
      %dma_wait3A_492 = tpu.memref_slice %arg6[%add3A_488] : memref<6400xi32, #tpu.memory_space<vmem>> -> memref<48xi32, #tpu.memory_space<vmem>>
      %dma_wait3A_493 = arith.constant 0 : i32
      %dma_wait3A_494 = arith.constant 0 : i32
      %dma_wait3A_495 = tpu.memref_slice %arg3[%dma_wait3A_493, %dma_wait3A_494] : memref<100001x128xf32, #tpu.memory_space<hbm>> -> memref<100001x128xf32, #tpu.memory_space<hbm>>
      tpu.wait_indirect_dma semaphore(%arg12 : memref<!tpu.dma_semaphore, #tpu.memory_space<semaphore_mem>>) src(%dma_wait3A_495 : memref<100001x128xf32, #tpu.memory_space<hbm>>) dst(%dma_wait3A_491 : memref<48x128xf32, #tpu.memory_space<vmem>>)
      %add3A_496 = arith.constant 104 : i32
      %add3A_497 = arith.addi %multiple_of3A_477, %add3A_496 : i32
      %dma_wait3A_498 = arith.constant 104 : i32
      %dma_wait3A_499 = arith.constant 0 : i32
      %dma_wait3A_500 = tpu.memref_slice %arg8[%dma_wait3A_498, %dma_wait3A_499] : memref<200x128xf32, #tpu.memory_space<vmem>> -> memref<56x128xf32, #tpu.memory_space<vmem>>
      %dma_wait3A_501 = tpu.memref_slice %arg6[%add3A_497] : memref<6400xi32, #tpu.memory_space<vmem>> -> memref<56xi32, #tpu.memory_space<vmem>>
      %dma_wait3A_502 = arith.constant 0 : i32
      %dma_wait3A_503 = arith.constant 0 : i32
      %dma_wait3A_504 = tpu.memref_slice %arg3[%dma_wait3A_502, %dma_wait3A_503] : memref<100001x128xf32, #tpu.memory_space<hbm>> -> memref<100001x128xf32, #tpu.memory_space<hbm>>
      tpu.wait_indirect_dma semaphore(%arg12 : memref<!tpu.dma_semaphore, #tpu.memory_space<semaphore_mem>>) src(%dma_wait3A_504 : memref<100001x128xf32, #tpu.memory_space<hbm>>) dst(%dma_wait3A_500 : memref<56x128xf32, #tpu.memory_space<vmem>>)
      %add3A_505 = arith.constant 160 : i32
      %add3A_506 = arith.addi %multiple_of3A_477, %add3A_505 : i32
      %dma_wait3A_507 = arith.constant 160 : i32
      %dma_wait3A_508 = arith.constant 0 : i32
      %dma_wait3A_509 = tpu.memref_slice %arg8[%dma_wait3A_507, %dma_wait3A_508] : memref<200x128xf32, #tpu.memory_space<vmem>> -> memref<40x128xf32, #tpu.memory_space<vmem>>
      %dma_wait3A_510 = tpu.memref_slice %arg6[%add3A_506] : memref<6400xi32, #tpu.memory_space<vmem>> -> memref<40xi32, #tpu.memory_space<vmem>>
      %dma_wait3A_511 = arith.constant 0 : i32
      %dma_wait3A_512 = arith.constant 0 : i32
      %dma_wait3A_513 = tpu.memref_slice %arg3[%dma_wait3A_511, %dma_wait3A_512] : memref<100001x128xf32, #tpu.memory_space<hbm>> -> memref<100001x128xf32, #tpu.memory_space<hbm>>
      tpu.wait_indirect_dma semaphore(%arg12 : memref<!tpu.dma_semaphore, #tpu.memory_space<semaphore_mem>>) src(%dma_wait3A_513 : memref<100001x128xf32, #tpu.memory_space<hbm>>) dst(%dma_wait3A_509 : memref<40x128xf32, #tpu.memory_space<vmem>>)
      %lt3A_514 = arith.constant 15 : i32
      %lt3A_515 = arith.cmpi slt, %scan3A_51, %lt3A_514 : i32
      %convert_element_type3A_516 = arith.extui %lt3A_515 : i1 to i32
      %cond3A_517 = arith.constant 0 : i32
      %cond3A_518 = arith.cmpi ne, %convert_element_type3A_516, %cond3A_517 : i32
      scf.if %cond3A_518 {
        %add3A_841 = arith.constant 2 : i32
        %add3A_842 = arith.addi %mul3A_53, %add3A_841 : i32
        %mul3A_843 = arith.constant 200 : i32
        %mul3A_844 = arith.muli %add3A_842, %mul3A_843 : i32
        %multiple_of3A_845 = tpu.assume_multiple %mul3A_844, 8 : i32
        %add3A_846 = arith.constant 0 : i32
        %add3A_847 = arith.addi %multiple_of3A_845, %add3A_846 : i32
        %dma_start3A_848 = arith.constant 0 : i32
        %dma_start3A_849 = arith.constant 0 : i32
        %dma_start3A_850 = tpu.memref_slice %arg7[%dma_start3A_848, %dma_start3A_849] : memref<200x128xf32, #tpu.memory_space<vmem>> -> memref<56x128xf32, #tpu.memory_space<vmem>>
        %dma_start3A_851 = tpu.memref_slice %arg6[%add3A_847] : memref<6400xi32, #tpu.memory_space<vmem>> -> memref<56xi32, #tpu.memory_space<vmem>>
        %dma_start3A_852 = arith.constant 0 : i32
        %dma_start3A_853 = arith.constant 0 : i32
        %dma_start3A_854 = tpu.memref_slice %arg3[%dma_start3A_852, %dma_start3A_853] : memref<100001x128xf32, #tpu.memory_space<hbm>> -> memref<100001x128xf32, #tpu.memory_space<hbm>>
        tpu.enqueue_indirect_dma source(%dma_start3A_854 : memref<100001x128xf32, #tpu.memory_space<hbm>>) target(%dma_start3A_850 : memref<56x128xf32, #tpu.memory_space<vmem>>) offsets(%dma_start3A_851 : memref<56xi32, #tpu.memory_space<vmem>>) semaphore(%arg11 : memref<!tpu.dma_semaphore, #tpu.memory_space<semaphore_mem>>)
        %add3A_855 = arith.constant 56 : i32
        %add3A_856 = arith.addi %multiple_of3A_845, %add3A_855 : i32
        %dma_start3A_857 = arith.constant 56 : i32
        %dma_start3A_858 = arith.constant 0 : i32
        %dma_start3A_859 = tpu.memref_slice %arg7[%dma_start3A_857, %dma_start3A_858] : memref<200x128xf32, #tpu.memory_space<vmem>> -> memref<48x128xf32, #tpu.memory_space<vmem>>
        %dma_start3A_860 = tpu.memref_slice %arg6[%add3A_856] : memref<6400xi32, #tpu.memory_space<vmem>> -> memref<48xi32, #tpu.memory_space<vmem>>
        %dma_start3A_861 = arith.constant 0 : i32
        %dma_start3A_862 = arith.constant 0 : i32
        %dma_start3A_863 = tpu.memref_slice %arg3[%dma_start3A_861, %dma_start3A_862] : memref<100001x128xf32, #tpu.memory_space<hbm>> -> memref<100001x128xf32, #tpu.memory_space<hbm>>
        tpu.enqueue_indirect_dma source(%dma_start3A_863 : memref<100001x128xf32, #tpu.memory_space<hbm>>) target(%dma_start3A_859 : memref<48x128xf32, #tpu.memory_space<vmem>>) offsets(%dma_start3A_860 : memref<48xi32, #tpu.memory_space<vmem>>) semaphore(%arg11 : memref<!tpu.dma_semaphore, #tpu.memory_space<semaphore_mem>>)
        %add3A_864 = arith.constant 104 : i32
        %add3A_865 = arith.addi %multiple_of3A_845, %add3A_864 : i32
        %dma_start3A_866 = arith.constant 104 : i32
        %dma_start3A_867 = arith.constant 0 : i32
        %dma_start3A_868 = tpu.memref_slice %arg7[%dma_start3A_866, %dma_start3A_867] : memref<200x128xf32, #tpu.memory_space<vmem>> -> memref<56x128xf32, #tpu.memory_space<vmem>>
        %dma_start3A_869 = tpu.memref_slice %arg6[%add3A_865] : memref<6400xi32, #tpu.memory_space<vmem>> -> memref<56xi32, #tpu.memory_space<vmem>>
        %dma_start3A_870 = arith.constant 0 : i32
        %dma_start3A_871 = arith.constant 0 : i32
        %dma_start3A_872 = tpu.memref_slice %arg3[%dma_start3A_870, %dma_start3A_871] : memref<100001x128xf32, #tpu.memory_space<hbm>> -> memref<100001x128xf32, #tpu.memory_space<hbm>>
        tpu.enqueue_indirect_dma source(%dma_start3A_872 : memref<100001x128xf32, #tpu.memory_space<hbm>>) target(%dma_start3A_868 : memref<56x128xf32, #tpu.memory_space<vmem>>) offsets(%dma_start3A_869 : memref<56xi32, #tpu.memory_space<vmem>>) semaphore(%arg11 : memref<!tpu.dma_semaphore, #tpu.memory_space<semaphore_mem>>)
        %add3A_873 = arith.constant 160 : i32
        %add3A_874 = arith.addi %multiple_of3A_845, %add3A_873 : i32
        %dma_start3A_875 = arith.constant 160 : i32
        %dma_start3A_876 = arith.constant 0 : i32
        %dma_start3A_877 = tpu.memref_slice %arg7[%dma_start3A_875, %dma_start3A_876] : memref<200x128xf32, #tpu.memory_space<vmem>> -> memref<40x128xf32, #tpu.memory_space<vmem>>
        %dma_start3A_878 = tpu.memref_slice %arg6[%add3A_874] : memref<6400xi32, #tpu.memory_space<vmem>> -> memref<40xi32, #tpu.memory_space<vmem>>
        %dma_start3A_879 = arith.constant 0 : i32
        %dma_start3A_880 = arith.constant 0 : i32
        %dma_start3A_881 = tpu.memref_slice %arg3[%dma_start3A_879, %dma_start3A_880] : memref<100001x128xf32, #tpu.memory_space<hbm>> -> memref<100001x128xf32, #tpu.memory_space<hbm>>
        tpu.enqueue_indirect_dma source(%dma_start3A_881 : memref<100001x128xf32, #tpu.memory_space<hbm>>) target(%dma_start3A_877 : memref<40x128xf32, #tpu.memory_space<vmem>>) offsets(%dma_start3A_878 : memref<40xi32, #tpu.memory_space<vmem>>) semaphore(%arg11 : memref<!tpu.dma_semaphore, #tpu.memory_space<semaphore_mem>>)
      } else {
      }
      %add3A_519 = arith.constant 1 : i32
      %add3A_520 = arith.addi %mul3A_53, %add3A_519 : i32
      %broadcast_in_dim3A_521 = arith.constant 0.000000e+00 : f32
      %broadcast_in_dim3A_522 = vector.broadcast %broadcast_in_dim3A_521 : f32 to vector<16xf32>
      %broadcast_in_dim3A_523 = arith.constant 0.000000e+00 : f32
      %broadcast_in_dim3A_524 = vector.broadcast %broadcast_in_dim3A_523 : f32 to vector<16xf32>
      %broadcast_in_dim3A_525 = arith.constant 0.000000e+00 : f32
      %broadcast_in_dim3A_526 = vector.broadcast %broadcast_in_dim3A_525 : f32 to vector<16xf32>
      %broadcast_in_dim3A_527 = arith.constant 0.000000e+00 : f32
      %broadcast_in_dim3A_528 = vector.broadcast %broadcast_in_dim3A_527 : f32 to vector<16xf32>
      %broadcast_in_dim3A_529 = arith.constant 0.000000e+00 : f32
      %broadcast_in_dim3A_530 = vector.broadcast %broadcast_in_dim3A_529 : f32 to vector<16xf32>
      %broadcast_in_dim3A_531 = arith.constant 0.000000e+00 : f32
      %broadcast_in_dim3A_532 = vector.broadcast %broadcast_in_dim3A_531 : f32 to vector<16xf32>
      %broadcast_in_dim3A_533 = arith.constant 0.000000e+00 : f32
      %broadcast_in_dim3A_534 = vector.broadcast %broadcast_in_dim3A_533 : f32 to vector<16xf32>
      %broadcast_in_dim3A_535 = arith.constant 0.000000e+00 : f32
      %broadcast_in_dim3A_536 = vector.broadcast %broadcast_in_dim3A_535 : f32 to vector<16xf32>
      %broadcast_in_dim3A_537 = arith.constant 0.000000e+00 : f32
      %broadcast_in_dim3A_538 = vector.broadcast %broadcast_in_dim3A_537 : f32 to vector<16xf32>
      %broadcast_in_dim3A_539 = arith.constant 0.000000e+00 : f32
      %broadcast_in_dim3A_540 = vector.broadcast %broadcast_in_dim3A_539 : f32 to vector<16xf32>
      %broadcast_in_dim3A_541 = arith.constant 0.000000e+00 : f32
      %broadcast_in_dim3A_542 = vector.broadcast %broadcast_in_dim3A_541 : f32 to vector<16xf32>
      %broadcast_in_dim3A_543 = arith.constant 0.000000e+00 : f32
      %broadcast_in_dim3A_544 = vector.broadcast %broadcast_in_dim3A_543 : f32 to vector<16xf32>
      %broadcast_in_dim3A_545 = arith.constant 0.000000e+00 : f32
      %broadcast_in_dim3A_546 = vector.broadcast %broadcast_in_dim3A_545 : f32 to vector<16xf32>
      %broadcast_in_dim3A_547 = arith.constant 0.000000e+00 : f32
      %broadcast_in_dim3A_548 = vector.broadcast %broadcast_in_dim3A_547 : f32 to vector<16xf32>
      %broadcast_in_dim3A_549 = arith.constant 0.000000e+00 : f32
      %broadcast_in_dim3A_550 = vector.broadcast %broadcast_in_dim3A_549 : f32 to vector<16xf32>
      %broadcast_in_dim3A_551 = arith.constant 0.000000e+00 : f32
      %broadcast_in_dim3A_552 = vector.broadcast %broadcast_in_dim3A_551 : f32 to vector<16xf32>
      %broadcast_in_dim3A_553 = arith.constant 0.000000e+00 : f32
      %broadcast_in_dim3A_554 = vector.broadcast %broadcast_in_dim3A_553 : f32 to vector<16xf32>
      %broadcast_in_dim3A_555 = arith.constant 0.000000e+00 : f32
      %broadcast_in_dim3A_556 = vector.broadcast %broadcast_in_dim3A_555 : f32 to vector<16xf32>
      %broadcast_in_dim3A_557 = arith.constant 0.000000e+00 : f32
      %broadcast_in_dim3A_558 = vector.broadcast %broadcast_in_dim3A_557 : f32 to vector<16xf32>
      %broadcast_in_dim3A_559 = arith.constant 0.000000e+00 : f32
      %broadcast_in_dim3A_560 = vector.broadcast %broadcast_in_dim3A_559 : f32 to vector<16xf32>
      %broadcast_in_dim3A_561 = arith.constant 0.000000e+00 : f32
      %broadcast_in_dim3A_562 = vector.broadcast %broadcast_in_dim3A_561 : f32 to vector<16xf32>
      %broadcast_in_dim3A_563 = arith.constant 0.000000e+00 : f32
      %broadcast_in_dim3A_564 = vector.broadcast %broadcast_in_dim3A_563 : f32 to vector<16xf32>
      %broadcast_in_dim3A_565 = arith.constant 0.000000e+00 : f32
      %broadcast_in_dim3A_566 = vector.broadcast %broadcast_in_dim3A_565 : f32 to vector<16xf32>
      %broadcast_in_dim3A_567 = arith.constant 0.000000e+00 : f32
      %broadcast_in_dim3A_568 = vector.broadcast %broadcast_in_dim3A_567 : f32 to vector<16xf32>
      %broadcast_in_dim3A_569 = arith.constant 0.000000e+00 : f32
      %broadcast_in_dim3A_570 = vector.broadcast %broadcast_in_dim3A_569 : f32 to vector<16xf32>
      %broadcast_in_dim3A_571 = arith.constant 0.000000e+00 : f32
      %broadcast_in_dim3A_572 = vector.broadcast %broadcast_in_dim3A_571 : f32 to vector<16xf32>
      %broadcast_in_dim3A_573 = arith.constant 0.000000e+00 : f32
      %broadcast_in_dim3A_574 = vector.broadcast %broadcast_in_dim3A_573 : f32 to vector<16xf32>
      %broadcast_in_dim3A_575 = arith.constant 0.000000e+00 : f32
      %broadcast_in_dim3A_576 = vector.broadcast %broadcast_in_dim3A_575 : f32 to vector<16xf32>
      %broadcast_in_dim3A_577 = arith.constant 0.000000e+00 : f32
      %broadcast_in_dim3A_578 = vector.broadcast %broadcast_in_dim3A_577 : f32 to vector<16xf32>
      %broadcast_in_dim3A_579 = arith.constant 0.000000e+00 : f32
      %broadcast_in_dim3A_580 = vector.broadcast %broadcast_in_dim3A_579 : f32 to vector<16xf32>
      %broadcast_in_dim3A_581 = arith.constant 0.000000e+00 : f32
      %broadcast_in_dim3A_582 = vector.broadcast %broadcast_in_dim3A_581 : f32 to vector<16xf32>
      %broadcast_in_dim3A_583 = arith.constant 0.000000e+00 : f32
      %broadcast_in_dim3A_584 = vector.broadcast %broadcast_in_dim3A_583 : f32 to vector<16xf32>
      %scan3A_585 = arith.constant 0 : i32
      %scan3A_586 = arith.constant 50 : i32
      %scan3A_587 = arith.addi %scan3A_585, %scan3A_586 : i32
      %scan3A_588 = arith.constant 1 : i32
      %scan3A_589:32 = scf.for %scan3A_841 = %scan3A_585 to %scan3A_587 step %scan3A_588 iter_args(%scan3A_842 = %broadcast_in_dim3A_522, %scan3A_843 = %broadcast_in_dim3A_524, %scan3A_844 = %broadcast_in_dim3A_526, %scan3A_845 = %broadcast_in_dim3A_528, %scan3A_846 = %broadcast_in_dim3A_530, %scan3A_847 = %broadcast_in_dim3A_532, %scan3A_848 = %broadcast_in_dim3A_534, %scan3A_849 = %broadcast_in_dim3A_536, %scan3A_850 = %broadcast_in_dim3A_538, %scan3A_851 = %broadcast_in_dim3A_540, %scan3A_852 = %broadcast_in_dim3A_542, %scan3A_853 = %broadcast_in_dim3A_544, %scan3A_854 = %broadcast_in_dim3A_546, %scan3A_855 = %broadcast_in_dim3A_548, %scan3A_856 = %broadcast_in_dim3A_550, %scan3A_857 = %broadcast_in_dim3A_552, %scan3A_858 = %broadcast_in_dim3A_554, %scan3A_859 = %broadcast_in_dim3A_556, %scan3A_860 = %broadcast_in_dim3A_558, %scan3A_861 = %broadcast_in_dim3A_560, %scan3A_862 = %broadcast_in_dim3A_562, %scan3A_863 = %broadcast_in_dim3A_564, %scan3A_864 = %broadcast_in_dim3A_566, %scan3A_865 = %broadcast_in_dim3A_568, %scan3A_866 = %broadcast_in_dim3A_570, %scan3A_867 = %broadcast_in_dim3A_572, %scan3A_868 = %broadcast_in_dim3A_574, %scan3A_869 = %broadcast_in_dim3A_576, %scan3A_870 = %broadcast_in_dim3A_578, %scan3A_871 = %broadcast_in_dim3A_580, %scan3A_872 = %broadcast_in_dim3A_582, %scan3A_873 = %broadcast_in_dim3A_584) -> (vector<16xf32>, vector<16xf32>, vector<16xf32>, vector<16xf32>, vector<16xf32>, vector<16xf32>, vector<16xf32>, vector<16xf32>, vector<16xf32>, vector<16xf32>, vector<16xf32>, vector<16xf32>, vector<16xf32>, vector<16xf32>, vector<16xf32>, vector<16xf32>, vector<16xf32>, vector<16xf32>, vector<16xf32>, vector<16xf32>, vector<16xf32>, vector<16xf32>, vector<16xf32>, vector<16xf32>, vector<16xf32>, vector<16xf32>, vector<16xf32>, vector<16xf32>, vector<16xf32>, vector<16xf32>, vector<16xf32>, vector<16xf32>)  : i32 {
        %add3A_874 = arith.constant 0 : i32
        %add3A_875 = arith.addi %add3A_874, %scan3A_841 : i32
        %get3A = arith.index_cast %add3A_875 : i32 to index
        %get3A_876 = arith.constant 0 : index
        %get3A_877 = tpu.vector_load %arg8[%get3A, %get3A_876] {strides = array<i32>} : memref<200x128xf32, #tpu.memory_space<vmem>>, vector<1x16xf32>,
        %get3A_878 = vector.shape_cast %get3A_877 : vector<1x16xf32> to vector<16xf32>
        %add3A_879 = arith.addf %scan3A_842, %get3A_878 : vector<16xf32>
        %add3A_880 = arith.constant 0 : i32
        %add3A_881 = arith.addi %add3A_880, %scan3A_841 : i32
        %get3A_882 = arith.index_cast %add3A_881 : i32 to index
        %get3A_883 = arith.constant 16 : index
        %get3A_884 = tpu.vector_load %arg8[%get3A_882, %get3A_883] {strides = array<i32>} : memref<200x128xf32, #tpu.memory_space<vmem>>, vector<1x16xf32>,
        %get3A_885 = vector.shape_cast %get3A_884 : vector<1x16xf32> to vector<16xf32>
        %add3A_886 = arith.addf %scan3A_843, %get3A_885 : vector<16xf32>
        %add3A_887 = arith.constant 0 : i32
        %add3A_888 = arith.addi %add3A_887, %scan3A_841 : i32
        %get3A_889 = arith.index_cast %add3A_888 : i32 to index
        %get3A_890 = arith.constant 32 : index
        %get3A_891 = tpu.vector_load %arg8[%get3A_889, %get3A_890] {strides = array<i32>} : memref<200x128xf32, #tpu.memory_space<vmem>>, vector<1x16xf32>,
        %get3A_892 = vector.shape_cast %get3A_891 : vector<1x16xf32> to vector<16xf32>
        %add3A_893 = arith.addf %scan3A_844, %get3A_892 : vector<16xf32>
        %add3A_894 = arith.constant 0 : i32
        %add3A_895 = arith.addi %add3A_894, %scan3A_841 : i32
        %get3A_896 = arith.index_cast %add3A_895 : i32 to index
        %get3A_897 = arith.constant 48 : index
        %get3A_898 = tpu.vector_load %arg8[%get3A_896, %get3A_897] {strides = array<i32>} : memref<200x128xf32, #tpu.memory_space<vmem>>, vector<1x16xf32>,
        %get3A_899 = vector.shape_cast %get3A_898 : vector<1x16xf32> to vector<16xf32>
        %add3A_900 = arith.addf %scan3A_845, %get3A_899 : vector<16xf32>
        %add3A_901 = arith.constant 0 : i32
        %add3A_902 = arith.addi %add3A_901, %scan3A_841 : i32
        %get3A_903 = arith.index_cast %add3A_902 : i32 to index
        %get3A_904 = arith.constant 64 : index
        %get3A_905 = tpu.vector_load %arg8[%get3A_903, %get3A_904] {strides = array<i32>} : memref<200x128xf32, #tpu.memory_space<vmem>>, vector<1x16xf32>,
        %get3A_906 = vector.shape_cast %get3A_905 : vector<1x16xf32> to vector<16xf32>
        %add3A_907 = arith.addf %scan3A_846, %get3A_906 : vector<16xf32>
        %add3A_908 = arith.constant 0 : i32
        %add3A_909 = arith.addi %add3A_908, %scan3A_841 : i32
        %get3A_910 = arith.index_cast %add3A_909 : i32 to index
        %get3A_911 = arith.constant 80 : index
        %get3A_912 = tpu.vector_load %arg8[%get3A_910, %get3A_911] {strides = array<i32>} : memref<200x128xf32, #tpu.memory_space<vmem>>, vector<1x16xf32>,
        %get3A_913 = vector.shape_cast %get3A_912 : vector<1x16xf32> to vector<16xf32>
        %add3A_914 = arith.addf %scan3A_847, %get3A_913 : vector<16xf32>
        %add3A_915 = arith.constant 0 : i32
        %add3A_916 = arith.addi %add3A_915, %scan3A_841 : i32
        %get3A_917 = arith.index_cast %add3A_916 : i32 to index
        %get3A_918 = arith.constant 96 : index
        %get3A_919 = tpu.vector_load %arg8[%get3A_917, %get3A_918] {strides = array<i32>} : memref<200x128xf32, #tpu.memory_space<vmem>>, vector<1x16xf32>,
        %get3A_920 = vector.shape_cast %get3A_919 : vector<1x16xf32> to vector<16xf32>
        %add3A_921 = arith.addf %scan3A_848, %get3A_920 : vector<16xf32>
        %add3A_922 = arith.constant 0 : i32
        %add3A_923 = arith.addi %add3A_922, %scan3A_841 : i32
        %get3A_924 = arith.index_cast %add3A_923 : i32 to index
        %get3A_925 = arith.constant 112 : index
        %get3A_926 = tpu.vector_load %arg8[%get3A_924, %get3A_925] {strides = array<i32>} : memref<200x128xf32, #tpu.memory_space<vmem>>, vector<1x16xf32>,
        %get3A_927 = vector.shape_cast %get3A_926 : vector<1x16xf32> to vector<16xf32>
        %add3A_928 = arith.addf %scan3A_849, %get3A_927 : vector<16xf32>
        %add3A_929 = arith.constant 50 : i32
        %add3A_930 = arith.addi %add3A_929, %scan3A_841 : i32
        %get3A_931 = arith.index_cast %add3A_930 : i32 to index
        %get3A_932 = arith.constant 0 : index
        %get3A_933 = tpu.vector_load %arg8[%get3A_931, %get3A_932] {strides = array<i32>} : memref<200x128xf32, #tpu.memory_space<vmem>>, vector<1x16xf32>,
        %get3A_934 = vector.shape_cast %get3A_933 : vector<1x16xf32> to vector<16xf32>
        %add3A_935 = arith.addf %scan3A_850, %get3A_934 : vector<16xf32>
        %add3A_936 = arith.constant 50 : i32
        %add3A_937 = arith.addi %add3A_936, %scan3A_841 : i32
        %get3A_938 = arith.index_cast %add3A_937 : i32 to index
        %get3A_939 = arith.constant 16 : index
        %get3A_940 = tpu.vector_load %arg8[%get3A_938, %get3A_939] {strides = array<i32>} : memref<200x128xf32, #tpu.memory_space<vmem>>, vector<1x16xf32>,
        %get3A_941 = vector.shape_cast %get3A_940 : vector<1x16xf32> to vector<16xf32>
        %add3A_942 = arith.addf %scan3A_851, %get3A_941 : vector<16xf32>
        %add3A_943 = arith.constant 50 : i32
        %add3A_944 = arith.addi %add3A_943, %scan3A_841 : i32
        %get3A_945 = arith.index_cast %add3A_944 : i32 to index
        %get3A_946 = arith.constant 32 : index
        %get3A_947 = tpu.vector_load %arg8[%get3A_945, %get3A_946] {strides = array<i32>} : memref<200x128xf32, #tpu.memory_space<vmem>>, vector<1x16xf32>,
        %get3A_948 = vector.shape_cast %get3A_947 : vector<1x16xf32> to vector<16xf32>
        %add3A_949 = arith.addf %scan3A_852, %get3A_948 : vector<16xf32>
        %add3A_950 = arith.constant 50 : i32
        %add3A_951 = arith.addi %add3A_950, %scan3A_841 : i32
        %get3A_952 = arith.index_cast %add3A_951 : i32 to index
        %get3A_953 = arith.constant 48 : index
        %get3A_954 = tpu.vector_load %arg8[%get3A_952, %get3A_953] {strides = array<i32>} : memref<200x128xf32, #tpu.memory_space<vmem>>, vector<1x16xf32>,
        %get3A_955 = vector.shape_cast %get3A_954 : vector<1x16xf32> to vector<16xf32>
        %add3A_956 = arith.addf %scan3A_853, %get3A_955 : vector<16xf32>
        %add3A_957 = arith.constant 50 : i32
        %add3A_958 = arith.addi %add3A_957, %scan3A_841 : i32
        %get3A_959 = arith.index_cast %add3A_958 : i32 to index
        %get3A_960 = arith.constant 64 : index
        %get3A_961 = tpu.vector_load %arg8[%get3A_959, %get3A_960] {strides = array<i32>} : memref<200x128xf32, #tpu.memory_space<vmem>>, vector<1x16xf32>,
        %get3A_962 = vector.shape_cast %get3A_961 : vector<1x16xf32> to vector<16xf32>
        %add3A_963 = arith.addf %scan3A_854, %get3A_962 : vector<16xf32>
        %add3A_964 = arith.constant 50 : i32
        %add3A_965 = arith.addi %add3A_964, %scan3A_841 : i32
        %get3A_966 = arith.index_cast %add3A_965 : i32 to index
        %get3A_967 = arith.constant 80 : index
        %get3A_968 = tpu.vector_load %arg8[%get3A_966, %get3A_967] {strides = array<i32>} : memref<200x128xf32, #tpu.memory_space<vmem>>, vector<1x16xf32>,
        %get3A_969 = vector.shape_cast %get3A_968 : vector<1x16xf32> to vector<16xf32>
        %add3A_970 = arith.addf %scan3A_855, %get3A_969 : vector<16xf32>
        %add3A_971 = arith.constant 50 : i32
        %add3A_972 = arith.addi %add3A_971, %scan3A_841 : i32
        %get3A_973 = arith.index_cast %add3A_972 : i32 to index
        %get3A_974 = arith.constant 96 : index
        %get3A_975 = tpu.vector_load %arg8[%get3A_973, %get3A_974] {strides = array<i32>} : memref<200x128xf32, #tpu.memory_space<vmem>>, vector<1x16xf32>,
        %get3A_976 = vector.shape_cast %get3A_975 : vector<1x16xf32> to vector<16xf32>
        %add3A_977 = arith.addf %scan3A_856, %get3A_976 : vector<16xf32>
        %add3A_978 = arith.constant 50 : i32
        %add3A_979 = arith.addi %add3A_978, %scan3A_841 : i32
        %get3A_980 = arith.index_cast %add3A_979 : i32 to index
        %get3A_981 = arith.constant 112 : index
        %get3A_982 = tpu.vector_load %arg8[%get3A_980, %get3A_981] {strides = array<i32>} : memref<200x128xf32, #tpu.memory_space<vmem>>, vector<1x16xf32>,
        %get3A_983 = vector.shape_cast %get3A_982 : vector<1x16xf32> to vector<16xf32>
        %add3A_984 = arith.addf %scan3A_857, %get3A_983 : vector<16xf32>
        %add3A_985 = arith.constant 100 : i32
        %add3A_986 = arith.addi %add3A_985, %scan3A_841 : i32
        %get3A_987 = arith.index_cast %add3A_986 : i32 to index
        %get3A_988 = arith.constant 0 : index
        %get3A_989 = tpu.vector_load %arg8[%get3A_987, %get3A_988] {strides = array<i32>} : memref<200x128xf32, #tpu.memory_space<vmem>>, vector<1x16xf32>,
        %get3A_990 = vector.shape_cast %get3A_989 : vector<1x16xf32> to vector<16xf32>
        %add3A_991 = arith.addf %scan3A_858, %get3A_990 : vector<16xf32>
        %add3A_992 = arith.constant 100 : i32
        %add3A_993 = arith.addi %add3A_992, %scan3A_841 : i32
        %get3A_994 = arith.index_cast %add3A_993 : i32 to index
        %get3A_995 = arith.constant 16 : index
        %get3A_996 = tpu.vector_load %arg8[%get3A_994, %get3A_995] {strides = array<i32>} : memref<200x128xf32, #tpu.memory_space<vmem>>, vector<1x16xf32>,
        %get3A_997 = vector.shape_cast %get3A_996 : vector<1x16xf32> to vector<16xf32>
        %add3A_998 = arith.addf %scan3A_859, %get3A_997 : vector<16xf32>
        %add3A_999 = arith.constant 100 : i32
        %add3A_1000 = arith.addi %add3A_999, %scan3A_841 : i32
        %get3A_1001 = arith.index_cast %add3A_1000 : i32 to index
        %get3A_1002 = arith.constant 32 : index
        %get3A_1003 = tpu.vector_load %arg8[%get3A_1001, %get3A_1002] {strides = array<i32>} : memref<200x128xf32, #tpu.memory_space<vmem>>, vector<1x16xf32>,
        %get3A_1004 = vector.shape_cast %get3A_1003 : vector<1x16xf32> to vector<16xf32>
        %add3A_1005 = arith.addf %scan3A_860, %get3A_1004 : vector<16xf32>
        %add3A_1006 = arith.constant 100 : i32
        %add3A_1007 = arith.addi %add3A_1006, %scan3A_841 : i32
        %get3A_1008 = arith.index_cast %add3A_1007 : i32 to index
        %get3A_1009 = arith.constant 48 : index
        %get3A_1010 = tpu.vector_load %arg8[%get3A_1008, %get3A_1009] {strides = array<i32>} : memref<200x128xf32, #tpu.memory_space<vmem>>, vector<1x16xf32>,
        %get3A_1011 = vector.shape_cast %get3A_1010 : vector<1x16xf32> to vector<16xf32>
        %add3A_1012 = arith.addf %scan3A_861, %get3A_1011 : vector<16xf32>
        %add3A_1013 = arith.constant 100 : i32
        %add3A_1014 = arith.addi %add3A_1013, %scan3A_841 : i32
        %get3A_1015 = arith.index_cast %add3A_1014 : i32 to index
        %get3A_1016 = arith.constant 64 : index
        %get3A_1017 = tpu.vector_load %arg8[%get3A_1015, %get3A_1016] {strides = array<i32>} : memref<200x128xf32, #tpu.memory_space<vmem>>, vector<1x16xf32>,
        %get3A_1018 = vector.shape_cast %get3A_1017 : vector<1x16xf32> to vector<16xf32>
        %add3A_1019 = arith.addf %scan3A_862, %get3A_1018 : vector<16xf32>
        %add3A_1020 = arith.constant 100 : i32
        %add3A_1021 = arith.addi %add3A_1020, %scan3A_841 : i32
        %get3A_1022 = arith.index_cast %add3A_1021 : i32 to index
        %get3A_1023 = arith.constant 80 : index
        %get3A_1024 = tpu.vector_load %arg8[%get3A_1022, %get3A_1023] {strides = array<i32>} : memref<200x128xf32, #tpu.memory_space<vmem>>, vector<1x16xf32>,
        %get3A_1025 = vector.shape_cast %get3A_1024 : vector<1x16xf32> to vector<16xf32>
        %add3A_1026 = arith.addf %scan3A_863, %get3A_1025 : vector<16xf32>
        %add3A_1027 = arith.constant 100 : i32
        %add3A_1028 = arith.addi %add3A_1027, %scan3A_841 : i32
        %get3A_1029 = arith.index_cast %add3A_1028 : i32 to index
        %get3A_1030 = arith.constant 96 : index
        %get3A_1031 = tpu.vector_load %arg8[%get3A_1029, %get3A_1030] {strides = array<i32>} : memref<200x128xf32, #tpu.memory_space<vmem>>, vector<1x16xf32>,
        %get3A_1032 = vector.shape_cast %get3A_1031 : vector<1x16xf32> to vector<16xf32>
        %add3A_1033 = arith.addf %scan3A_864, %get3A_1032 : vector<16xf32>
        %add3A_1034 = arith.constant 100 : i32
        %add3A_1035 = arith.addi %add3A_1034, %scan3A_841 : i32
        %get3A_1036 = arith.index_cast %add3A_1035 : i32 to index
        %get3A_1037 = arith.constant 112 : index
        %get3A_1038 = tpu.vector_load %arg8[%get3A_1036, %get3A_1037] {strides = array<i32>} : memref<200x128xf32, #tpu.memory_space<vmem>>, vector<1x16xf32>,
        %get3A_1039 = vector.shape_cast %get3A_1038 : vector<1x16xf32> to vector<16xf32>
        %add3A_1040 = arith.addf %scan3A_865, %get3A_1039 : vector<16xf32>
        %add3A_1041 = arith.constant 150 : i32
        %add3A_1042 = arith.addi %add3A_1041, %scan3A_841 : i32
        %get3A_1043 = arith.index_cast %add3A_1042 : i32 to index
        %get3A_1044 = arith.constant 0 : index
        %get3A_1045 = tpu.vector_load %arg8[%get3A_1043, %get3A_1044] {strides = array<i32>} : memref<200x128xf32, #tpu.memory_space<vmem>>, vector<1x16xf32>,
        %get3A_1046 = vector.shape_cast %get3A_1045 : vector<1x16xf32> to vector<16xf32>
        %add3A_1047 = arith.addf %scan3A_866, %get3A_1046 : vector<16xf32>
        %add3A_1048 = arith.constant 150 : i32
        %add3A_1049 = arith.addi %add3A_1048, %scan3A_841 : i32
        %get3A_1050 = arith.index_cast %add3A_1049 : i32 to index
        %get3A_1051 = arith.constant 16 : index
        %get3A_1052 = tpu.vector_load %arg8[%get3A_1050, %get3A_1051] {strides = array<i32>} : memref<200x128xf32, #tpu.memory_space<vmem>>, vector<1x16xf32>,
        %get3A_1053 = vector.shape_cast %get3A_1052 : vector<1x16xf32> to vector<16xf32>
        %add3A_1054 = arith.addf %scan3A_867, %get3A_1053 : vector<16xf32>
        %add3A_1055 = arith.constant 150 : i32
        %add3A_1056 = arith.addi %add3A_1055, %scan3A_841 : i32
        %get3A_1057 = arith.index_cast %add3A_1056 : i32 to index
        %get3A_1058 = arith.constant 32 : index
        %get3A_1059 = tpu.vector_load %arg8[%get3A_1057, %get3A_1058] {strides = array<i32>} : memref<200x128xf32, #tpu.memory_space<vmem>>, vector<1x16xf32>,
        %get3A_1060 = vector.shape_cast %get3A_1059 : vector<1x16xf32> to vector<16xf32>
        %add3A_1061 = arith.addf %scan3A_868, %get3A_1060 : vector<16xf32>
        %add3A_1062 = arith.constant 150 : i32
        %add3A_1063 = arith.addi %add3A_1062, %scan3A_841 : i32
        %get3A_1064 = arith.index_cast %add3A_1063 : i32 to index
        %get3A_1065 = arith.constant 48 : index
        %get3A_1066 = tpu.vector_load %arg8[%get3A_1064, %get3A_1065] {strides = array<i32>} : memref<200x128xf32, #tpu.memory_space<vmem>>, vector<1x16xf32>,
        %get3A_1067 = vector.shape_cast %get3A_1066 : vector<1x16xf32> to vector<16xf32>
        %add3A_1068 = arith.addf %scan3A_869, %get3A_1067 : vector<16xf32>
        %add3A_1069 = arith.constant 150 : i32
        %add3A_1070 = arith.addi %add3A_1069, %scan3A_841 : i32
        %get3A_1071 = arith.index_cast %add3A_1070 : i32 to index
        %get3A_1072 = arith.constant 64 : index
        %get3A_1073 = tpu.vector_load %arg8[%get3A_1071, %get3A_1072] {strides = array<i32>} : memref<200x128xf32, #tpu.memory_space<vmem>>, vector<1x16xf32>,
        %get3A_1074 = vector.shape_cast %get3A_1073 : vector<1x16xf32> to vector<16xf32>
        %add3A_1075 = arith.addf %scan3A_870, %get3A_1074 : vector<16xf32>
        %add3A_1076 = arith.constant 150 : i32
        %add3A_1077 = arith.addi %add3A_1076, %scan3A_841 : i32
        %get3A_1078 = arith.index_cast %add3A_1077 : i32 to index
        %get3A_1079 = arith.constant 80 : index
        %get3A_1080 = tpu.vector_load %arg8[%get3A_1078, %get3A_1079] {strides = array<i32>} : memref<200x128xf32, #tpu.memory_space<vmem>>, vector<1x16xf32>,
        %get3A_1081 = vector.shape_cast %get3A_1080 : vector<1x16xf32> to vector<16xf32>
        %add3A_1082 = arith.addf %scan3A_871, %get3A_1081 : vector<16xf32>
        %add3A_1083 = arith.constant 150 : i32
        %add3A_1084 = arith.addi %add3A_1083, %scan3A_841 : i32
        %get3A_1085 = arith.index_cast %add3A_1084 : i32 to index
        %get3A_1086 = arith.constant 96 : index
        %get3A_1087 = tpu.vector_load %arg8[%get3A_1085, %get3A_1086] {strides = array<i32>} : memref<200x128xf32, #tpu.memory_space<vmem>>, vector<1x16xf32>,
        %get3A_1088 = vector.shape_cast %get3A_1087 : vector<1x16xf32> to vector<16xf32>
        %add3A_1089 = arith.addf %scan3A_872, %get3A_1088 : vector<16xf32>
        %add3A_1090 = arith.constant 150 : i32
        %add3A_1091 = arith.addi %add3A_1090, %scan3A_841 : i32
        %get3A_1092 = arith.index_cast %add3A_1091 : i32 to index
        %get3A_1093 = arith.constant 112 : index
        %get3A_1094 = tpu.vector_load %arg8[%get3A_1092, %get3A_1093] {strides = array<i32>} : memref<200x128xf32, #tpu.memory_space<vmem>>, vector<1x16xf32>,
        %get3A_1095 = vector.shape_cast %get3A_1094 : vector<1x16xf32> to vector<16xf32>
        %add3A_1096 = arith.addf %scan3A_873, %get3A_1095 : vector<16xf32>
        scf.yield %add3A_879, %add3A_886, %add3A_893, %add3A_900, %add3A_907, %add3A_914, %add3A_921, %add3A_928, %add3A_935, %add3A_942, %add3A_949, %add3A_956, %add3A_963, %add3A_970, %add3A_977, %add3A_984, %add3A_991, %add3A_998, %add3A_1005, %add3A_1012, %add3A_1019, %add3A_1026, %add3A_1033, %add3A_1040, %add3A_1047, %add3A_1054, %add3A_1061, %add3A_1068, %add3A_1075, %add3A_1082, %add3A_1089, %add3A_1096 : vector<16xf32>, vector<16xf32>, vector<16xf32>, vector<16xf32>, vector<16xf32>, vector<16xf32>, vector<16xf32>, vector<16xf32>, vector<16xf32>, vector<16xf32>, vector<16xf32>, vector<16xf32>, vector<16xf32>, vector<16xf32>, vector<16xf32>, vector<16xf32>, vector<16xf32>, vector<16xf32>, vector<16xf32>, vector<16xf32>, vector<16xf32>, vector<16xf32>, vector<16xf32>, vector<16xf32>, vector<16xf32>, vector<16xf32>, vector<16xf32>, vector<16xf32>, vector<16xf32>, vector<16xf32>, vector<16xf32>, vector<16xf32>
      }
      %scan3A_590 = arith.constant 50 : i32
      %mul3A_591 = arith.constant 4 : i32
      %mul3A_592 = arith.muli %add3A_520, %mul3A_591 : i32
      %add3A_593 = arith.constant 0 : i32
      %add3A_594 = arith.addi %mul3A_592, %add3A_593 : i32
      %mul3A_595 = vector.broadcast %scan3A_40 : f32 to vector<16xf32>
      %mul3A_596 = arith.mulf %scan3A_589#0, %mul3A_595 : vector<16xf32>
      %swap3A_597 = arith.index_cast %add3A_594 : i32 to index
      %swap3A_598 = arith.constant 0 : index
      %swap3A_599 = tpu.vector_load %arg9[%swap3A_597, %swap3A_598] {strides = array<i32>} : memref<128x128xf32, #tpu.memory_space<vmem>>, vector<1x16xf32>,
      %swap3A_600 = vector.shape_cast %swap3A_599 : vector<1x16xf32> to vector<16xf32>
      %swap3A_601 = vector.shape_cast %mul3A_596 : vector<16xf32> to vector<1x16xf32>
      tpu.vector_store %arg9[%swap3A_597, %swap3A_598], %swap3A_601 {strides = array<i32>} : memref<128x128xf32, #tpu.memory_space<vmem>>, vector<1x16xf32>,
      %mul3A_602 = vector.broadcast %scan3A_40 : f32 to vector<16xf32>
      %mul3A_603 = arith.mulf %scan3A_589#1, %mul3A_602 : vector<16xf32>
      %swap3A_604 = arith.index_cast %add3A_594 : i32 to index
      %swap3A_605 = arith.constant 16 : index
      %swap3A_606 = tpu.vector_load %arg9[%swap3A_604, %swap3A_605] {strides = array<i32>} : memref<128x128xf32, #tpu.memory_space<vmem>>, vector<1x16xf32>,
      %swap3A_607 = vector.shape_cast %swap3A_606 : vector<1x16xf32> to vector<16xf32>
      %swap3A_608 = vector.shape_cast %mul3A_603 : vector<16xf32> to vector<1x16xf32>
      tpu.vector_store %arg9[%swap3A_604, %swap3A_605], %swap3A_608 {strides = array<i32>} : memref<128x128xf32, #tpu.memory_space<vmem>>, vector<1x16xf32>,
      %mul3A_609 = vector.broadcast %scan3A_40 : f32 to vector<16xf32>
      %mul3A_610 = arith.mulf %scan3A_589#2, %mul3A_609 : vector<16xf32>
      %swap3A_611 = arith.index_cast %add3A_594 : i32 to index
      %swap3A_612 = arith.constant 32 : index
      %swap3A_613 = tpu.vector_load %arg9[%swap3A_611, %swap3A_612] {strides = array<i32>} : memref<128x128xf32, #tpu.memory_space<vmem>>, vector<1x16xf32>,
      %swap3A_614 = vector.shape_cast %swap3A_613 : vector<1x16xf32> to vector<16xf32>
      %swap3A_615 = vector.shape_cast %mul3A_610 : vector<16xf32> to vector<1x16xf32>
      tpu.vector_store %arg9[%swap3A_611, %swap3A_612], %swap3A_615 {strides = array<i32>} : memref<128x128xf32, #tpu.memory_space<vmem>>, vector<1x16xf32>,
      %mul3A_616 = vector.broadcast %scan3A_40 : f32 to vector<16xf32>
      %mul3A_617 = arith.mulf %scan3A_589#3, %mul3A_616 : vector<16xf32>
      %swap3A_618 = arith.index_cast %add3A_594 : i32 to index
      %swap3A_619 = arith.constant 48 : index
      %swap3A_620 = tpu.vector_load %arg9[%swap3A_618, %swap3A_619] {strides = array<i32>} : memref<128x128xf32, #tpu.memory_space<vmem>>, vector<1x16xf32>,
      %swap3A_621 = vector.shape_cast %swap3A_620 : vector<1x16xf32> to vector<16xf32>
      %swap3A_622 = vector.shape_cast %mul3A_617 : vector<16xf32> to vector<1x16xf32>
      tpu.vector_store %arg9[%swap3A_618, %swap3A_619], %swap3A_622 {strides = array<i32>} : memref<128x128xf32, #tpu.memory_space<vmem>>, vector<1x16xf32>,
      %mul3A_623 = vector.broadcast %scan3A_40 : f32 to vector<16xf32>
      %mul3A_624 = arith.mulf %scan3A_589#4, %mul3A_623 : vector<16xf32>
      %swap3A_625 = arith.index_cast %add3A_594 : i32 to index
      %swap3A_626 = arith.constant 64 : index
      %swap3A_627 = tpu.vector_load %arg9[%swap3A_625, %swap3A_626] {strides = array<i32>} : memref<128x128xf32, #tpu.memory_space<vmem>>, vector<1x16xf32>,
      %swap3A_628 = vector.shape_cast %swap3A_627 : vector<1x16xf32> to vector<16xf32>
      %swap3A_629 = vector.shape_cast %mul3A_624 : vector<16xf32> to vector<1x16xf32>
      tpu.vector_store %arg9[%swap3A_625, %swap3A_626], %swap3A_629 {strides = array<i32>} : memref<128x128xf32, #tpu.memory_space<vmem>>, vector<1x16xf32>,
      %mul3A_630 = vector.broadcast %scan3A_40 : f32 to vector<16xf32>
      %mul3A_631 = arith.mulf %scan3A_589#5, %mul3A_630 : vector<16xf32>
      %swap3A_632 = arith.index_cast %add3A_594 : i32 to index
      %swap3A_633 = arith.constant 80 : index
      %swap3A_634 = tpu.vector_load %arg9[%swap3A_632, %swap3A_633] {strides = array<i32>} : memref<128x128xf32, #tpu.memory_space<vmem>>, vector<1x16xf32>,
      %swap3A_635 = vector.shape_cast %swap3A_634 : vector<1x16xf32> to vector<16xf32>
      %swap3A_636 = vector.shape_cast %mul3A_631 : vector<16xf32> to vector<1x16xf32>
      tpu.vector_store %arg9[%swap3A_632, %swap3A_633], %swap3A_636 {strides = array<i32>} : memref<128x128xf32, #tpu.memory_space<vmem>>, vector<1x16xf32>,
      %mul3A_637 = vector.broadcast %scan3A_40 : f32 to vector<16xf32>
      %mul3A_638 = arith.mulf %scan3A_589#6, %mul3A_637 : vector<16xf32>
      %swap3A_639 = arith.index_cast %add3A_594 : i32 to index
      %swap3A_640 = arith.constant 96 : index
      %swap3A_641 = tpu.vector_load %arg9[%swap3A_639, %swap3A_640] {strides = array<i32>} : memref<128x128xf32, #tpu.memory_space<vmem>>, vector<1x16xf32>,
      %swap3A_642 = vector.shape_cast %swap3A_641 : vector<1x16xf32> to vector<16xf32>
      %swap3A_643 = vector.shape_cast %mul3A_638 : vector<16xf32> to vector<1x16xf32>
      tpu.vector_store %arg9[%swap3A_639, %swap3A_640], %swap3A_643 {strides = array<i32>} : memref<128x128xf32, #tpu.memory_space<vmem>>, vector<1x16xf32>,
      %mul3A_644 = vector.broadcast %scan3A_40 : f32 to vector<16xf32>
      %mul3A_645 = arith.mulf %scan3A_589#7, %mul3A_644 : vector<16xf32>
      %swap3A_646 = arith.index_cast %add3A_594 : i32 to index
      %swap3A_647 = arith.constant 112 : index
      %swap3A_648 = tpu.vector_load %arg9[%swap3A_646, %swap3A_647] {strides = array<i32>} : memref<128x128xf32, #tpu.memory_space<vmem>>, vector<1x16xf32>,
      %swap3A_649 = vector.shape_cast %swap3A_648 : vector<1x16xf32> to vector<16xf32>
      %swap3A_650 = vector.shape_cast %mul3A_645 : vector<16xf32> to vector<1x16xf32>
      tpu.vector_store %arg9[%swap3A_646, %swap3A_647], %swap3A_650 {strides = array<i32>} : memref<128x128xf32, #tpu.memory_space<vmem>>, vector<1x16xf32>,
      %mul3A_651 = arith.constant 4 : i32
      %mul3A_652 = arith.muli %add3A_520, %mul3A_651 : i32
      %add3A_653 = arith.constant 1 : i32
      %add3A_654 = arith.addi %mul3A_652, %add3A_653 : i32
      %mul3A_655 = vector.broadcast %scan3A_40 : f32 to vector<16xf32>
      %mul3A_656 = arith.mulf %scan3A_589#8, %mul3A_655 : vector<16xf32>
      %swap3A_657 = arith.index_cast %add3A_654 : i32 to index
      %swap3A_658 = arith.constant 0 : index
      %swap3A_659 = tpu.vector_load %arg9[%swap3A_657, %swap3A_658] {strides = array<i32>} : memref<128x128xf32, #tpu.memory_space<vmem>>, vector<1x16xf32>,
      %swap3A_660 = vector.shape_cast %swap3A_659 : vector<1x16xf32> to vector<16xf32>
      %swap3A_661 = vector.shape_cast %mul3A_656 : vector<16xf32> to vector<1x16xf32>
      tpu.vector_store %arg9[%swap3A_657, %swap3A_658], %swap3A_661 {strides = array<i32>} : memref<128x128xf32, #tpu.memory_space<vmem>>, vector<1x16xf32>,
      %mul3A_662 = vector.broadcast %scan3A_40 : f32 to vector<16xf32>
      %mul3A_663 = arith.mulf %scan3A_589#9, %mul3A_662 : vector<16xf32>
      %swap3A_664 = arith.index_cast %add3A_654 : i32 to index
      %swap3A_665 = arith.constant 16 : index
      %swap3A_666 = tpu.vector_load %arg9[%swap3A_664, %swap3A_665] {strides = array<i32>} : memref<128x128xf32, #tpu.memory_space<vmem>>, vector<1x16xf32>,
      %swap3A_667 = vector.shape_cast %swap3A_666 : vector<1x16xf32> to vector<16xf32>
      %swap3A_668 = vector.shape_cast %mul3A_663 : vector<16xf32> to vector<1x16xf32>
      tpu.vector_store %arg9[%swap3A_664, %swap3A_665], %swap3A_668 {strides = array<i32>} : memref<128x128xf32, #tpu.memory_space<vmem>>, vector<1x16xf32>,
      %mul3A_669 = vector.broadcast %scan3A_40 : f32 to vector<16xf32>
      %mul3A_670 = arith.mulf %scan3A_589#10, %mul3A_669 : vector<16xf32>
      %swap3A_671 = arith.index_cast %add3A_654 : i32 to index
      %swap3A_672 = arith.constant 32 : index
      %swap3A_673 = tpu.vector_load %arg9[%swap3A_671, %swap3A_672] {strides = array<i32>} : memref<128x128xf32, #tpu.memory_space<vmem>>, vector<1x16xf32>,
      %swap3A_674 = vector.shape_cast %swap3A_673 : vector<1x16xf32> to vector<16xf32>
      %swap3A_675 = vector.shape_cast %mul3A_670 : vector<16xf32> to vector<1x16xf32>
      tpu.vector_store %arg9[%swap3A_671, %swap3A_672], %swap3A_675 {strides = array<i32>} : memref<128x128xf32, #tpu.memory_space<vmem>>, vector<1x16xf32>,
      %mul3A_676 = vector.broadcast %scan3A_40 : f32 to vector<16xf32>
      %mul3A_677 = arith.mulf %scan3A_589#11, %mul3A_676 : vector<16xf32>
      %swap3A_678 = arith.index_cast %add3A_654 : i32 to index
      %swap3A_679 = arith.constant 48 : index
      %swap3A_680 = tpu.vector_load %arg9[%swap3A_678, %swap3A_679] {strides = array<i32>} : memref<128x128xf32, #tpu.memory_space<vmem>>, vector<1x16xf32>,
      %swap3A_681 = vector.shape_cast %swap3A_680 : vector<1x16xf32> to vector<16xf32>
      %swap3A_682 = vector.shape_cast %mul3A_677 : vector<16xf32> to vector<1x16xf32>
      tpu.vector_store %arg9[%swap3A_678, %swap3A_679], %swap3A_682 {strides = array<i32>} : memref<128x128xf32, #tpu.memory_space<vmem>>, vector<1x16xf32>,
      %mul3A_683 = vector.broadcast %scan3A_40 : f32 to vector<16xf32>
      %mul3A_684 = arith.mulf %scan3A_589#12, %mul3A_683 : vector<16xf32>
      %swap3A_685 = arith.index_cast %add3A_654 : i32 to index
      %swap3A_686 = arith.constant 64 : index
      %swap3A_687 = tpu.vector_load %arg9[%swap3A_685, %swap3A_686] {strides = array<i32>} : memref<128x128xf32, #tpu.memory_space<vmem>>, vector<1x16xf32>,
      %swap3A_688 = vector.shape_cast %swap3A_687 : vector<1x16xf32> to vector<16xf32>
      %swap3A_689 = vector.shape_cast %mul3A_684 : vector<16xf32> to vector<1x16xf32>
      tpu.vector_store %arg9[%swap3A_685, %swap3A_686], %swap3A_689 {strides = array<i32>} : memref<128x128xf32, #tpu.memory_space<vmem>>, vector<1x16xf32>,
      %mul3A_690 = vector.broadcast %scan3A_40 : f32 to vector<16xf32>
      %mul3A_691 = arith.mulf %scan3A_589#13, %mul3A_690 : vector<16xf32>
      %swap3A_692 = arith.index_cast %add3A_654 : i32 to index
      %swap3A_693 = arith.constant 80 : index
      %swap3A_694 = tpu.vector_load %arg9[%swap3A_692, %swap3A_693] {strides = array<i32>} : memref<128x128xf32, #tpu.memory_space<vmem>>, vector<1x16xf32>,
      %swap3A_695 = vector.shape_cast %swap3A_694 : vector<1x16xf32> to vector<16xf32>
      %swap3A_696 = vector.shape_cast %mul3A_691 : vector<16xf32> to vector<1x16xf32>
      tpu.vector_store %arg9[%swap3A_692, %swap3A_693], %swap3A_696 {strides = array<i32>} : memref<128x128xf32, #tpu.memory_space<vmem>>, vector<1x16xf32>,
      %mul3A_697 = vector.broadcast %scan3A_40 : f32 to vector<16xf32>
      %mul3A_698 = arith.mulf %scan3A_589#14, %mul3A_697 : vector<16xf32>
      %swap3A_699 = arith.index_cast %add3A_654 : i32 to index
      %swap3A_700 = arith.constant 96 : index
      %swap3A_701 = tpu.vector_load %arg9[%swap3A_699, %swap3A_700] {strides = array<i32>} : memref<128x128xf32, #tpu.memory_space<vmem>>, vector<1x16xf32>,
      %swap3A_702 = vector.shape_cast %swap3A_701 : vector<1x16xf32> to vector<16xf32>
      %swap3A_703 = vector.shape_cast %mul3A_698 : vector<16xf32> to vector<1x16xf32>
      tpu.vector_store %arg9[%swap3A_699, %swap3A_700], %swap3A_703 {strides = array<i32>} : memref<128x128xf32, #tpu.memory_space<vmem>>, vector<1x16xf32>,
      %mul3A_704 = vector.broadcast %scan3A_40 : f32 to vector<16xf32>
      %mul3A_705 = arith.mulf %scan3A_589#15, %mul3A_704 : vector<16xf32>
      %swap3A_706 = arith.index_cast %add3A_654 : i32 to index
      %swap3A_707 = arith.constant 112 : index
      %swap3A_708 = tpu.vector_load %arg9[%swap3A_706, %swap3A_707] {strides = array<i32>} : memref<128x128xf32, #tpu.memory_space<vmem>>, vector<1x16xf32>,
      %swap3A_709 = vector.shape_cast %swap3A_708 : vector<1x16xf32> to vector<16xf32>
      %swap3A_710 = vector.shape_cast %mul3A_705 : vector<16xf32> to vector<1x16xf32>
      tpu.vector_store %arg9[%swap3A_706, %swap3A_707], %swap3A_710 {strides = array<i32>} : memref<128x128xf32, #tpu.memory_space<vmem>>, vector<1x16xf32>,
      %mul3A_711 = arith.constant 4 : i32
      %mul3A_712 = arith.muli %add3A_520, %mul3A_711 : i32
      %add3A_713 = arith.constant 2 : i32
      %add3A_714 = arith.addi %mul3A_712, %add3A_713 : i32
      %mul3A_715 = vector.broadcast %scan3A_40 : f32 to vector<16xf32>
      %mul3A_716 = arith.mulf %scan3A_589#16, %mul3A_715 : vector<16xf32>
      %swap3A_717 = arith.index_cast %add3A_714 : i32 to index
      %swap3A_718 = arith.constant 0 : index
      %swap3A_719 = tpu.vector_load %arg9[%swap3A_717, %swap3A_718] {strides = array<i32>} : memref<128x128xf32, #tpu.memory_space<vmem>>, vector<1x16xf32>,
      %swap3A_720 = vector.shape_cast %swap3A_719 : vector<1x16xf32> to vector<16xf32>
      %swap3A_721 = vector.shape_cast %mul3A_716 : vector<16xf32> to vector<1x16xf32>
      tpu.vector_store %arg9[%swap3A_717, %swap3A_718], %swap3A_721 {strides = array<i32>} : memref<128x128xf32, #tpu.memory_space<vmem>>, vector<1x16xf32>,
      %mul3A_722 = vector.broadcast %scan3A_40 : f32 to vector<16xf32>
      %mul3A_723 = arith.mulf %scan3A_589#17, %mul3A_722 : vector<16xf32>
      %swap3A_724 = arith.index_cast %add3A_714 : i32 to index
      %swap3A_725 = arith.constant 16 : index
      %swap3A_726 = tpu.vector_load %arg9[%swap3A_724, %swap3A_725] {strides = array<i32>} : memref<128x128xf32, #tpu.memory_space<vmem>>, vector<1x16xf32>,
      %swap3A_727 = vector.shape_cast %swap3A_726 : vector<1x16xf32> to vector<16xf32>
      %swap3A_728 = vector.shape_cast %mul3A_723 : vector<16xf32> to vector<1x16xf32>
      tpu.vector_store %arg9[%swap3A_724, %swap3A_725], %swap3A_728 {strides = array<i32>} : memref<128x128xf32, #tpu.memory_space<vmem>>, vector<1x16xf32>,
      %mul3A_729 = vector.broadcast %scan3A_40 : f32 to vector<16xf32>
      %mul3A_730 = arith.mulf %scan3A_589#18, %mul3A_729 : vector<16xf32>
      %swap3A_731 = arith.index_cast %add3A_714 : i32 to index
      %swap3A_732 = arith.constant 32 : index
      %swap3A_733 = tpu.vector_load %arg9[%swap3A_731, %swap3A_732] {strides = array<i32>} : memref<128x128xf32, #tpu.memory_space<vmem>>, vector<1x16xf32>,
      %swap3A_734 = vector.shape_cast %swap3A_733 : vector<1x16xf32> to vector<16xf32>
      %swap3A_735 = vector.shape_cast %mul3A_730 : vector<16xf32> to vector<1x16xf32>
      tpu.vector_store %arg9[%swap3A_731, %swap3A_732], %swap3A_735 {strides = array<i32>} : memref<128x128xf32, #tpu.memory_space<vmem>>, vector<1x16xf32>,
      %mul3A_736 = vector.broadcast %scan3A_40 : f32 to vector<16xf32>
      %mul3A_737 = arith.mulf %scan3A_589#19, %mul3A_736 : vector<16xf32>
      %swap3A_738 = arith.index_cast %add3A_714 : i32 to index
      %swap3A_739 = arith.constant 48 : index
      %swap3A_740 = tpu.vector_load %arg9[%swap3A_738, %swap3A_739] {strides = array<i32>} : memref<128x128xf32, #tpu.memory_space<vmem>>, vector<1x16xf32>,
      %swap3A_741 = vector.shape_cast %swap3A_740 : vector<1x16xf32> to vector<16xf32>
      %swap3A_742 = vector.shape_cast %mul3A_737 : vector<16xf32> to vector<1x16xf32>
      tpu.vector_store %arg9[%swap3A_738, %swap3A_739], %swap3A_742 {strides = array<i32>} : memref<128x128xf32, #tpu.memory_space<vmem>>, vector<1x16xf32>,
      %mul3A_743 = vector.broadcast %scan3A_40 : f32 to vector<16xf32>
      %mul3A_744 = arith.mulf %scan3A_589#20, %mul3A_743 : vector<16xf32>
      %swap3A_745 = arith.index_cast %add3A_714 : i32 to index
      %swap3A_746 = arith.constant 64 : index
      %swap3A_747 = tpu.vector_load %arg9[%swap3A_745, %swap3A_746] {strides = array<i32>} : memref<128x128xf32, #tpu.memory_space<vmem>>, vector<1x16xf32>,
      %swap3A_748 = vector.shape_cast %swap3A_747 : vector<1x16xf32> to vector<16xf32>
      %swap3A_749 = vector.shape_cast %mul3A_744 : vector<16xf32> to vector<1x16xf32>
      tpu.vector_store %arg9[%swap3A_745, %swap3A_746], %swap3A_749 {strides = array<i32>} : memref<128x128xf32, #tpu.memory_space<vmem>>, vector<1x16xf32>,
      %mul3A_750 = vector.broadcast %scan3A_40 : f32 to vector<16xf32>
      %mul3A_751 = arith.mulf %scan3A_589#21, %mul3A_750 : vector<16xf32>
      %swap3A_752 = arith.index_cast %add3A_714 : i32 to index
      %swap3A_753 = arith.constant 80 : index
      %swap3A_754 = tpu.vector_load %arg9[%swap3A_752, %swap3A_753] {strides = array<i32>} : memref<128x128xf32, #tpu.memory_space<vmem>>, vector<1x16xf32>,
      %swap3A_755 = vector.shape_cast %swap3A_754 : vector<1x16xf32> to vector<16xf32>
      %swap3A_756 = vector.shape_cast %mul3A_751 : vector<16xf32> to vector<1x16xf32>
      tpu.vector_store %arg9[%swap3A_752, %swap3A_753], %swap3A_756 {strides = array<i32>} : memref<128x128xf32, #tpu.memory_space<vmem>>, vector<1x16xf32>,
      %mul3A_757 = vector.broadcast %scan3A_40 : f32 to vector<16xf32>
      %mul3A_758 = arith.mulf %scan3A_589#22, %mul3A_757 : vector<16xf32>
      %swap3A_759 = arith.index_cast %add3A_714 : i32 to index
      %swap3A_760 = arith.constant 96 : index
      %swap3A_761 = tpu.vector_load %arg9[%swap3A_759, %swap3A_760] {strides = array<i32>} : memref<128x128xf32, #tpu.memory_space<vmem>>, vector<1x16xf32>,
      %swap3A_762 = vector.shape_cast %swap3A_761 : vector<1x16xf32> to vector<16xf32>
      %swap3A_763 = vector.shape_cast %mul3A_758 : vector<16xf32> to vector<1x16xf32>
      tpu.vector_store %arg9[%swap3A_759, %swap3A_760], %swap3A_763 {strides = array<i32>} : memref<128x128xf32, #tpu.memory_space<vmem>>, vector<1x16xf32>,
      %mul3A_764 = vector.broadcast %scan3A_40 : f32 to vector<16xf32>
      %mul3A_765 = arith.mulf %scan3A_589#23, %mul3A_764 : vector<16xf32>
      %swap3A_766 = arith.index_cast %add3A_714 : i32 to index
      %swap3A_767 = arith.constant 112 : index
      %swap3A_768 = tpu.vector_load %arg9[%swap3A_766, %swap3A_767] {strides = array<i32>} : memref<128x128xf32, #tpu.memory_space<vmem>>, vector<1x16xf32>,
      %swap3A_769 = vector.shape_cast %swap3A_768 : vector<1x16xf32> to vector<16xf32>
      %swap3A_770 = vector.shape_cast %mul3A_765 : vector<16xf32> to vector<1x16xf32>
      tpu.vector_store %arg9[%swap3A_766, %swap3A_767], %swap3A_770 {strides = array<i32>} : memref<128x128xf32, #tpu.memory_space<vmem>>, vector<1x16xf32>,
      %mul3A_771 = arith.constant 4 : i32
      %mul3A_772 = arith.muli %add3A_520, %mul3A_771 : i32
      %add3A_773 = arith.constant 3 : i32
      %add3A_774 = arith.addi %mul3A_772, %add3A_773 : i32
      %mul3A_775 = vector.broadcast %scan3A_40 : f32 to vector<16xf32>
      %mul3A_776 = arith.mulf %scan3A_589#24, %mul3A_775 : vector<16xf32>
      %swap3A_777 = arith.index_cast %add3A_774 : i32 to index
      %swap3A_778 = arith.constant 0 : index
      %swap3A_779 = tpu.vector_load %arg9[%swap3A_777, %swap3A_778] {strides = array<i32>} : memref<128x128xf32, #tpu.memory_space<vmem>>, vector<1x16xf32>,
      %swap3A_780 = vector.shape_cast %swap3A_779 : vector<1x16xf32> to vector<16xf32>
      %swap3A_781 = vector.shape_cast %mul3A_776 : vector<16xf32> to vector<1x16xf32>
      tpu.vector_store %arg9[%swap3A_777, %swap3A_778], %swap3A_781 {strides = array<i32>} : memref<128x128xf32, #tpu.memory_space<vmem>>, vector<1x16xf32>,
      %mul3A_782 = vector.broadcast %scan3A_40 : f32 to vector<16xf32>
      %mul3A_783 = arith.mulf %scan3A_589#25, %mul3A_782 : vector<16xf32>
      %swap3A_784 = arith.index_cast %add3A_774 : i32 to index
      %swap3A_785 = arith.constant 16 : index
      %swap3A_786 = tpu.vector_load %arg9[%swap3A_784, %swap3A_785] {strides = array<i32>} : memref<128x128xf32, #tpu.memory_space<vmem>>, vector<1x16xf32>,
      %swap3A_787 = vector.shape_cast %swap3A_786 : vector<1x16xf32> to vector<16xf32>
      %swap3A_788 = vector.shape_cast %mul3A_783 : vector<16xf32> to vector<1x16xf32>
      tpu.vector_store %arg9[%swap3A_784, %swap3A_785], %swap3A_788 {strides = array<i32>} : memref<128x128xf32, #tpu.memory_space<vmem>>, vector<1x16xf32>,
      %mul3A_789 = vector.broadcast %scan3A_40 : f32 to vector<16xf32>
      %mul3A_790 = arith.mulf %scan3A_589#26, %mul3A_789 : vector<16xf32>
      %swap3A_791 = arith.index_cast %add3A_774 : i32 to index
      %swap3A_792 = arith.constant 32 : index
      %swap3A_793 = tpu.vector_load %arg9[%swap3A_791, %swap3A_792] {strides = array<i32>} : memref<128x128xf32, #tpu.memory_space<vmem>>, vector<1x16xf32>,
      %swap3A_794 = vector.shape_cast %swap3A_793 : vector<1x16xf32> to vector<16xf32>
      %swap3A_795 = vector.shape_cast %mul3A_790 : vector<16xf32> to vector<1x16xf32>
      tpu.vector_store %arg9[%swap3A_791, %swap3A_792], %swap3A_795 {strides = array<i32>} : memref<128x128xf32, #tpu.memory_space<vmem>>, vector<1x16xf32>,
      %mul3A_796 = vector.broadcast %scan3A_40 : f32 to vector<16xf32>
      %mul3A_797 = arith.mulf %scan3A_589#27, %mul3A_796 : vector<16xf32>
      %swap3A_798 = arith.index_cast %add3A_774 : i32 to index
      %swap3A_799 = arith.constant 48 : index
      %swap3A_800 = tpu.vector_load %arg9[%swap3A_798, %swap3A_799] {strides = array<i32>} : memref<128x128xf32, #tpu.memory_space<vmem>>, vector<1x16xf32>,
      %swap3A_801 = vector.shape_cast %swap3A_800 : vector<1x16xf32> to vector<16xf32>
      %swap3A_802 = vector.shape_cast %mul3A_797 : vector<16xf32> to vector<1x16xf32>
      tpu.vector_store %arg9[%swap3A_798, %swap3A_799], %swap3A_802 {strides = array<i32>} : memref<128x128xf32, #tpu.memory_space<vmem>>, vector<1x16xf32>,
      %mul3A_803 = vector.broadcast %scan3A_40 : f32 to vector<16xf32>
      %mul3A_804 = arith.mulf %scan3A_589#28, %mul3A_803 : vector<16xf32>
      %swap3A_805 = arith.index_cast %add3A_774 : i32 to index
      %swap3A_806 = arith.constant 64 : index
      %swap3A_807 = tpu.vector_load %arg9[%swap3A_805, %swap3A_806] {strides = array<i32>} : memref<128x128xf32, #tpu.memory_space<vmem>>, vector<1x16xf32>,
      %swap3A_808 = vector.shape_cast %swap3A_807 : vector<1x16xf32> to vector<16xf32>
      %swap3A_809 = vector.shape_cast %mul3A_804 : vector<16xf32> to vector<1x16xf32>
      tpu.vector_store %arg9[%swap3A_805, %swap3A_806], %swap3A_809 {strides = array<i32>} : memref<128x128xf32, #tpu.memory_space<vmem>>, vector<1x16xf32>,
      %mul3A_810 = vector.broadcast %scan3A_40 : f32 to vector<16xf32>
      %mul3A_811 = arith.mulf %scan3A_589#29, %mul3A_810 : vector<16xf32>
      %swap3A_812 = arith.index_cast %add3A_774 : i32 to index
      %swap3A_813 = arith.constant 80 : index
      %swap3A_814 = tpu.vector_load %arg9[%swap3A_812, %swap3A_813] {strides = array<i32>} : memref<128x128xf32, #tpu.memory_space<vmem>>, vector<1x16xf32>,
      %swap3A_815 = vector.shape_cast %swap3A_814 : vector<1x16xf32> to vector<16xf32>
      %swap3A_816 = vector.shape_cast %mul3A_811 : vector<16xf32> to vector<1x16xf32>
      tpu.vector_store %arg9[%swap3A_812, %swap3A_813], %swap3A_816 {strides = array<i32>} : memref<128x128xf32, #tpu.memory_space<vmem>>, vector<1x16xf32>,
      %mul3A_817 = vector.broadcast %scan3A_40 : f32 to vector<16xf32>
      %mul3A_818 = arith.mulf %scan3A_589#30, %mul3A_817 : vector<16xf32>
      %swap3A_819 = arith.index_cast %add3A_774 : i32 to index
      %swap3A_820 = arith.constant 96 : index
      %swap3A_821 = tpu.vector_load %arg9[%swap3A_819, %swap3A_820] {strides = array<i32>} : memref<128x128xf32, #tpu.memory_space<vmem>>, vector<1x16xf32>,
      %swap3A_822 = vector.shape_cast %swap3A_821 : vector<1x16xf32> to vector<16xf32>
      %swap3A_823 = vector.shape_cast %mul3A_818 : vector<16xf32> to vector<1x16xf32>
      tpu.vector_store %arg9[%swap3A_819, %swap3A_820], %swap3A_823 {strides = array<i32>} : memref<128x128xf32, #tpu.memory_space<vmem>>, vector<1x16xf32>,
      %mul3A_824 = vector.broadcast %scan3A_40 : f32 to vector<16xf32>
      %mul3A_825 = arith.mulf %scan3A_589#31, %mul3A_824 : vector<16xf32>
      %swap3A_826 = arith.index_cast %add3A_774 : i32 to index
      %swap3A_827 = arith.constant 112 : index
      %swap3A_828 = tpu.vector_load %arg9[%swap3A_826, %swap3A_827] {strides = array<i32>} : memref<128x128xf32, #tpu.memory_space<vmem>>, vector<1x16xf32>,
      %swap3A_829 = vector.shape_cast %swap3A_828 : vector<1x16xf32> to vector<16xf32>
      %swap3A_830 = vector.shape_cast %mul3A_825 : vector<16xf32> to vector<1x16xf32>
      tpu.vector_store %arg9[%swap3A_826, %swap3A_827], %swap3A_830 {strides = array<i32>} : memref<128x128xf32, #tpu.memory_space<vmem>>, vector<1x16xf32>,
      %lt3A_831 = arith.constant 25 : i32
      %lt3A_832 = arith.cmpi slt, %mul3A_55, %lt3A_831 : i32
      %convert_element_type3A_833 = arith.extui %lt3A_832 : i1 to i32
      %cond3A_834 = arith.constant 0 : i32
      %cond3A_835 = arith.cmpi ne, %convert_element_type3A_833, %cond3A_834 : i32
      scf.if %cond3A_835 {
        %mul3A_841 = arith.constant 256 : i32
        %mul3A_842 = arith.muli %arg1, %mul3A_841 : i32
        %add3A_843 = arith.constant 0 : i32
        %add3A_844 = arith.addi %mul3A_842, %add3A_843 : i32
        %multiple_of3A_845 = tpu.assume_multiple %add3A_844, 8 : i32
        %lt3A_846 = arith.constant 31 : i32
        %lt3A_847 = arith.cmpi slt, %add3A, %lt3A_846 : i32
        %convert_element_type3A_848 = arith.extui %lt3A_847 : i1 to i32
        %cond3A_849 = arith.constant 0 : i32
        %cond3A_850 = arith.cmpi ne, %convert_element_type3A_848, %cond3A_849 : i32
        scf.if %cond3A_850 {
          %mul3A_871 = arith.constant 3200 : i32
          %mul3A_872 = arith.muli %add3A, %mul3A_871 : i32
          %mul3A_873 = arith.constant 128 : i32
          %mul3A_874 = arith.muli %mul3A_55, %mul3A_873 : i32
          %add3A_875 = arith.addi %mul3A_872, %mul3A_874 : i32
          %multiple_of3A_876 = tpu.assume_multiple %add3A_875, 8 : i32
          %dma_wait3A_877 = arith.constant 0 : i32
          %dma_wait3A_878 = tpu.memref_slice %arg10[%multiple_of3A_845, %dma_wait3A_877] : memref<4096x128xf32, #tpu.memory_space<vmem_shared>> -> memref<128x128xf32, #tpu.memory_space<vmem_shared>>
          %dma_wait3A_879 = arith.constant 0 : i32
          %dma_wait3A_880 = tpu.memref_slice %arg3[%multiple_of3A_876, %dma_wait3A_879] : memref<100001x128xf32, #tpu.memory_space<hbm>> -> memref<128x128xf32, #tpu.memory_space<hbm>>
          tpu.wait_dma2 semaphore(%arg13 : memref<!tpu.dma_semaphore, #tpu.memory_space<semaphore_mem>>) src(%dma_wait3A_880 : memref<128x128xf32, #tpu.memory_space<hbm>>) dst(%dma_wait3A_878 : memref<128x128xf32, #tpu.memory_space<vmem_shared>>)
        } else {
        }
        %eq3A_851 = arith.constant 31 : i32
        %eq3A_852 = arith.cmpi eq, %add3A, %eq3A_851 : i32
        %convert_element_type3A_853 = arith.extui %eq3A_852 : i1 to i32
        %cond3A_854 = arith.constant 0 : i32
        %cond3A_855 = arith.cmpi ne, %convert_element_type3A_853, %cond3A_854 : i32
        scf.if %cond3A_855 {
          %mul3A_871 = arith.constant 32 : i32
          %mul3A_872 = arith.muli %mul3A_55, %mul3A_871 : i32
          %add3A_873 = arith.constant 99200 : i32
          %add3A_874 = arith.addi %add3A_873, %mul3A_872 : i32
          %multiple_of3A_875 = tpu.assume_multiple %add3A_874, 8 : i32
          %dma_wait3A_876 = arith.constant 0 : i32
          %dma_wait3A_877 = tpu.memref_slice %arg10[%multiple_of3A_845, %dma_wait3A_876] : memref<4096x128xf32, #tpu.memory_space<vmem_shared>> -> memref<32x128xf32, #tpu.memory_space<vmem_shared>>
          %dma_wait3A_878 = arith.constant 0 : i32
          %dma_wait3A_879 = tpu.memref_slice %arg3[%multiple_of3A_875, %dma_wait3A_878] : memref<100001x128xf32, #tpu.memory_space<hbm>> -> memref<32x128xf32, #tpu.memory_space<hbm>>
          tpu.wait_dma2 semaphore(%arg13 : memref<!tpu.dma_semaphore, #tpu.memory_space<semaphore_mem>>) src(%dma_wait3A_879 : memref<32x128xf32, #tpu.memory_space<hbm>>) dst(%dma_wait3A_877 : memref<32x128xf32, #tpu.memory_space<vmem_shared>>)
        } else {
        }
        %mul3A_856 = arith.constant 256 : i32
        %mul3A_857 = arith.muli %arg1, %mul3A_856 : i32
        %add3A_858 = arith.constant 0 : i32
        %add3A_859 = arith.addi %mul3A_857, %add3A_858 : i32
        %multiple_of3A_860 = tpu.assume_multiple %add3A_859, 8 : i32
        %lt3A_861 = arith.constant 31 : i32
        %lt3A_862 = arith.cmpi slt, %add3A, %lt3A_861 : i32
        %convert_element_type3A_863 = arith.extui %lt3A_862 : i1 to i32
        %cond3A_864 = arith.constant 0 : i32
        %cond3A_865 = arith.cmpi ne, %convert_element_type3A_863, %cond3A_864 : i32
        scf.if %cond3A_865 {
          %mul3A_871 = arith.constant 3200 : i32
          %mul3A_872 = arith.muli %add3A, %mul3A_871 : i32
          %mul3A_873 = arith.constant 128 : i32
          %mul3A_874 = arith.muli %mul3A_55, %mul3A_873 : i32
          %add3A_875 = arith.addi %mul3A_872, %mul3A_874 : i32
          %multiple_of3A_876 = tpu.assume_multiple %add3A_875, 8 : i32
          %dma_start3A_877 = arith.constant 0 : i32
          %dma_start3A_878 = tpu.memref_slice %arg5[%multiple_of3A_876, %dma_start3A_877] : memref<100001x128xf32, #tpu.memory_space<hbm>> -> memref<128x128xf32, #tpu.memory_space<hbm>>
          %dma_start3A_879 = arith.constant 0 : i32
          %dma_start3A_880 = tpu.memref_slice %arg10[%multiple_of3A_860, %dma_start3A_879] : memref<4096x128xf32, #tpu.memory_space<vmem_shared>> -> memref<128x128xf32, #tpu.memory_space<vmem_shared>>
          tpu.enqueue_dma source(%dma_start3A_880 : memref<128x128xf32, #tpu.memory_space<vmem_shared>>) target(%dma_start3A_878 : memref<128x128xf32, #tpu.memory_space<hbm>>) target_semaphore(%arg15 : memref<!tpu.dma_semaphore, #tpu.memory_space<semaphore_mem>>)
        } else {
        }
        %eq3A_866 = arith.constant 31 : i32
        %eq3A_867 = arith.cmpi eq, %add3A, %eq3A_866 : i32
        %convert_element_type3A_868 = arith.extui %eq3A_867 : i1 to i32
        %cond3A_869 = arith.constant 0 : i32
        %cond3A_870 = arith.cmpi ne, %convert_element_type3A_868, %cond3A_869 : i32
        scf.if %cond3A_870 {
          %mul3A_871 = arith.constant 32 : i32
          %mul3A_872 = arith.muli %mul3A_55, %mul3A_871 : i32
          %add3A_873 = arith.constant 99200 : i32
          %add3A_874 = arith.addi %add3A_873, %mul3A_872 : i32
          %multiple_of3A_875 = tpu.assume_multiple %add3A_874, 8 : i32
          %dma_start3A_876 = arith.constant 0 : i32
          %dma_start3A_877 = tpu.memref_slice %arg5[%multiple_of3A_875, %dma_start3A_876] : memref<100001x128xf32, #tpu.memory_space<hbm>> -> memref<32x128xf32, #tpu.memory_space<hbm>>
          %dma_start3A_878 = arith.constant 0 : i32
          %dma_start3A_879 = tpu.memref_slice %arg10[%multiple_of3A_860, %dma_start3A_878] : memref<4096x128xf32, #tpu.memory_space<vmem_shared>> -> memref<32x128xf32, #tpu.memory_space<vmem_shared>>
          tpu.enqueue_dma source(%dma_start3A_879 : memref<32x128xf32, #tpu.memory_space<vmem_shared>>) target(%dma_start3A_877 : memref<32x128xf32, #tpu.memory_space<hbm>>) target_semaphore(%arg15 : memref<!tpu.dma_semaphore, #tpu.memory_space<semaphore_mem>>)
        } else {
        }
      } else {
      }
      %lt3A_836 = arith.constant 25 : i32
      %lt3A_837 = arith.cmpi slt, %add3A_59, %lt3A_836 : i32
      %convert_element_type3A_838 = arith.extui %lt3A_837 : i1 to i32
      %cond3A_839 = arith.constant 0 : i32
      %cond3A_840 = arith.cmpi ne, %convert_element_type3A_838, %cond3A_839 : i32
      scf.if %cond3A_840 {
        %mul3A_841 = arith.constant 256 : i32
        %mul3A_842 = arith.muli %arg1, %mul3A_841 : i32
        %add3A_843 = arith.constant 128 : i32
        %add3A_844 = arith.addi %mul3A_842, %add3A_843 : i32
        %multiple_of3A_845 = tpu.assume_multiple %add3A_844, 8 : i32
        %lt3A_846 = arith.constant 31 : i32
        %lt3A_847 = arith.cmpi slt, %add3A, %lt3A_846 : i32
        %convert_element_type3A_848 = arith.extui %lt3A_847 : i1 to i32
        %cond3A_849 = arith.constant 0 : i32
        %cond3A_850 = arith.cmpi ne, %convert_element_type3A_848, %cond3A_849 : i32
        scf.if %cond3A_850 {
          %mul3A_871 = arith.constant 3200 : i32
          %mul3A_872 = arith.muli %add3A, %mul3A_871 : i32
          %mul3A_873 = arith.constant 128 : i32
          %mul3A_874 = arith.muli %add3A_59, %mul3A_873 : i32
          %add3A_875 = arith.addi %mul3A_872, %mul3A_874 : i32
          %multiple_of3A_876 = tpu.assume_multiple %add3A_875, 8 : i32
          %dma_wait3A_877 = arith.constant 0 : i32
          %dma_wait3A_878 = tpu.memref_slice %arg10[%multiple_of3A_845, %dma_wait3A_877] : memref<4096x128xf32, #tpu.memory_space<vmem_shared>> -> memref<128x128xf32, #tpu.memory_space<vmem_shared>>
          %dma_wait3A_879 = arith.constant 0 : i32
          %dma_wait3A_880 = tpu.memref_slice %arg3[%multiple_of3A_876, %dma_wait3A_879] : memref<100001x128xf32, #tpu.memory_space<hbm>> -> memref<128x128xf32, #tpu.memory_space<hbm>>
          tpu.wait_dma2 semaphore(%arg14 : memref<!tpu.dma_semaphore, #tpu.memory_space<semaphore_mem>>) src(%dma_wait3A_880 : memref<128x128xf32, #tpu.memory_space<hbm>>) dst(%dma_wait3A_878 : memref<128x128xf32, #tpu.memory_space<vmem_shared>>)
        } else {
        }
        %eq3A_851 = arith.constant 31 : i32
        %eq3A_852 = arith.cmpi eq, %add3A, %eq3A_851 : i32
        %convert_element_type3A_853 = arith.extui %eq3A_852 : i1 to i32
        %cond3A_854 = arith.constant 0 : i32
        %cond3A_855 = arith.cmpi ne, %convert_element_type3A_853, %cond3A_854 : i32
        scf.if %cond3A_855 {
          %mul3A_871 = arith.constant 32 : i32
          %mul3A_872 = arith.muli %add3A_59, %mul3A_871 : i32
          %add3A_873 = arith.constant 99200 : i32
          %add3A_874 = arith.addi %add3A_873, %mul3A_872 : i32
          %multiple_of3A_875 = tpu.assume_multiple %add3A_874, 8 : i32
          %dma_wait3A_876 = arith.constant 0 : i32
          %dma_wait3A_877 = tpu.memref_slice %arg10[%multiple_of3A_845, %dma_wait3A_876] : memref<4096x128xf32, #tpu.memory_space<vmem_shared>> -> memref<32x128xf32, #tpu.memory_space<vmem_shared>>
          %dma_wait3A_878 = arith.constant 0 : i32
          %dma_wait3A_879 = tpu.memref_slice %arg3[%multiple_of3A_875, %dma_wait3A_878] : memref<100001x128xf32, #tpu.memory_space<hbm>> -> memref<32x128xf32, #tpu.memory_space<hbm>>
          tpu.wait_dma2 semaphore(%arg14 : memref<!tpu.dma_semaphore, #tpu.memory_space<semaphore_mem>>) src(%dma_wait3A_879 : memref<32x128xf32, #tpu.memory_space<hbm>>) dst(%dma_wait3A_877 : memref<32x128xf32, #tpu.memory_space<vmem_shared>>)
        } else {
        }
        %mul3A_856 = arith.constant 256 : i32
        %mul3A_857 = arith.muli %arg1, %mul3A_856 : i32
        %add3A_858 = arith.constant 128 : i32
        %add3A_859 = arith.addi %mul3A_857, %add3A_858 : i32
        %multiple_of3A_860 = tpu.assume_multiple %add3A_859, 8 : i32
        %lt3A_861 = arith.constant 31 : i32
        %lt3A_862 = arith.cmpi slt, %add3A, %lt3A_861 : i32
        %convert_element_type3A_863 = arith.extui %lt3A_862 : i1 to i32
        %cond3A_864 = arith.constant 0 : i32
        %cond3A_865 = arith.cmpi ne, %convert_element_type3A_863, %cond3A_864 : i32
        scf.if %cond3A_865 {
          %mul3A_871 = arith.constant 3200 : i32
          %mul3A_872 = arith.muli %add3A, %mul3A_871 : i32
          %mul3A_873 = arith.constant 128 : i32
          %mul3A_874 = arith.muli %add3A_59, %mul3A_873 : i32
          %add3A_875 = arith.addi %mul3A_872, %mul3A_874 : i32
          %multiple_of3A_876 = tpu.assume_multiple %add3A_875, 8 : i32
          %dma_start3A_877 = arith.constant 0 : i32
          %dma_start3A_878 = tpu.memref_slice %arg5[%multiple_of3A_876, %dma_start3A_877] : memref<100001x128xf32, #tpu.memory_space<hbm>> -> memref<128x128xf32, #tpu.memory_space<hbm>>
          %dma_start3A_879 = arith.constant 0 : i32
          %dma_start3A_880 = tpu.memref_slice %arg10[%multiple_of3A_860, %dma_start3A_879] : memref<4096x128xf32, #tpu.memory_space<vmem_shared>> -> memref<128x128xf32, #tpu.memory_space<vmem_shared>>
          tpu.enqueue_dma source(%dma_start3A_880 : memref<128x128xf32, #tpu.memory_space<vmem_shared>>) target(%dma_start3A_878 : memref<128x128xf32, #tpu.memory_space<hbm>>) target_semaphore(%arg16 : memref<!tpu.dma_semaphore, #tpu.memory_space<semaphore_mem>>)
        } else {
        }
        %eq3A_866 = arith.constant 31 : i32
        %eq3A_867 = arith.cmpi eq, %add3A, %eq3A_866 : i32
        %convert_element_type3A_868 = arith.extui %eq3A_867 : i1 to i32
        %cond3A_869 = arith.constant 0 : i32
        %cond3A_870 = arith.cmpi ne, %convert_element_type3A_868, %cond3A_869 : i32
        scf.if %cond3A_870 {
          %mul3A_871 = arith.constant 32 : i32
          %mul3A_872 = arith.muli %add3A_59, %mul3A_871 : i32
          %add3A_873 = arith.constant 99200 : i32
          %add3A_874 = arith.addi %add3A_873, %mul3A_872 : i32
          %multiple_of3A_875 = tpu.assume_multiple %add3A_874, 8 : i32
          %dma_start3A_876 = arith.constant 0 : i32
          %dma_start3A_877 = tpu.memref_slice %arg5[%multiple_of3A_875, %dma_start3A_876] : memref<100001x128xf32, #tpu.memory_space<hbm>> -> memref<32x128xf32, #tpu.memory_space<hbm>>
          %dma_start3A_878 = arith.constant 0 : i32
          %dma_start3A_879 = tpu.memref_slice %arg10[%multiple_of3A_860, %dma_start3A_878] : memref<4096x128xf32, #tpu.memory_space<vmem_shared>> -> memref<32x128xf32, #tpu.memory_space<vmem_shared>>
          tpu.enqueue_dma source(%dma_start3A_879 : memref<32x128xf32, #tpu.memory_space<vmem_shared>>) target(%dma_start3A_877 : memref<32x128xf32, #tpu.memory_space<hbm>>) target_semaphore(%arg16 : memref<!tpu.dma_semaphore, #tpu.memory_space<semaphore_mem>>)
        } else {
        }
      } else {
      }
    }
    %scan3A_45 = arith.constant 16 : i32
    %eq3A = arith.constant 31 : i32
    %eq3A_46 = arith.cmpi eq, %add3A, %eq3A : i32
    %convert_element_type3A = arith.extui %eq3A_46 : i1 to i32
    %cond3A = arith.constant 0 : i32
    %cond3A_47 = arith.cmpi ne, %convert_element_type3A, %cond3A : i32
    scf.if %cond3A_47 {
      %mul3A_51 = arith.constant 256 : i32
      %mul3A_52 = arith.muli %arg1, %mul3A_51 : i32
      %multiple_of3A_53 = tpu.assume_multiple %mul3A_52, 8 : i32
      %multiple_of3A_54 = arith.constant 100000 : i32
      %multiple_of3A_55 = tpu.assume_multiple %multiple_of3A_54, 8 : i32
      "tpu.region"() ({
        %run_scoped3A = tpu.sem_alloc : memref<!tpu.dma_semaphore, #tpu.memory_space<semaphore_mem>>
        %dma_start3A_56 = arith.constant 0 : i32
        %dma_start3A_57 = tpu.memref_slice %arg10[%multiple_of3A_53, %dma_start3A_56] : memref<4096x128xf32, #tpu.memory_space<vmem_shared>> -> memref<1x128xf32, #tpu.memory_space<vmem_shared>>
        %dma_start3A_58 = arith.constant 0 : i32
        %dma_start3A_59 = tpu.memref_slice %arg3[%multiple_of3A_55, %dma_start3A_58] : memref<100001x128xf32, #tpu.memory_space<hbm>> -> memref<1x128xf32, #tpu.memory_space<hbm>>
        tpu.enqueue_dma source(%dma_start3A_59 : memref<1x128xf32, #tpu.memory_space<hbm>>) target(%dma_start3A_57 : memref<1x128xf32, #tpu.memory_space<vmem_shared>>) target_semaphore(%run_scoped3A : memref<!tpu.dma_semaphore, #tpu.memory_space<semaphore_mem>>)
        %dma_wait3A = arith.constant 0 : i32
        %dma_wait3A_60 = tpu.memref_slice %arg10[%multiple_of3A_53, %dma_wait3A] : memref<4096x128xf32, #tpu.memory_space<vmem_shared>> -> memref<1x128xf32, #tpu.memory_space<vmem_shared>>
        %dma_wait3A_61 = arith.constant 0 : i32
        %dma_wait3A_62 = tpu.memref_slice %arg3[%multiple_of3A_55, %dma_wait3A_61] : memref<100001x128xf32, #tpu.memory_space<hbm>> -> memref<1x128xf32, #tpu.memory_space<hbm>>
        tpu.wait_dma2 semaphore(%run_scoped3A : memref<!tpu.dma_semaphore, #tpu.memory_space<semaphore_mem>>) src(%dma_wait3A_62 : memref<1x128xf32, #tpu.memory_space<hbm>>) dst(%dma_wait3A_60 : memref<1x128xf32, #tpu.memory_space<vmem_shared>>)
        tpu.yield
      }) : () -> ()
      "tpu.region"() ({
        %run_scoped3A = tpu.sem_alloc : memref<!tpu.dma_semaphore, #tpu.memory_space<semaphore_mem>>
        %dma_start3A_56 = arith.constant 0 : i32
        %dma_start3A_57 = tpu.memref_slice %arg5[%multiple_of3A_55, %dma_start3A_56] : memref<100001x128xf32, #tpu.memory_space<hbm>> -> memref<1x128xf32, #tpu.memory_space<hbm>>
        %dma_start3A_58 = arith.constant 0 : i32
        %dma_start3A_59 = tpu.memref_slice %arg10[%multiple_of3A_53, %dma_start3A_58] : memref<4096x128xf32, #tpu.memory_space<vmem_shared>> -> memref<1x128xf32, #tpu.memory_space<vmem_shared>>
        tpu.enqueue_dma source(%dma_start3A_59 : memref<1x128xf32, #tpu.memory_space<vmem_shared>>) target(%dma_start3A_57 : memref<1x128xf32, #tpu.memory_space<hbm>>) target_semaphore(%run_scoped3A : memref<!tpu.dma_semaphore, #tpu.memory_space<semaphore_mem>>)
        %dma_wait3A = arith.constant 0 : i32
        %dma_wait3A_60 = tpu.memref_slice %arg5[%multiple_of3A_55, %dma_wait3A] : memref<100001x128xf32, #tpu.memory_space<hbm>> -> memref<1x128xf32, #tpu.memory_space<hbm>>
        %dma_wait3A_61 = arith.constant 0 : i32
        %dma_wait3A_62 = tpu.memref_slice %arg10[%multiple_of3A_53, %dma_wait3A_61] : memref<4096x128xf32, #tpu.memory_space<vmem_shared>> -> memref<1x128xf32, #tpu.memory_space<vmem_shared>>
        tpu.wait_dma2 semaphore(%run_scoped3A : memref<!tpu.dma_semaphore, #tpu.memory_space<semaphore_mem>>) src(%dma_wait3A_62 : memref<1x128xf32, #tpu.memory_space<vmem_shared>>) dst(%dma_wait3A_60 : memref<1x128xf32, #tpu.memory_space<hbm>>)
        tpu.yield
      }) : () -> ()
    } else {
    }
    %mul3A_48 = arith.constant 128 : i32
    %mul3A_49 = arith.muli %add3A, %mul3A_48 : i32
    %multiple_of3A_50 = tpu.assume_multiple %mul3A_49, 8 : i32
    "tpu.region"() ({
      %run_scoped3A = tpu.sem_alloc : memref<!tpu.dma_semaphore, #tpu.memory_space<semaphore_mem>>
      %dma_start3A_51 = arith.constant 0 : i32
      %dma_start3A_52 = tpu.memref_slice %arg4[%multiple_of3A_50, %dma_start3A_51] : memref<4096x128xf32, #tpu.memory_space<hbm>> -> memref<128x128xf32, #tpu.memory_space<hbm>>
      %dma_start3A_53 = arith.constant 0 : i32
      %dma_start3A_54 = tpu.memref_slice %arg4[%multiple_of3A_50, %dma_start3A_53] : memref<4096x128xf32, #tpu.memory_space<hbm>> -> memref<128x128xf32, #tpu.memory_space<hbm>>
      tpu.enqueue_dma source(%arg9 : memref<128x128xf32, #tpu.memory_space<vmem>>) target(%dma_start3A_54 : memref<128x128xf32, #tpu.memory_space<hbm>>) target_semaphore(%run_scoped3A : memref<!tpu.dma_semaphore, #tpu.memory_space<semaphore_mem>>)
      %dma_wait3A = arith.constant 0 : i32
      %dma_wait3A_55 = tpu.memref_slice %arg4[%multiple_of3A_50, %dma_wait3A] : memref<4096x128xf32, #tpu.memory_space<hbm>> -> memref<128x128xf32, #tpu.memory_space<hbm>>
      %dma_wait3A_56 = arith.constant 0 : i32
      %dma_wait3A_57 = tpu.memref_slice %arg4[%multiple_of3A_50, %dma_wait3A_56] : memref<4096x128xf32, #tpu.memory_space<hbm>> -> memref<128x128xf32, #tpu.memory_space<hbm>>
      tpu.wait_dma2 semaphore(%run_scoped3A : memref<!tpu.dma_semaphore, #tpu.memory_space<semaphore_mem>>) src(%arg9 : memref<128x128xf32, #tpu.memory_space<vmem>>) dst(%dma_wait3A_57 : memref<128x128xf32, #tpu.memory_space<hbm>>)
      tpu.yield
    }) : () -> ()
    return
  }
}

</mosaic_0001>

<sc_bundles>
// kernel: kernel.3.cloned.1.call-start
scs
__scs_entry_jumppad:
0x0: {  	(pc) =	sbr.rel $0x88, $3  }
0x1: {  	(tag) =	ssettag $0x0;
	lr =	simm.s32 $0x1  }
0x2: {  	[smem:$0x3F9F] =	sst lr;
	_ =	strace $0xD0000000  }
0x3: {  	_ = 	snop  }
0x4: {  	_ = 	snop  }
0x5: {  	_ = 	snop  }
0x6: {  	_ = 	snop  }
0x7: {  	_ = 	snop  }
__scs_overlays_trampoline_lowered:
0x8: {  	[smem:$0x3FAE] =	sst s0  }
0x9: {  	[smem:$0x3FAF] =	sst s1  }
0xa: {  	[smem:$0x3FB0] =	sst s2  }
0xb: {  	[smem:$0x3FB1] =	sst s3  }
0xc: {  	[smem:$0x3FB2] =	sst s4  }
0xd: {  	[smem:$0x3FB3] =	sst s5  }
0xe: {  	[smem:$0x3FB4] =	sst s6  }
0xf: {  	[smem:$0x3FB5] =	sst s7  }
0x10: {  	[smem:$0x3FB6] =	sst s8  }
0x11: {  	[smem:$0x3FB7] =	sst s9;
	s0 =	simm.s32 @!p0 $0x0  }
0x12: {  	s1 =	sld [smem:$0x3F9D];
	s0 =	simm.s32 @p0 $0x1  }
0x13: {  	[smem:$0x3FB8] =	sst s0;
	s0 =	simm.s32 @!p1 $0x0  }
0x14: {  	s2 =	sld [smem:$0x3F9C];
	s0 =	simm.s32 @p1 $0x1  }
0x15: {  	[smem:$0x3FB9] =	sst s0;
	s0 =	simm.s32 @!p2 $0x0  }
0x16: {  	s3 =	sld [smem:$0x3FDB];
	s0 =	simm.s32 @p2 $0x1  }
0x17: {  	s4 =	simm.s32 $0x1BF5;
	[smem:$0x3FBB] =	sst s0  }
0x18: {  	s0 =	sld [smem:$0x3F9E];
	_ =	swait.ge [sflag:s4], $0x0  }
0x19: {  	s7 =	sld [smem:$0x3F9F]  }
0x1a: {  	s8 =	sadd.s32 $0xFFFFE003, lr  }
0x1b: {  	s9 =	sadd.s32 $0xFFFFFEF7, lr;
	s5 =	simm.s32 $0xFFFFFFFF;
	p2 =	slt.u32 s8, $0xFFFFF086  }
0x1c: {  	p1 =	slt.u32 s9, $0xF7A;
	s5 =	simm.s32 @!p2 $0x0  }
0x1d: {  	s5 =	simm.s32 @p1 $0x1;
	p0 =	seq.s32 s7, s2  }
0x1e: {  	s7 =	smul.u32 @!p0 $0xF7A, s2;
	p2 =	seq.s32 @!p0 s5, $0x0  }
0x1f: {  	s9 =	smul.u32 $0xF7A, s1;
	s8 =	simm.s32 @!p0 $0x1BF5;
	p2 =	por !p2, p0  }
0x20: {  	[sflag:s8] =	ssyncset.s32 @!p0 $0xFFFFF086;
	s6 =	sadd.s32 @!p0 s3, s7;
	s7 =	simm.s32 @!p0 $0x108  }
0x21: {  	s3 =	sadd.s32 s3, s9;
	s6 =	sadd.s32 @!p0 $0x88, s6;
	s7 =	simm.s32 @p2 $0x1082  }
0x22: {  	[simem:s7], [sflag:s8] =	dma.local @!p0 [hbm:s6], $0xF7A  }
0x23: {  	s9 =	sor.u32 $0xD0000000, s2;
	s6 =	simm.s32 $0x108;
	_ =	swait.ge @!p0 [sflag:s8], $0x0  }
0x24: {  	s3 =	sadd.s32 $0x88, s3;
	s6 =	simm.s32 @!p1 $0x1082;
	[sflag:s4] =	ssyncset.s32 $0xFFFFF086  }
0x25: {  	[simem:s6], [sflag:s4] =	dma.local [hbm:s3], $0xF7A  }
0x26: {  	[smem:$0x3F9F] =	sst s1;
	(tag) =	ssettag s2;
	_ =	strace s9  }
0x27: {  	s1 =	sld [smem:$0x3FAF]  }
0x28: {  	s2 =	sld [smem:$0x3FB0]  }
0x29: {  	s4 =	sld [smem:$0x3FB2]  }
0x2a: {  	p0 =	seq.s32 s5, $0x0;
	s5 =	sld [smem:$0x3FB3]  }
0x2b: {  	s6 =	sld [smem:$0x3FB4]  }
0x2c: {  	s7 =	sld [smem:$0x3FB5]  }
0x2d: {  	s3 =	simm.s32 $0x108;
	s8 =	sld [smem:$0x3FB6]  }
0x2e: {  	s3 =	simm.s32 @!p0 $0x1082;
	s9 =	sld [smem:$0x3FB7]  }
0x2f: {  	lr =	sadd.s32 s0, s3;
	s0 =	sld [smem:$0x3FAE]  }
0x30: {  	s3 =	sld [smem:$0x3FB1]  }
0x31: {  	[smem:$0x3FBA] =	sst s10  }
0x32: {  	s10 =	sld [smem:$0x3FB8];
	_ =	sdelay $0x3  }
0x33: {  	p0 =	seq.s32 s10, $0x1;
	s10 =	sld [smem:$0x3FBA];
	_ =	sdelay $0x3  }
0x34: {  	[smem:$0x3FBA] =	sst s10  }
0x35: {  	s10 =	sld [smem:$0x3FB9];
	_ =	sdelay $0x3  }
0x36: {  	p1 =	seq.s32 s10, $0x1;
	s10 =	sld [smem:$0x3FBA];
	_ =	sdelay $0x3  }
0x37: {  	[smem:$0x3FBA] =	sst s10  }
0x38: {  	s10 =	sld [smem:$0x3FBB]  }
0x39: {  	_ = 	snop;
	(pc) =	sbr.ind lr, $3  }
0x3a: {  	_ = 	snop  }
0x3b: {  	_ = 	snop  }
0x3c: {  	p2 =	seq.s32 s10, $0x1;
	s10 =	sld [smem:$0x3FBA]  }
0x3d: {  	_ =	shalt  }
0x3e: {  	_ =	shalt  }
0x3f: {  	_ =	shalt  }
0x40: {  	_ =	shalt  }
0x41: {  	_ =	shalt  }
0x42: {  	_ =	shalt  }
0x43: {  	_ =	shalt  }
0x44: {  	_ =	shalt  }
0x45: {  	_ =	shalt  }
0x46: {  	_ =	shalt  }
0x47: {  	_ =	shalt  }
0x48: {  	_ =	shalt  }
0x49: {  	_ =	shalt  }
0x4a: {  	_ =	shalt  }
0x4b: {  	_ =	shalt  }
0x4c: {  	_ =	shalt  }
0x4d: {  	_ =	shalt  }
0x4e: {  	_ =	shalt  }
0x4f: {  	_ =	shalt  }
0x50: {  	_ =	shalt  }
0x51: {  	_ =	shalt  }
0x52: {  	_ =	shalt  }
0x53: {  	_ =	shalt  }
0x54: {  	_ =	shalt  }
0x55: {  	_ =	shalt  }
0x56: {  	_ =	shalt  }
0x57: {  	_ =	shalt  }
0x58: {  	_ =	shalt  }
0x59: {  	_ =	shalt  }
0x5a: {  	_ =	shalt  }
0x5b: {  	_ =	shalt  }
0x5c: {  	_ =	shalt  }
0x5d: {  	_ =	shalt  }
0x5e: {  	_ =	shalt  }
0x5f: {  	_ =	shalt  }
0x60: {  	_ =	shalt  }
0x61: {  	_ =	shalt  }
0x62: {  	_ =	shalt  }
0x63: {  	_ =	shalt  }
0x64: {  	_ =	shalt  }
0x65: {  	_ =	shalt  }
0x66: {  	_ =	shalt  }
0x67: {  	_ =	shalt  }
0x68: {  	_ =	shalt  }
0x69: {  	_ =	shalt  }
0x6a: {  	_ =	shalt  }
0x6b: {  	_ =	shalt  }
0x6c: {  	_ =	shalt  }
0x6d: {  	_ =	shalt  }
0x6e: {  	_ =	shalt  }
0x6f: {  	_ =	shalt  }
0x70: {  	_ =	shalt  }
0x71: {  	_ =	shalt  }
0x72: {  	_ =	shalt  }
0x73: {  	_ =	shalt  }
0x74: {  	_ =	shalt  }
0x75: {  	_ =	shalt  }
0x76: {  	_ =	shalt  }
0x77: {  	_ =	shalt  }
0x78: {  	_ =	shalt  }
0x79: {  	_ =	shalt  }
0x7a: {  	_ =	shalt  }
0x7b: {  	_ =	shalt  }
0x7c: {  	_ =	shalt  }
0x7d: {  	_ =	shalt  }
0x7e: {  	_ =	shalt  }
0x7f: {  	_ =	shalt  }
0x80: {  	_ =	shalt  }
0x81: {  	_ =	shalt  }
0x82: {  	_ =	shalt  }
0x83: {  	_ =	shalt  }
0x84: {  	_ =	shalt  }
0x85: {  	_ =	shalt  }
0x86: {  	_ =	shalt  }
0x87: {  	_ =	shalt  }
.Lfunc_end0:
.L_simem_size_0:
called_computation_lowered:
.L_overlay_start_0:
0x88: {  	s2 =	sld [smem:$0x3FD9]  }
0x89: {  	s3 =	sld [smem:$0x3FFE];
	_ =	sdelay $0x1  }
0x8a: {  	s1 =	srdreg.scid  }
0x8b: {  	s0 =	sand.u32 $0x1, s1  }
0x8c: {  	s14 =	sshll.u32 s0, $0xA;
	s2 =	sadd.s32 s3, s2  }
0x8d: {  	s2 =	sadd.s32 s2, s14  }
0x8e: {  	[smem:$0x3FC6] =	sst s2  }
0x8f: {  	_ = 	snop  }
0x90: {  	s2 =	sld [smem:$0x3FD0];
	_ =	sdelay $0x2  }
0x91: {  	s4 =	simm.s32 $0xA;
	s5 =	simm.s32 $0x10;
	s15 =	sld [smem:$0x3FC8]  }
0x92: {  	[smem:s5], [sflag:s4] =	dma.local [hbm:s2], $0x1  }
0x93: {  	_ =	swait.eq [sflag:s4], $0x1  }
0x94: {  	[sflag:s4] =	ssyncset.done $0x0  }
0x95: {  	s16 =	sld [smem:$0x10];
	[sflag:s4] =	ssyncadd.s32 $0xFFFFFFFF  }
0x96: {  	s17 =	sld [smem:$0x11];
	(tm) =	ssettm $0x1  }
0x97: {  	s18 =	sld [smem:$0x3FFB];
	_ =	sdelay $0x3  }
0x98: {  	_ =	strace s18  }
0x99: {  	s5 =	sld [smem:$0x3FFC];
	_ =	sdelay $0x3  }
0x9a: {  	_ =	strace s5  }
0x9b: {  	s5 =	sld [smem:$0x3FFD];
	_ =	sdelay $0x3  }
0x9c: {  	_ =	strace s5  }
0x9d: {  	_ =	strace $0x8FFFFFFF  }
0x9e: {  	s19 =	sld [smem:$0x3FDB];
	_ =	sdelay $0x1  }
0x9f: {  	s6 =	simm.s32 $_scs_section_size  }
0xa0: {  	s7 =	simm.s32 $_size__tile_overlayer_lowered;
	s8 =	simm.s32 $_tile_overlayer_lowered  }
0xa1: {  	s22 =	simm.s32 $0x1BFF;
	s21 =	sshll.u32 s8, $0x1;
	s5 =	sadd.s32 s6, s19  }
0xa2: {  	s9 =	simm.s32 $0x0;
	s20 =	sshll.u32 s7, $0x1;
	s7 =	sadd.s32 s21, s5  }
0xa3: {  	[timem:s9], [sflag:s22] =	dma.local [hbm:s7], s20  }
0xa4: {  	_ =	swait.ge [sflag:s22], s20  }
0xa5: {  	s6 =	ssub.s32 $0x0, s20;
	[sflag:s22] =	ssyncset.done $0x0  }
0xa6: {  	[sflag:s22] =	ssyncadd.s32 s6;
	_ =	sdelay $0x1  }
0xa7: {  	s23 =	simm.s32 $0x1B8B  }
0xa8: {  	_ =	swait.ge [sflag:s23], $0x1  }
0xa9: {  	[sflag:s23] =	ssyncset.done $0x0  }
0xaa: {  	s25 =	simm.s32 $0x1B8E;
	s24 =	sld [smem:$0x3FFE];
	[sflag:s23] =	ssyncadd.s32 $0xFFFFFFFF  }
0xab: {  	s26 =	simm.s32 $execute0_lowered;
	[smem:$0x3FD2] =	sst s25  }
0xac: {  	s7 =	sshll.u32 s26, $0x1;
	_ =	strace $0x80000046;
	[dreg:$0x1] =	wrdreg $0xFFFFFFFF  }
0xad: {  	s28 =	simm.s32 $_size_execute0_lowered;
	s5 =	sadd.s32 s5, s7;
	[dreg:$0x0] =	wrdreg $0x0  }
0xae: {  	s7 =	sshll.u32 s28, $0x1;
	[dreg:$0x2] =	wrdreg s5  }
0xaf: {  	[dreg:$0x3] =	wrdreg s7  }
0xb0: {  	[dreg:$0x4] =	wrdreg $0xC0  }
0xb1: {  	_ =	task [dreg:s9], $0x5FFFF  }
0xb2: {  	[dreg:$0x1] =	wrdreg $0xFFFFFFFF  }
0xb3: {  	[dreg:$0x0] =	wrdreg $0x60  }
0xb4: {  	[dreg:$0x2] =	wrdreg s24  }
0xb5: {  	[dreg:$0x3] =	wrdreg s15  }
0xb6: {  	[dreg:$0x4] =	wrdreg s16  }
0xb7: {  	[dreg:$0x5] =	wrdreg s17  }
0xb8: {  	[dreg:$0x6] =	wrdreg $0x121000  }
0xb9: {  	[dreg:$0x7] =	wrdreg $0x9  }
0xba: {  	_ =	task.clear_ibuf [dreg:s9], $0x8FFFF;
	_ =	strace $0x90000046  }
0xbb: {  	s29 =	simm.s32 $0x9;
	_ =	strace $0x80000048  }
0xbc: {  	_ =	swait.ge [sflag:s29], $0x1  }
0xbd: {  	[sflag:s29] =	ssyncadd.s32 $0xFFFFFFFF  }
0xbe: {  	_ =	strace $0x90000048  }
0xbf: {  	_ =	sfence  }
0xc0: {  	s30 =	sld [smem:$0x0];
	_ =	sdelay $0x2  }
0xc1: {  	s31 =	sshll.u32 s1, $0xD;
	s1 =	sshrl.u32 s1, $0x2  }
0xc2: {  	s3 =	sand.u32 $0x4000, s31;
	s1 =	sadd.s32 s1, s30  }
0xc3: {  	s0 =	sor.u32 s3, s0;
	s1 =	sshll.u32 s1, $0x11  }
0xc4: {  	s0 =	sor.u32 s1, s0  }
0xc5: {  	s0 =	sadd.s32 $0x8F2B, s0  }
0xc6: {  	[sflag:s0] =	ssyncadd.remote.s32 $0x1  }
0xc7: {  	_ =	sfence.sel $0xFFFF  }
0xc8: {  	[dreg:$0x0] =	wrdreg $0xFFFFFFFF;
	(pc) =	sbr.abs _section_cstart, $3  }
0xc9: {  	[dreg:$0x1] =	wrdreg $0xFFFFFFFF  }
0xca: {  	_ =	task.clear_ibuf [dreg:s9], $0x2FFFF;
	_ =	strace $0x9FFFFFFF  }
0xcb: {  	(tm) =	ssettm $0x7FFFFFFF  }
tec
execute0_lowered:
.L_overlay_start_1:
0x0: {  	(tag) =	ssettag $0x1  }
0x1: {  	s0 =	rddreg [dreg:$0x0]  }
0x2: {  	s1 =	rddreg [dreg:$0x1]  }
0x3: {  	s2 =	rddreg [dreg:$0x2]  }
0x4: {  	s3 =	rddreg [dreg:$0x3];
	s4 =	srdreg.scid  }
0x5: {  	s12 =	stileid.u32;
	s5 =	rddreg [dreg:$0x4]  }
0x6: {  	s16 =	simm.s32 $0x38;
	s18 =	simm.s32 $0x30;
	s22 =	simm.s32 $0x28  }
0x7: {  	s28 =	simm.s32 $0x6;
	s30 =	simm.s32 $0x1;
	s31 =	simm.s32 $0x7D00  }
0x8: {  	s17 =	simm.s32 $0xB100;
	s19 =	simm.s32 $0xCD00;
	s20 =	simm.s32 $0x2  }
0x9: {  	s21 =	simm.s32 $0x3;
	s23 =	simm.s32 $0x4;
	s6 =	sand.u32 $0x1, s4  }
0xa: {  	s7 =	sshll.u32 s12, $0x1;
	s4 =	simm.s32 $0x0;
	s9 =	sshll.u32 s12, $0xF  }
0xb: {  	s10 =	sadd.s32 $0x183800, s3;
	s13 =	sadd.s32 $0x186A00, s1;
	s25 =	sadd.s32 $0x186A00, s3  }
0xc: {  	s11 =	sor.u32 s6, s7;
	[smem:$0x7FF] =	sst s4;
	s6 =	ssub.s32 $0x2, s6  }
0xd: {  	s5 =	sadd.s32 s9, s5;
	s9 =	sadd.s32 $0x183800, s1;
	s7 =	smul.u32 $0x320, s11  }
0xe: {  	_ =	strace $0x80000047;
	s8 =	sshrl.u32 s6, $0x1;
	[dreg:$0x7] =	wrdreg s13  }
0xf: {  	s24 =	sshll.u32 s11, $0xB;
	[dreg:$0x8] =	wrdreg s25;
	p0 =	seq.s32 s11, $0x1F  }
0x10: {  	p1 =	sne.s32 s11, $0x1F;
	s25 =	simm.s32 $0x5;
	s6 =	ssub.s32 s6, s8  }
.Ltmp0:
0x11: {  	s8 =	sadd.s32 $0x4000, s5;
	s0 =	sadd.s32 s7, s0;
	(pc) =	sbr.rel .LBB2_1-.Ltmp0, $4  }
0x12: {  	s7 =	smul.u32 $0x64000, s11;
	s26 =	smax.u32 s6, $0x1;
	s6 =	simm.s32 $0x7  }
0x13: {  	s0 =	sadd.s32 $0x600, s0;
	[dreg:$0xa] =	wrdreg s26;
	s26 =	sshll.u32 s12, $0x6  }
0x14: {  	[dreg:$0x6] =	wrdreg s0;
	s0 =	sadd.s32 s2, s24;
	s29 =	sor.u32 $0x1C03, s26  }
0x15: {  	s2 =	simm.s32 $0x9900;
	s24 =	simm.s32 $0x0;
	[dreg:$0x9] =	wrdreg s0  }
.LBB2_31:
0x16: {  	s0 =	stileid.u32  }
0x17: {  	s0 =	sshll.u32 @!p1 s0, $0x6  }
0x18: {  	s4 =	sshrl.u32 @!p1 s5, $0x3;
	s6 =	rddreg [dreg:$0x7];
	s0 =	sor.u32 @!p1 $0x1C07, s0  }
0x19: {  	[spmem:s4], [sflag:s0] =	dma.local @!p1 [hbm:s6], $0x10  }
0x1a: {  	s6 =	simm.s32 @!p1 $0x7  }
0x1b: {  	_ =	swait.ge @!p1 [sflag:s6], $0x10  }
0x1c: {  	[sflag:s6] =	ssyncset.done @!p1 $0x0  }
0x1d: {  	s11 =	rddreg [dreg:$0x8];
	[sflag:s6] =	ssyncadd.s32 @!p1 $0xFFFFFFF0  }
0x1e: {  	[hbm:s11], [sflag:s0] =	dma.local @!p1 [spmem:s4], $0x10  }
0x1f: {  	_ =	swait.ge @!p1 [sflag:s6], $0x10  }
0x20: {  	s14 =	simm.s32 $0xE100;
	s4 =	simm.s32 $0x0;
	[sflag:s6] =	ssyncset.done @!p1 $0x0  }
0x21: {  	s13 =	rddreg [dreg:$0x9];
	[sflag:s6] =	ssyncadd.s32 @!p1 $0xFFFFFFF0;
	s6 =	simm.s32 $0x7  }
0x22: {  	[hbm4b:s13+s4] =	stream.linear.scatter [tilespmem:s14], [sflag:$0x7], $0x4000, $0x38;
	[tilespmem:$0x1A100] =	vst v63  }
0x23: {  	_ =	swait.ge [sflag:s6], $0x4000  }
0x24: {  	s24 =	sadd.s32 $0x1, s24;
	s15 =	rddreg [dreg:$0xa]  }
0x25: {  	p2 =	sne.s32 s24, s15  }
.Ltmp1:
0x26: {  	_ = 	snop;
	(pc) =	sbr.rel @!p2 .LBB2_32-.Ltmp1, $3  }
0x27: {  	_ =	sdelay $0x1  }
0x28: {  	[sflag:s6] =	ssyncset.done $0x0  }
0x29: {  	[sflag:s6] =	ssyncadd.s32 $0xFFFFC000  }
.LBB2_1:
0x2a: {  	s0 =	rddreg [dreg:$0x6]  }
0x2b: {  	[tilespmem:s4], [sflag:$0x7] =	stream.linear.gather [hbm4b:s0+s4], $0x1900, $0x38;
	[tilespmem:$0x1A100] =	vst v63  }
0x2c: {  	_ =	swait.ge [sflag:s6], $0x1900  }
0x2d: {  	[sflag:s6] =	ssyncset.done $0x0  }
0x2e: {  	[sflag:s6] =	ssyncadd.s32 $0xFFFFE700;
	s6 =	simm.s32 $0x1900  }
0x2f: {  	[tilespmem:s6], [sflag:$0x1] =	stream.indirect.gather [hbm4b:s1+s16], $0x80, s4, s16, $0xb8;
	[tilespmem:$0x1A100] =	vst v63  }
0x30: {  	s11 =	simm.s32 $0x3500  }
0x31: {  	[tilespmem:s11], [sflag:$0x1] =	stream.indirect.gather [hbm4b:s1+s18], $0x80, s16, s18, $0xb8;
	[tilespmem:$0x1A100] =	vst v63  }
.Ltmp2:
0x32: {  	_ = 	snop;
	(pc) =	sbr.rel .LBB2_2-.Ltmp2, $4  }
0x33: {  	s12 =	simm.s32 $0x68;
	s13 =	simm.s32 $0x4D00  }
0x34: {  	[tilespmem:s13], [sflag:$0x1] =	stream.indirect.gather [hbm4b:s1+s16], $0x80, s12, s16, $0xb8;
	[tilespmem:$0x1A100] =	vst v63  }
0x35: {  	s14 =	simm.s32 $0xA0;
	s15 =	simm.s32 $0x6900;
	s0 =	simm.s32 $0x0  }
0x36: {  	[tilespmem:s15], [sflag:$0x1] =	stream.indirect.gather [hbm4b:s1+s22], $0x80, s14, s22, $0xb8;
	[tilespmem:$0x1A100] =	vst v63  }
.LBB2_29:
0x37: {  	_ =	swait.ge [sflag:s23], $0x200  }
0x38: {  	s4 =	sadd.s32 s13, s10;
	[sflag:s23] =	ssyncset.done $0x0  }
0x39: {  	s6 =	sor.u32 $0x1C06, s26;
	s11 =	sshrl.u32 s8, $0x3;
	[sflag:s23] =	ssyncadd.s32 $0xFFFFFE00  }
0x3a: {  	[hbm:s4], [sflag:s6] =	dma.local [spmem:s11], $0x200  }
.LBB2_30:
0x3b: {  	s0 =	sadd.s32 $0x1, s0  }
0x3c: {  	p2 =	sne.s32 s0, $0x10  }
.Ltmp3:
0x3d: {  	_ = 	snop;
	(pc) =	sbr.rel @!p2 .LBB2_31-.Ltmp3, $1  }
0x3e: {  	_ =	sdelay $0x3  }
.LBB2_2:
0x3f: {  	s11 =	sshll.u32 s0, $0x1  }
0x40: {  	s6 =	sadd.s32 $0xFFFFFFFE, s11  }
0x41: {  	p2 =	sgt.u32 s6, $0x18  }
.Ltmp4:
0x42: {  	_ = 	snop;
	(pc) =	sbr.rel @p2 .LBB2_5-.Ltmp4, $2  }
0x43: {  	_ =	sdelay $0x2  }
0x44: {  	s6 =	sshllo.u32 s0, $0x1  }
.Ltmp5:
0x45: {  	(pc) =	sbr.rel @!p0 .LBB2_4-.Ltmp5, $1  }
0x46: {  	_ =	sdelay $0x3  }
0x47: {  	p2 =	slt.u32 s0, $0xD  }
.Ltmp6:
0x48: {  	_ = 	snop;
	(pc) =	sbr.rel @p2 .LBB2_15-.Ltmp6, $4  }
.Ltmp7:
0x49: {  	_ = 	snop;
	(pc) =	sbr.rel @!p2 .LBB2_13-.Ltmp7, $4  }
0x4a: {  	_ =	swait.ge [sflag:s25], $0x200  }
0x4b: {  	[sflag:s25] =	ssyncset.done $0x0  }
0x4c: {  	[sflag:s25] =	ssyncadd.s32 $0xFFFFFE00  }
0x4d: {  	_ = 	snop  }
.LBB2_5:
0x4e: {  	s11 =	sadd.s32 $0xFFFFFFFF, s11  }
0x4f: {  	p2 =	slt.u32 s11, $0x19  }
.Ltmp8:
0x50: {  	_ = 	snop;
	(pc) =	sbr.rel @!p2 .LBB2_8-.Ltmp8, $1  }
0x51: {  	_ =	sdelay $0x3  }
.Ltmp9:
0x52: {  	(pc) =	sbr.rel @!p0 .LBB2_7-.Ltmp9, $1  }
0x53: {  	_ =	sdelay $0x3  }
.LBB2_15:
0x54: {  	p2 =	slt.u32 s0, $0xD  }
.Ltmp10:
0x55: {  	_ = 	snop;
	(pc) =	sbr.rel @!p2 .LBB2_13-.Ltmp10, $4  }
.Ltmp11:
0x56: {  	_ = 	snop;
	(pc) =	sbr.rel @p2 .LBB2_16-.Ltmp11, $4  }
0x57: {  	_ =	swait.ge [sflag:s28], $0x200  }
0x58: {  	[sflag:s28] =	ssyncset.done $0x0  }
0x59: {  	[sflag:s28] =	ssyncadd.s32 $0xFFFFFE00  }
0x5a: {  	_ = 	snop  }
.LBB2_4:
0x5b: {  	p2 =	slt.u32 s0, $0xD  }
.Ltmp12:
0x5c: {  	_ = 	snop;
	(pc) =	sbr.rel @!p2 .LBB2_8-.Ltmp12, $4  }
0x5d: {  	_ = 	snop  }
0x5e: {  	_ =	swait.ge [sflag:s25], $0x800  }
0x5f: {  	[sflag:s25] =	ssyncset.done $0x0  }
0x60: {  	[sflag:s25] =	ssyncadd.s32 $0xFFFFF800  }
.LBB2_7:
0x61: {  	_ =	swait.ge [sflag:s28], $0x800  }
0x62: {  	[sflag:s28] =	ssyncset.done $0x0  }
0x63: {  	[sflag:s28] =	ssyncadd.s32 $0xFFFFF800  }
.LBB2_8:
0x64: {  	p2 =	slt.u32 s0, $0xD  }
.Ltmp13:
0x65: {  	_ = 	snop;
	(pc) =	sbr.rel @!p2 .LBB2_13-.Ltmp13, $1  }
0x66: {  	_ =	sdelay $0x3  }
.Ltmp14:
0x67: {  	(pc) =	sbr.rel @!p0 .LBB2_10-.Ltmp14, $1  }
0x68: {  	_ =	sdelay $0x3  }
.LBB2_16:
0x69: {  	p4 =	slt.u32 s6, $0x19  }
.Ltmp15:
0x6a: {  	_ = 	snop;
	(pc) =	sbr.rel @!p4 .LBB2_18-.Ltmp15, $4  }
.Ltmp16:
0x6b: {  	_ = 	snop;
	(pc) =	sbr.rel @p4 .LBB2_17-.Ltmp16, $4  }
0x6c: {  	s11 =	sshll.u32 s0, $0xA;
	s12 =	sshrl.u32 s5, $0x3  }
0x6d: {  	p2 =	por $0x0, $0x0;
	p3 =	por $0x1, $0x1;
	s11 =	sadd.s32 s11, s9  }
0x6e: {  	[spmem:s12], [sflag:s29] =	dma.local [hbm:s11], $0x200  }
0x6f: {  	_ = 	snop  }
.LBB2_13:
0x70: {  	p4 =	slt.u32 s6, $0x19  }
.Ltmp17:
0x71: {  	_ = 	snop;
	(pc) =	sbr.rel @!p4 .LBB2_18-.Ltmp17, $2  }
0x72: {  	_ =	sdelay $0x2  }
0x73: {  	p3 =	por $0x0, $0x0;
	p2 =	por $0x0, $0x0  }
.Ltmp18:
0x74: {  	(pc) =	sbr.rel @!p0 .LBB2_11-.Ltmp18, $2  }
0x75: {  	_ =	sdelay $0x2  }
0x76: {  	p3 =	por $0x0, $0x0  }
.LBB2_17:
.Ltmp19:
0x77: {  	(pc) =	sbr.rel .LBB2_18-.Ltmp19, $4  }
0x78: {  	_ = 	snop  }
0x79: {  	s11 =	sshll.u32 s6, $0x9;
	s12 =	sor.u32 $0x1C04, s26  }
0x7a: {  	s13 =	sshrl.u32 s8, $0x3;
	p2 =	por $0x1, $0x1;
	s11 =	sadd.s32 s11, s9  }
0x7b: {  	[spmem:s13], [sflag:s12] =	dma.local [hbm:s11], $0x200  }
.LBB2_10:
0x7c: {  	p4 =	slt.u32 s6, $0x19  }
.Ltmp20:
0x7d: {  	s11 =	sshll.u32 s0, $0xF;
	(pc) =	sbr.rel @!p4 .LBB2_18-.Ltmp20, $4  }
0x7e: {  	s11 =	sadd.s32 s7, s11  }
0x7f: {  	s12 =	sshrl.u32 s5, $0x3;
	s11 =	sshrl.u32 s11, $0x3  }
0x80: {  	p2 =	por $0x0, $0x0;
	p3 =	por $0x1, $0x1;
	s11 =	sadd.s32 s1, s11  }
0x81: {  	[spmem:s12], [sflag:s29] =	dma.local [hbm:s11], $0x800  }
.LBB2_11:
0x82: {  	s11 =	sshll.u32 s6, $0xE  }
0x83: {  	s11 =	sadd.s32 s7, s11  }
0x84: {  	s12 =	sor.u32 $0x1C04, s26;
	s11 =	sshrl.u32 s11, $0x3  }
0x85: {  	s13 =	sshrl.u32 s8, $0x3;
	p2 =	por $0x1, $0x1;
	s11 =	sadd.s32 s1, s11  }
0x86: {  	[spmem:s13], [sflag:s12] =	dma.local [hbm:s11], $0x800  }
.LBB2_18:
0x87: {  	_ =	swait.ge [sflag:s30], $0x1C00  }
0x88: {  	[sflag:s30] =	ssyncset.done $0x0  }
0x89: {  	[sflag:s30] =	ssyncadd.s32 $0xFFFFE400  }
0x8a: {  	_ =	swait.ge [sflag:s30], $0x1800  }
0x8b: {  	[sflag:s30] =	ssyncset.done $0x0  }
0x8c: {  	[sflag:s30] =	ssyncadd.s32 $0xFFFFE800  }
0x8d: {  	_ =	swait.ge [sflag:s30], $0x1C00  }
0x8e: {  	[sflag:s30] =	ssyncset.done $0x0  }
0x8f: {  	[sflag:s30] =	ssyncadd.s32 $0xFFFFE400  }
0x90: {  	s11 =	smul.u32 $0x320, s6;
	_ =	swait.ge [sflag:s30], $0x1400  }
0x91: {  	[sflag:s30] =	ssyncset.done $0x0  }
0x92: {  	s11 =	sshra.s32 s11, $0x2;
	[sflag:s30] =	ssyncadd.s32 $0xFFFFEC00  }
0x93: {  	[tilespmem:s31], [sflag:$0x2] =	stream.indirect.gather [hbm4b:s1+s16], $0x80, s11, s16, $0xb8;
	[tilespmem:$0x1A100] =	vst v63  }
0x94: {  	s12 =	sadd.s32 $0x38, s11  }
0x95: {  	[tilespmem:s2], [sflag:$0x2] =	stream.indirect.gather [hbm4b:s1+s18], $0x80, s12, s18, $0xb8;
	[tilespmem:$0x1A100] =	vst v63  }
0x96: {  	s15 =	sadd.s32 $0x68, s11  }
0x97: {  	[tilespmem:s17], [sflag:$0x2] =	stream.indirect.gather [hbm4b:s1+s16], $0x80, s15, s16, $0xb8;
	[tilespmem:$0x1A100] =	vst v63  }
0x98: {  	s13 =	simm.s32 $0x0;
	s11 =	sadd.s32 $0xA0, s11  }
0x99: {  	[tilespmem:s19], [sflag:$0x2] =	stream.indirect.gather [hbm4b:s1+s22], $0x80, s11, s22, $0xb8;
	[tilespmem:$0x1A100] =	vst v63  }
0x9a: {  	v0 =	vld [tilespmem:s13+$0x6470]  }
0x9b: {  	v2 =	vld [tilespmem:s13+$0x1900]  }
0x9c: {  	v3 =	vld [tilespmem:s13+$0x1910]  }
0x9d: {  	v4 =	vld [tilespmem:s13+$0x1920]  }
0x9e: {  	v5 =	vld [tilespmem:s13+$0x1930]  }
0x9f: {  	v6 =	vld [tilespmem:s13+$0x1940]  }
0xa0: {  	v7 =	vld [tilespmem:s13+$0x1950]  }
0xa1: {  	v8 =	vld [tilespmem:s13+$0x1960]  }
0xa2: {  	v9 =	vld [tilespmem:s13+$0x1970]  }
0xa3: {  	v10 =	vld [tilespmem:s13+$0x3200]  }
0xa4: {  	v11 =	vld [tilespmem:s13+$0x3210]  }
0xa5: {  	v12 =	vld [tilespmem:s13+$0x3220]  }
0xa6: {  	v13 =	vld [tilespmem:s13+$0x3230]  }
0xa7: {  	v14 =	vld [tilespmem:s13+$0x3240]  }
0xa8: {  	v15 =	vld [tilespmem:s13+$0x3250]  }
0xa9: {  	v16 =	vld [tilespmem:s13+$0x3260]  }
0xaa: {  	v32 =	vld [tilespmem:s13+$0x3270]  }
0xab: {  	v1 =	vimm.f32 $0.0e+00;
	v33 =	vld [tilespmem:s13+$0x4B00]  }
0xac: {  	v34 =	vld [tilespmem:s13+$0x4B10];
	v0 =	vadd.f32 v0, v1  }
0xad: {  	v37 =	vld [tilespmem:s13+$0x6400];
	v31 =	vadd.f32 v2, v1;
	v29 =	vadd.f32 v3, v1  }
0xae: {  	v2 =	vld [tilespmem:s13+$0x4B20];
	v30 =	vadd.f32 v4, v1;
	v28 =	vadd.f32 v5, v1  }
0xaf: {  	v3 =	vld [tilespmem:s13+$0x4B30];
	v27 =	vadd.f32 v6, v1;
	v26 =	vadd.f32 v7, v1  }
0xb0: {  	v4 =	vld [tilespmem:s13+$0x4B40];
	v25 =	vadd.f32 v8, v1;
	v24 =	vadd.f32 v9, v1  }
0xb1: {  	v5 =	vld [tilespmem:s13+$0x4B50];
	v23 =	vadd.f32 v10, v1;
	v22 =	vadd.f32 v11, v1  }
0xb2: {  	v6 =	vld [tilespmem:s13+$0x4B60];
	v21 =	vadd.f32 v12, v1;
	v20 =	vadd.f32 v13, v1  }
0xb3: {  	v7 =	vld [tilespmem:s13+$0x4B70];
	v19 =	vadd.f32 v14, v1;
	v18 =	vadd.f32 v15, v1  }
0xb4: {  	v38 =	vld [tilespmem:s13+$0x6410];
	v17 =	vadd.f32 v16, v1;
	v16 =	vadd.f32 v32, v1  }
0xb5: {  	v15 =	vadd.f32 v33, v1;
	v14 =	vadd.f32 v34, v1  }
0xb6: {  	v36 =	vld [tilespmem:s13+$0x6420];
	v13 =	vadd.f32 v2, v1;
	v12 =	vadd.f32 v3, v1  }
0xb7: {  	v35 =	vld [tilespmem:s13+$0x6430];
	v11 =	vadd.f32 v4, v1;
	v10 =	vadd.f32 v5, v1  }
0xb8: {  	v34 =	vld [tilespmem:s13+$0x6440];
	v9 =	vadd.f32 v6, v1;
	v8 =	vadd.f32 v7, v1  }
0xb9: {  	v32 =	vld [tilespmem:s13+$0x6450];
	v7 =	vadd.f32 v37, v1;
	v4 =	vadd.f32 v38, v1;
	v5 =	vimm.f32 $0.0e+00  }
0xba: {  	s12 =	simm.s32 $0x80;
	s11 =	simm.s32 $0x400;
	v33 =	vld [tilespmem:s13+$0x6460];
	v6 =	vimm.f32 $0.0e+00;
	v3 =	vimm.f32 $0.0e+00;
	v2 =	vimm.f32 $0.0e+00  }
.LBB2_19:
0xbb: {  	p4 =	sne.s32 s11, $0x6200;
	v37 =	vld [tilespmem:s12+$0x6470];
	v1 =	vadd.f32 v36, v1  }
0xbc: {  	v36 =	vld [tilespmem:s12+$0x1900];
	v5 =	vadd.f32 v35, v5  }
0xbd: {  	v35 =	vld [tilespmem:s12+$0x1910];
	v6 =	vadd.f32 v34, v6  }
0xbe: {  	v34 =	vld [tilespmem:s12+$0x1920];
	v3 =	vadd.f32 v32, v3  }
0xbf: {  	v32 =	vld [tilespmem:s12+$0x1930];
	v2 =	vadd.f32 v33, v2  }
0xc0: {  	v33 =	vld [tilespmem:s12+$0x1940];
	v0 =	vadd.f32 v37, v0  }
0xc1: {  	v31 =	vadd.f32 v36, v31;
	v36 =	vld [tilespmem:s12+$0x1950]  }
0xc2: {  	v29 =	vadd.f32 v35, v29;
	v35 =	vld [tilespmem:s12+$0x1960]  }
0xc3: {  	v30 =	vadd.f32 v34, v30;
	v34 =	vld [tilespmem:s12+$0x1970]  }
0xc4: {  	v28 =	vadd.f32 v32, v28;
	v32 =	vld [tilespmem:s12+$0x3200]  }
0xc5: {  	v27 =	vadd.f32 v33, v27;
	v33 =	vld [tilespmem:s12+$0x3210]  }
0xc6: {  	v26 =	vadd.f32 v36, v26;
	v36 =	vld [tilespmem:s12+$0x3220]  }
0xc7: {  	v25 =	vadd.f32 v35, v25;
	v35 =	vld [tilespmem:s12+$0x3230]  }
0xc8: {  	v24 =	vadd.f32 v34, v24;
	v34 =	vld [tilespmem:s12+$0x3240]  }
0xc9: {  	v23 =	vadd.f32 v32, v23;
	v32 =	vld [tilespmem:s12+$0x3250]  }
0xca: {  	v22 =	vadd.f32 v33, v22;
	v33 =	vld [tilespmem:s12+$0x3260]  }
0xcb: {  	v21 =	vadd.f32 v36, v21;
	v36 =	vld [tilespmem:s12+$0x3270]  }
0xcc: {  	v20 =	vadd.f32 v35, v20;
	v35 =	vld [tilespmem:s12+$0x4B00]  }
0xcd: {  	v19 =	vadd.f32 v34, v19;
	v34 =	vld [tilespmem:s12+$0x4B10]  }
0xce: {  	v18 =	vadd.f32 v32, v18;
	v32 =	vld [tilespmem:s12+$0x4B20]  }
0xcf: {  	v17 =	vadd.f32 v33, v17;
	v33 =	vld [tilespmem:s12+$0x4B30]  }
0xd0: {  	v16 =	vadd.f32 v36, v16;
	v36 =	vld [tilespmem:s12+$0x4B40]  }
0xd1: {  	v15 =	vadd.f32 v35, v15;
	v35 =	vld [tilespmem:s12+$0x4B50]  }
0xd2: {  	v14 =	vadd.f32 v34, v14;
	v34 =	vld [tilespmem:s12+$0x4B60]  }
0xd3: {  	v13 =	vadd.f32 v32, v13;
	v32 =	vld [tilespmem:s12+$0x4B70]  }
0xd4: {  	v12 =	vadd.f32 v33, v12;
	v33 =	vld [tilespmem:s12+$0x6400]  }
0xd5: {  	v11 =	vadd.f32 v36, v11;
	v37 =	vld [tilespmem:s12+$0x6410]  }
.Ltmp21:
0xd6: {  	v10 =	vadd.f32 v35, v10;
	v36 =	vld [tilespmem:s12+$0x6420];
	(pc) =	sbr.rel @p4 .LBB2_19-.Ltmp21, $4  }
0xd7: {  	v9 =	vadd.f32 v34, v9;
	v35 =	vld [tilespmem:s12+$0x6430]  }
0xd8: {  	v8 =	vadd.f32 v32, v8;
	v34 =	vld [tilespmem:s12+$0x6440]  }
0xd9: {  	v7 =	vadd.f32 v33, v7;
	v32 =	vld [tilespmem:s12+$0x6450]  }
0xda: {  	v4 =	vadd.f32 v37, v4;
	v33 =	vld [tilespmem:s12+$0x6460];
	s12 =	sshra.s32 s11, $0x2;
	s11 =	sadd.s32 $0x200, s11  }
0xdb: {  	v37 =	vld [tilespmem:s12+$0x6470]  }
0xdc: {  	v38 =	vld [tilespmem:s12+$0x1900]  }
0xdd: {  	v39 =	vld [tilespmem:s12+$0x1910]  }
0xde: {  	v40 =	vld [tilespmem:s12+$0x1920]  }
0xdf: {  	v41 =	vld [tilespmem:s12+$0x1930]  }
0xe0: {  	v42 =	vld [tilespmem:s12+$0x1940]  }
0xe1: {  	v43 =	vld [tilespmem:s12+$0x1950]  }
0xe2: {  	v44 =	vld [tilespmem:s12+$0x1960]  }
0xe3: {  	v45 =	vld [tilespmem:s12+$0x1970]  }
0xe4: {  	v46 =	vld [tilespmem:s12+$0x3200]  }
0xe5: {  	v47 =	vld [tilespmem:s12+$0x3210]  }
0xe6: {  	v48 =	vld [tilespmem:s12+$0x3220]  }
0xe7: {  	v49 =	vld [tilespmem:s12+$0x3230]  }
0xe8: {  	v50 =	vld [tilespmem:s12+$0x3240]  }
0xe9: {  	v51 =	vld [tilespmem:s12+$0x3250]  }
0xea: {  	v52 =	vld [tilespmem:s12+$0x3260]  }
0xeb: {  	v53 =	vld [tilespmem:s12+$0x3270]  }
0xec: {  	v54 =	vld [tilespmem:s12+$0x4B00]  }
0xed: {  	v55 =	vld [tilespmem:s12+$0x4B10]  }
0xee: {  	v56 =	vld [tilespmem:s12+$0x4B20]  }
0xef: {  	v57 =	vld [tilespmem:s12+$0x4B30]  }
0xf0: {  	v58 =	vld [tilespmem:s12+$0x4B40]  }
0xf1: {  	v59 =	vld [tilespmem:s12+$0x4B50]  }
0xf2: {  	v60 =	vld [tilespmem:s12+$0x4B60]  }
0xf3: {  	v61 =	vld [tilespmem:s12+$0x4B70]  }
0xf4: {  	v62 =	vld [tilespmem:s12+$0x6400]  }
0xf5: {  	v63 =	vld [tilespmem:s12+$0x6410]  }
0xf6: {  	[tilespmem:$0x1FFF0] =	vst v37;
	v37 =	vld [tilespmem:s12+$0x6420];
	v31 =	vadd.f32 v38, v31  }
0xf7: {  	v38 =	vld [tilespmem:s12+$0x6430];
	v29 =	vadd.f32 v39, v29  }
0xf8: {  	v39 =	vld [tilespmem:s12+$0x6440];
	v30 =	vadd.f32 v40, v30;
	v31 =	vmul.f32 $1.999999960e-02, v31  }
0xf9: {  	s11 =	sshll.u32 s0, $0xA;
	v40 =	vld [tilespmem:s12+$0x6450];
	v28 =	vadd.f32 v41, v28;
	v29 =	vmul.f32 $1.999999960e-02, v29  }
0xfa: {  	v41 =	vld [tilespmem:s12+$0x6460];
	v27 =	vadd.f32 v42, v27;
	v30 =	vmul.f32 $1.999999960e-02, v30;
	[tilespmem:s11+$0xE100] =	vst v31  }
0xfb: {  	v26 =	vadd.f32 v43, v26;
	v28 =	vmul.f32 $1.999999960e-02, v28;
	[tilespmem:s11+$0xE110] =	vst v29  }
0xfc: {  	v25 =	vadd.f32 v44, v25;
	v27 =	vmul.f32 $1.999999960e-02, v27;
	[tilespmem:s11+$0xE120] =	vst v30  }
0xfd: {  	v24 =	vadd.f32 v45, v24;
	v26 =	vmul.f32 $1.999999960e-02, v26;
	[tilespmem:s11+$0xE130] =	vst v28  }
0xfe: {  	v23 =	vadd.f32 v46, v23;
	v25 =	vmul.f32 $1.999999960e-02, v25;
	[tilespmem:s11+$0xE140] =	vst v27  }
0xff: {  	v22 =	vadd.f32 v47, v22;
	v24 =	vmul.f32 $1.999999960e-02, v24;
	[tilespmem:s11+$0xE150] =	vst v26  }
0x100: {  	v21 =	vadd.f32 v48, v21;
	v23 =	vmul.f32 $1.999999960e-02, v23;
	[tilespmem:s11+$0xE160] =	vst v25  }
0x101: {  	v20 =	vadd.f32 v49, v20;
	v22 =	vmul.f32 $1.999999960e-02, v22;
	[tilespmem:s11+$0xE170] =	vst v24  }
0x102: {  	v19 =	vadd.f32 v50, v19;
	v21 =	vmul.f32 $1.999999960e-02, v21;
	[tilespmem:s11+$0xE180] =	vst v23  }
0x103: {  	v18 =	vadd.f32 v51, v18;
	v20 =	vmul.f32 $1.999999960e-02, v20;
	[tilespmem:s11+$0xE190] =	vst v22  }
0x104: {  	v17 =	vadd.f32 v52, v17;
	v19 =	vmul.f32 $1.999999960e-02, v19;
	[tilespmem:s11+$0xE1A0] =	vst v21  }
0x105: {  	v16 =	vadd.f32 v53, v16;
	v18 =	vmul.f32 $1.999999960e-02, v18;
	[tilespmem:s11+$0xE1B0] =	vst v20  }
0x106: {  	v15 =	vadd.f32 v54, v15;
	v17 =	vmul.f32 $1.999999960e-02, v17;
	[tilespmem:s11+$0xE1C0] =	vst v19  }
0x107: {  	v14 =	vadd.f32 v55, v14;
	v16 =	vmul.f32 $1.999999960e-02, v16;
	[tilespmem:s11+$0xE1D0] =	vst v18  }
0x108: {  	v13 =	vadd.f32 v56, v13;
	v15 =	vmul.f32 $1.999999960e-02, v15;
	[tilespmem:s11+$0xE1E0] =	vst v17  }
0x109: {  	v12 =	vadd.f32 v57, v12;
	v14 =	vmul.f32 $1.999999960e-02, v14;
	[tilespmem:s11+$0xE1F0] =	vst v16  }
0x10a: {  	v11 =	vadd.f32 v58, v11;
	v13 =	vmul.f32 $1.999999960e-02, v13;
	[tilespmem:s11+$0xE200] =	vst v15  }
0x10b: {  	v10 =	vadd.f32 v59, v10;
	v12 =	vmul.f32 $1.999999960e-02, v12;
	[tilespmem:s11+$0xE210] =	vst v14  }
0x10c: {  	v5 =	vadd.f32 v35, v5;
	v4 =	vadd.f32 v63, v4;
	v11 =	vmul.f32 $1.999999960e-02, v11;
	[tilespmem:s11+$0xE220] =	vst v13  }
0x10d: {  	v1 =	vadd.f32 v36, v1;
	v9 =	vadd.f32 v60, v9;
	v10 =	vmul.f32 $1.999999960e-02, v10;
	[tilespmem:s11+$0xE230] =	vst v12  }
0x10e: {  	v8 =	vadd.f32 v61, v8;
	v4 =	vmul.f32 $1.999999960e-02, v4;
	[tilespmem:s11+$0xE240] =	vst v11;
	v5 =	vadd.f32 v38, v5  }
0x10f: {  	v6 =	vadd.f32 v34, v6;
	v7 =	vadd.f32 v62, v7;
	v9 =	vmul.f32 $1.999999960e-02, v9;
	[tilespmem:s11+$0xE250] =	vst v10  }
0x110: {  	v8 =	vmul.f32 $1.999999960e-02, v8;
	[tilespmem:s11+$0xE290] =	vst v4;
	v1 =	vadd.f32 v37, v1;
	v4 =	vmul.f32 $1.999999960e-02, v5;
	v5 =	vld [tilespmem:$0x1FFF0]  }
0x111: {  	v3 =	vadd.f32 v32, v3;
	v7 =	vmul.f32 $1.999999960e-02, v7;
	[tilespmem:s11+$0xE260] =	vst v9  }
0x112: {  	v2 =	vadd.f32 v33, v2;
	[tilespmem:s11+$0xE270] =	vst v8;
	v6 =	vadd.f32 v39, v6;
	v1 =	vmul.f32 $1.999999960e-02, v1  }
0x113: {  	[tilespmem:s11+$0xE280] =	vst v7;
	v3 =	vadd.f32 v40, v3  }
0x114: {  	v2 =	vadd.f32 v41, v2;
	[tilespmem:s11+$0xE2A0] =	vst v1;
	v1 =	vmul.f32 $1.999999960e-02, v6  }
0x115: {  	v3 =	vmul.f32 $1.999999960e-02, v3;
	[tilespmem:s11+$0xE2B0] =	vst v4;
	v0 =	vadd.f32 v5, v0  }
0x116: {  	[tilespmem:s11+$0xE2C0] =	vst v1;
	v1 =	vmul.f32 $1.999999960e-02, v2  }
0x117: {  	[tilespmem:s11+$0xE2D0] =	vst v3;
	v0 =	vmul.f32 $1.999999960e-02, v0  }
0x118: {  	[tilespmem:s11+$0xE2E0] =	vst v1  }
0x119: {  	[tilespmem:s11+$0xE2F0] =	vst v0  }
0x11a: {  	_ =	swait.ge [sflag:s20], $0x1C00  }
0x11b: {  	[sflag:s20] =	ssyncset.done $0x0  }
0x11c: {  	[sflag:s20] =	ssyncadd.s32 $0xFFFFE400  }
0x11d: {  	_ =	swait.ge [sflag:s20], $0x1800  }
0x11e: {  	[sflag:s20] =	ssyncset.done $0x0  }
0x11f: {  	[sflag:s20] =	ssyncadd.s32 $0xFFFFE800  }
0x120: {  	_ =	swait.ge [sflag:s20], $0x1C00  }
0x121: {  	p4 =	seq.s32 s0, $0xF;
	[sflag:s20] =	ssyncset.done $0x0  }
0x122: {  	s12 =	smul.u32 @!p4 $0x640, s0;
	[sflag:s20] =	ssyncadd.s32 $0xFFFFE400  }
0x123: {  	_ =	swait.ge [sflag:s20], $0x1400  }
0x124: {  	s14 =	simm.s32 @!p4 $0x38;
	s12 =	sshra.s32 @!p4 s12, $0x2;
	[sflag:s20] =	ssyncset.done $0x0  }
0x125: {  	s4 =	simm.s32 @!p4 $0x1900;
	s13 =	sadd.s32 @!p4 $0x190, s12;
	[sflag:s20] =	ssyncadd.s32 $0xFFFFEC00  }
0x126: {  	[tilespmem:s4], [sflag:$0x1] =	stream.indirect.gather @!p4 [hbm4b:s1+s14], $0x80, s13, s14, $0xb8;
	[tilespmem:$0x1A100] =	vst v63  }
0x127: {  	s15 =	simm.s32 @!p4 $0x3500;
	s4 =	sadd.s32 @!p4 $0x1C8, s12;
	s13 =	simm.s32 @!p4 $0x30  }
0x128: {  	[tilespmem:s15], [sflag:$0x1] =	stream.indirect.gather @!p4 [hbm4b:s1+s13], $0x80, s4, s13, $0xb8;
	[tilespmem:$0x1A100] =	vst v63  }
0x129: {  	s4 =	sadd.s32 @!p4 $0x1F8, s12;
	s13 =	simm.s32 @!p4 $0x4D00;
	s15 =	simm.s32 $0x0  }
0x12a: {  	[tilespmem:s13], [sflag:$0x1] =	stream.indirect.gather @!p4 [hbm4b:s1+s14], $0x80, s4, s14, $0xb8;
	[tilespmem:$0x1A100] =	vst v63  }
0x12b: {  	s4 =	sadd.s32 @!p4 $0x230, s12;
	s12 =	simm.s32 @!p4 $0x28;
	s13 =	simm.s32 @!p4 $0x6900  }
0x12c: {  	[tilespmem:s13], [sflag:$0x1] =	stream.indirect.gather @!p4 [hbm4b:s1+s12], $0x80, s4, s12, $0xb8;
	[tilespmem:$0x1A100] =	vst v63  }
0x12d: {  	v0 =	vld [tilespmem:s15+$0xC870]  }
0x12e: {  	v2 =	vld [tilespmem:s15+$0x7D00]  }
0x12f: {  	v3 =	vld [tilespmem:s15+$0x7D10]  }
0x130: {  	v4 =	vld [tilespmem:s15+$0x7D20]  }
0x131: {  	v5 =	vld [tilespmem:s15+$0x7D30]  }
0x132: {  	v6 =	vld [tilespmem:s15+$0x7D40]  }
0x133: {  	v7 =	vld [tilespmem:s15+$0x7D50]  }
0x134: {  	v8 =	vld [tilespmem:s15+$0x7D60]  }
0x135: {  	v9 =	vld [tilespmem:s15+$0x7D70]  }
0x136: {  	v10 =	vld [tilespmem:s15+$0x9600]  }
0x137: {  	v11 =	vld [tilespmem:s15+$0x9610]  }
0x138: {  	v12 =	vld [tilespmem:s15+$0x9620]  }
0x139: {  	v13 =	vld [tilespmem:s15+$0x9630]  }
0x13a: {  	v14 =	vld [tilespmem:s15+$0x9640]  }
0x13b: {  	v15 =	vld [tilespmem:s15+$0x9650]  }
0x13c: {  	v16 =	vld [tilespmem:s15+$0x9660]  }
0x13d: {  	v59 =	vld [tilespmem:s15+$0x9670]  }
0x13e: {  	v1 =	vimm.f32 $0.0e+00;
	v60 =	vld [tilespmem:s15+$0xAF00]  }
0x13f: {  	v61 =	vld [tilespmem:s15+$0xAF10];
	v0 =	vadd.f32 v0, v1  }
0x140: {  	v62 =	vld [tilespmem:s15+$0xC800];
	v31 =	vadd.f32 v2, v1;
	v29 =	vadd.f32 v3, v1  }
0x141: {  	v2 =	vld [tilespmem:s15+$0xAF20];
	v30 =	vadd.f32 v4, v1;
	v28 =	vadd.f32 v5, v1  }
0x142: {  	v3 =	vld [tilespmem:s15+$0xAF30];
	v27 =	vadd.f32 v6, v1;
	v26 =	vadd.f32 v7, v1  }
0x143: {  	v4 =	vld [tilespmem:s15+$0xAF40];
	v25 =	vadd.f32 v8, v1;
	v24 =	vadd.f32 v9, v1  }
0x144: {  	v5 =	vld [tilespmem:s15+$0xAF50];
	v23 =	vadd.f32 v10, v1;
	v22 =	vadd.f32 v11, v1  }
0x145: {  	v6 =	vld [tilespmem:s15+$0xAF60];
	v21 =	vadd.f32 v12, v1;
	v20 =	vadd.f32 v13, v1  }
0x146: {  	v7 =	vld [tilespmem:s15+$0xAF70];
	v19 =	vadd.f32 v14, v1;
	v18 =	vadd.f32 v15, v1  }
0x147: {  	v63 =	vld [tilespmem:s15+$0xC810];
	v17 =	vadd.f32 v16, v1;
	v16 =	vadd.f32 v59, v1  }
0x148: {  	v15 =	vadd.f32 v60, v1;
	v14 =	vadd.f32 v61, v1  }
0x149: {  	v36 =	vld [tilespmem:s15+$0xC820];
	v13 =	vadd.f32 v2, v1;
	v12 =	vadd.f32 v3, v1  }
0x14a: {  	v35 =	vld [tilespmem:s15+$0xC830];
	v11 =	vadd.f32 v4, v1;
	v10 =	vadd.f32 v5, v1  }
0x14b: {  	v34 =	vld [tilespmem:s15+$0xC840];
	v9 =	vadd.f32 v6, v1;
	v8 =	vadd.f32 v7, v1  }
0x14c: {  	v32 =	vld [tilespmem:s15+$0xC850];
	v7 =	vadd.f32 v62, v1;
	v4 =	vadd.f32 v63, v1;
	v5 =	vimm.f32 $0.0e+00  }
0x14d: {  	s12 =	simm.s32 $0x80;
	s13 =	simm.s32 $0x400;
	v33 =	vld [tilespmem:s15+$0xC860];
	v6 =	vimm.f32 $0.0e+00;
	v3 =	vimm.f32 $0.0e+00;
	v2 =	vimm.f32 $0.0e+00  }
.LBB2_21:
0x14e: {  	p4 =	sne.s32 s13, $0x6200;
	v37 =	vld [tilespmem:s12+$0xC870];
	v1 =	vadd.f32 v36, v1  }
0x14f: {  	v36 =	vld [tilespmem:s12+$0x7D00];
	v5 =	vadd.f32 v35, v5  }
0x150: {  	v35 =	vld [tilespmem:s12+$0x7D10];
	v6 =	vadd.f32 v34, v6  }
0x151: {  	v34 =	vld [tilespmem:s12+$0x7D20];
	v3 =	vadd.f32 v32, v3  }
0x152: {  	v32 =	vld [tilespmem:s12+$0x7D30];
	v2 =	vadd.f32 v33, v2  }
0x153: {  	v33 =	vld [tilespmem:s12+$0x7D40];
	v0 =	vadd.f32 v37, v0  }
0x154: {  	v31 =	vadd.f32 v36, v31;
	v36 =	vld [tilespmem:s12+$0x7D50]  }
0x155: {  	v29 =	vadd.f32 v35, v29;
	v35 =	vld [tilespmem:s12+$0x7D60]  }
0x156: {  	v30 =	vadd.f32 v34, v30;
	v34 =	vld [tilespmem:s12+$0x7D70]  }
0x157: {  	v28 =	vadd.f32 v32, v28;
	v32 =	vld [tilespmem:s12+$0x9600]  }
0x158: {  	v27 =	vadd.f32 v33, v27;
	v33 =	vld [tilespmem:s12+$0x9610]  }
0x159: {  	v26 =	vadd.f32 v36, v26;
	v36 =	vld [tilespmem:s12+$0x9620]  }
0x15a: {  	v25 =	vadd.f32 v35, v25;
	v35 =	vld [tilespmem:s12+$0x9630]  }
0x15b: {  	v24 =	vadd.f32 v34, v24;
	v34 =	vld [tilespmem:s12+$0x9640]  }
0x15c: {  	v23 =	vadd.f32 v32, v23;
	v32 =	vld [tilespmem:s12+$0x9650]  }
0x15d: {  	v22 =	vadd.f32 v33, v22;
	v33 =	vld [tilespmem:s12+$0x9660]  }
0x15e: {  	v21 =	vadd.f32 v36, v21;
	v36 =	vld [tilespmem:s12+$0x9670]  }
0x15f: {  	v20 =	vadd.f32 v35, v20;
	v35 =	vld [tilespmem:s12+$0xAF00]  }
0x160: {  	v19 =	vadd.f32 v34, v19;
	v34 =	vld [tilespmem:s12+$0xAF10]  }
0x161: {  	v18 =	vadd.f32 v32, v18;
	v32 =	vld [tilespmem:s12+$0xAF20]  }
0x162: {  	v17 =	vadd.f32 v33, v17;
	v33 =	vld [tilespmem:s12+$0xAF30]  }
0x163: {  	v16 =	vadd.f32 v36, v16;
	v36 =	vld [tilespmem:s12+$0xAF40]  }
0x164: {  	v15 =	vadd.f32 v35, v15;
	v35 =	vld [tilespmem:s12+$0xAF50]  }
0x165: {  	v14 =	vadd.f32 v34, v14;
	v34 =	vld [tilespmem:s12+$0xAF60]  }
0x166: {  	v13 =	vadd.f32 v32, v13;
	v32 =	vld [tilespmem:s12+$0xAF70]  }
0x167: {  	v12 =	vadd.f32 v33, v12;
	v33 =	vld [tilespmem:s12+$0xC800]  }
0x168: {  	v11 =	vadd.f32 v36, v11;
	v37 =	vld [tilespmem:s12+$0xC810]  }
.Ltmp22:
0x169: {  	v10 =	vadd.f32 v35, v10;
	v36 =	vld [tilespmem:s12+$0xC820];
	(pc) =	sbr.rel @p4 .LBB2_21-.Ltmp22, $4  }
0x16a: {  	v9 =	vadd.f32 v34, v9;
	v35 =	vld [tilespmem:s12+$0xC830]  }
0x16b: {  	v8 =	vadd.f32 v32, v8;
	v34 =	vld [tilespmem:s12+$0xC840]  }
0x16c: {  	v7 =	vadd.f32 v33, v7;
	v32 =	vld [tilespmem:s12+$0xC850]  }
0x16d: {  	v4 =	vadd.f32 v37, v4;
	v33 =	vld [tilespmem:s12+$0xC860];
	s12 =	sshra.s32 s13, $0x2;
	s13 =	sadd.s32 $0x200, s13  }
0x16e: {  	v37 =	vld [tilespmem:s12+$0xC870]  }
0x16f: {  	v38 =	vld [tilespmem:s12+$0x7D00]  }
0x170: {  	v39 =	vld [tilespmem:s12+$0x7D10]  }
0x171: {  	v40 =	vld [tilespmem:s12+$0x7D20]  }
0x172: {  	v41 =	vld [tilespmem:s12+$0x7D30]  }
0x173: {  	v42 =	vld [tilespmem:s12+$0x7D40]  }
0x174: {  	v43 =	vld [tilespmem:s12+$0x7D50]  }
0x175: {  	v44 =	vld [tilespmem:s12+$0x7D60]  }
0x176: {  	v45 =	vld [tilespmem:s12+$0x7D70]  }
0x177: {  	v46 =	vld [tilespmem:s12+$0x9600]  }
0x178: {  	v47 =	vld [tilespmem:s12+$0x9610]  }
0x179: {  	v48 =	vld [tilespmem:s12+$0x9620]  }
0x17a: {  	v49 =	vld [tilespmem:s12+$0x9630]  }
0x17b: {  	v50 =	vld [tilespmem:s12+$0x9640]  }
0x17c: {  	v51 =	vld [tilespmem:s12+$0x9650]  }
0x17d: {  	v52 =	vld [tilespmem:s12+$0x9660]  }
0x17e: {  	v53 =	vld [tilespmem:s12+$0x9670]  }
0x17f: {  	v54 =	vld [tilespmem:s12+$0xAF00]  }
0x180: {  	v55 =	vld [tilespmem:s12+$0xAF10]  }
0x181: {  	v56 =	vld [tilespmem:s12+$0xAF20]  }
0x182: {  	v57 =	vld [tilespmem:s12+$0xAF30]  }
0x183: {  	v58 =	vld [tilespmem:s12+$0xAF40]  }
0x184: {  	v59 =	vld [tilespmem:s12+$0xAF50]  }
0x185: {  	v60 =	vld [tilespmem:s12+$0xAF60]  }
0x186: {  	v61 =	vld [tilespmem:s12+$0xAF70]  }
0x187: {  	v62 =	vld [tilespmem:s12+$0xC800]  }
0x188: {  	v63 =	vld [tilespmem:s12+$0xC810]  }
0x189: {  	[tilespmem:$0x1FFE0] =	vst v37;
	v37 =	vld [tilespmem:s12+$0xC820];
	v31 =	vadd.f32 v38, v31  }
0x18a: {  	v38 =	vld [tilespmem:s12+$0xC830];
	v29 =	vadd.f32 v39, v29  }
0x18b: {  	v39 =	vld [tilespmem:s12+$0xC840];
	v30 =	vadd.f32 v40, v30;
	v31 =	vmul.f32 $1.999999960e-02, v31  }
0x18c: {  	s13 =	sshll.u32 s6, $0x9;
	v40 =	vld [tilespmem:s12+$0xC850];
	v28 =	vadd.f32 v41, v28;
	v29 =	vmul.f32 $1.999999960e-02, v29  }
0x18d: {  	v41 =	vld [tilespmem:s12+$0xC860];
	v27 =	vadd.f32 v42, v27;
	v30 =	vmul.f32 $1.999999960e-02, v30;
	[tilespmem:s13+$0xE100] =	vst v31  }
0x18e: {  	v26 =	vadd.f32 v43, v26;
	v28 =	vmul.f32 $1.999999960e-02, v28;
	[tilespmem:s13+$0xE110] =	vst v29  }
0x18f: {  	v25 =	vadd.f32 v44, v25;
	v27 =	vmul.f32 $1.999999960e-02, v27;
	[tilespmem:s13+$0xE120] =	vst v30  }
0x190: {  	v24 =	vadd.f32 v45, v24;
	v26 =	vmul.f32 $1.999999960e-02, v26;
	[tilespmem:s13+$0xE130] =	vst v28  }
0x191: {  	v23 =	vadd.f32 v46, v23;
	v25 =	vmul.f32 $1.999999960e-02, v25;
	[tilespmem:s13+$0xE140] =	vst v27  }
0x192: {  	v22 =	vadd.f32 v47, v22;
	v24 =	vmul.f32 $1.999999960e-02, v24;
	[tilespmem:s13+$0xE150] =	vst v26  }
0x193: {  	v21 =	vadd.f32 v48, v21;
	v23 =	vmul.f32 $1.999999960e-02, v23;
	[tilespmem:s13+$0xE160] =	vst v25  }
0x194: {  	v20 =	vadd.f32 v49, v20;
	v22 =	vmul.f32 $1.999999960e-02, v22;
	[tilespmem:s13+$0xE170] =	vst v24  }
0x195: {  	v19 =	vadd.f32 v50, v19;
	v21 =	vmul.f32 $1.999999960e-02, v21;
	[tilespmem:s13+$0xE180] =	vst v23  }
0x196: {  	v18 =	vadd.f32 v51, v18;
	v20 =	vmul.f32 $1.999999960e-02, v20;
	[tilespmem:s13+$0xE190] =	vst v22  }
0x197: {  	v17 =	vadd.f32 v52, v17;
	v19 =	vmul.f32 $1.999999960e-02, v19;
	[tilespmem:s13+$0xE1A0] =	vst v21  }
0x198: {  	v16 =	vadd.f32 v53, v16;
	v18 =	vmul.f32 $1.999999960e-02, v18;
	[tilespmem:s13+$0xE1B0] =	vst v20  }
0x199: {  	v15 =	vadd.f32 v54, v15;
	v17 =	vmul.f32 $1.999999960e-02, v17;
	[tilespmem:s13+$0xE1C0] =	vst v19  }
0x19a: {  	v14 =	vadd.f32 v55, v14;
	v16 =	vmul.f32 $1.999999960e-02, v16;
	[tilespmem:s13+$0xE1D0] =	vst v18  }
0x19b: {  	v13 =	vadd.f32 v56, v13;
	v15 =	vmul.f32 $1.999999960e-02, v15;
	[tilespmem:s13+$0xE1E0] =	vst v17  }
0x19c: {  	v12 =	vadd.f32 v57, v12;
	v14 =	vmul.f32 $1.999999960e-02, v14;
	[tilespmem:s13+$0xE1F0] =	vst v16  }
0x19d: {  	v11 =	vadd.f32 v58, v11;
	v13 =	vmul.f32 $1.999999960e-02, v13;
	[tilespmem:s13+$0xE200] =	vst v15  }
0x19e: {  	v10 =	vadd.f32 v59, v10;
	v12 =	vmul.f32 $1.999999960e-02, v12;
	[tilespmem:s13+$0xE210] =	vst v14  }
0x19f: {  	v9 =	vadd.f32 v60, v9;
	v11 =	vmul.f32 $1.999999960e-02, v11;
	[tilespmem:s13+$0xE220] =	vst v13  }
0x1a0: {  	v8 =	vadd.f32 v61, v8;
	v10 =	vmul.f32 $1.999999960e-02, v10;
	[tilespmem:s13+$0xE230] =	vst v12  }
0x1a1: {  	v1 =	vadd.f32 v36, v1;
	v7 =	vadd.f32 v62, v7;
	v9 =	vmul.f32 $1.999999960e-02, v9;
	[tilespmem:s13+$0xE240] =	vst v11  }
0x1a2: {  	v5 =	vadd.f32 v35, v5;
	v4 =	vadd.f32 v63, v4;
	v8 =	vmul.f32 $1.999999960e-02, v8;
	[tilespmem:s13+$0xE250] =	vst v10  }
0x1a3: {  	v6 =	vadd.f32 v34, v6;
	v62 =	vld [tilespmem:$0x1FFE0];
	v7 =	vmul.f32 $1.999999960e-02, v7;
	[tilespmem:s13+$0xE260] =	vst v9;
	v1 =	vadd.f32 v37, v1  }
0x1a4: {  	v3 =	vadd.f32 v32, v3;
	v4 =	vmul.f32 $1.999999960e-02, v4;
	[tilespmem:s13+$0xE270] =	vst v8;
	v5 =	vadd.f32 v38, v5  }
0x1a5: {  	v2 =	vadd.f32 v33, v2;
	[tilespmem:s13+$0xE280] =	vst v7;
	v6 =	vadd.f32 v39, v6;
	v1 =	vmul.f32 $1.999999960e-02, v1  }
0x1a6: {  	[tilespmem:s13+$0xE290] =	vst v4;
	v3 =	vadd.f32 v40, v3;
	v60 =	vmul.f32 $1.999999960e-02, v5  }
0x1a7: {  	v2 =	vadd.f32 v41, v2;
	v61 =	vmul.f32 $1.999999960e-02, v6;
	[tilespmem:s13+$0xE2A0] =	vst v1  }
.Ltmp23:
0x1a8: {  	v0 =	vadd.f32 v62, v0;
	v3 =	vmul.f32 $1.999999960e-02, v3;
	[tilespmem:s13+$0xE2B0] =	vst v60;
	(pc) =	sbr.rel @!p3 .LBB2_25-.Ltmp23, $4  }
0x1a9: {  	v63 =	vmul.f32 $1.999999960e-02, v2;
	[tilespmem:s13+$0xE2C0] =	vst v61  }
0x1aa: {  	v0 =	vmul.f32 $1.999999960e-02, v0;
	[tilespmem:s13+$0xE2D0] =	vst v3  }
0x1ab: {  	[tilespmem:s13+$0xE2E0] =	vst v63  }
0x1ac: {  	[tilespmem:s13+$0xE2F0] =	vst v0  }
.Ltmp24:
0x1ad: {  	(pc) =	sbr.rel @!p0 .LBB2_24-.Ltmp24, $1  }
0x1ae: {  	_ =	sdelay $0x3  }
.Ltmp25:
0x1af: {  	(pc) =	sbr.rel @!p2 .LBB2_30-.Ltmp25, $4  }
.Ltmp26:
0x1b0: {  	_ =	swait.ge [sflag:s21], $0x200;
	(pc) =	sbr.rel @p2 .LBB2_29-.Ltmp26, $4  }
0x1b1: {  	s4 =	sadd.s32 s11, s10;
	[sflag:s21] =	ssyncset.done $0x0  }
0x1b2: {  	s6 =	sor.u32 $0x1C05, s26;
	s15 =	sshrl.u32 s5, $0x3;
	[sflag:s21] =	ssyncadd.s32 $0xFFFFFE00  }
0x1b3: {  	[hbm:s4], [sflag:s6] =	dma.local [spmem:s15], $0x200  }
0x1b4: {  	_ = 	snop  }
.LBB2_25:
.Ltmp27:
0x1b5: {  	(pc) =	sbr.rel @!p2 .LBB2_30-.Ltmp27, $1  }
0x1b6: {  	_ =	sdelay $0x3  }
.Ltmp28:
0x1b7: {  	(pc) =	sbr.rel @p0 .LBB2_29-.Ltmp28, $4  }
.Ltmp29:
0x1b8: {  	(pc) =	sbr.rel @!p0 .LBB2_27-.Ltmp29, $4  }
0x1b9: {  	_ = 	snop  }
0x1ba: {  	_ = 	snop  }
0x1bb: {  	_ = 	snop  }
0x1bc: {  	_ = 	snop  }
.LBB2_24:
.Ltmp30:
0x1bd: {  	s4 =	sshll.u32 s0, $0xF;
	(pc) =	sbr.rel @!p2 .LBB2_30-.Ltmp30, $4  }
0x1be: {  	_ =	swait.ge [sflag:s21], $0x800;
	s4 =	sadd.s32 s7, s4  }
0x1bf: {  	s11 =	sor.u32 $0x1C05, s26;
	[sflag:s21] =	ssyncset.done $0x0;
	s4 =	sshrl.u32 s4, $0x3  }
0x1c0: {  	s12 =	sshrl.u32 s5, $0x3;
	[sflag:s21] =	ssyncadd.s32 $0xFFFFF800;
	s4 =	sadd.s32 s3, s4  }
0x1c1: {  	[hbm:s4], [sflag:s11] =	dma.local [spmem:s12], $0x800  }
.LBB2_27:
.Ltmp31:
0x1c2: {  	s4 =	sshll.u32 s6, $0xE;
	(pc) =	sbr.rel .LBB2_30-.Ltmp31, $4  }
0x1c3: {  	_ =	swait.ge [sflag:s23], $0x800;
	s4 =	sadd.s32 s7, s4  }
0x1c4: {  	s15 =	sor.u32 $0x1C06, s26;
	[sflag:s23] =	ssyncset.done $0x0;
	s4 =	sshrl.u32 s4, $0x3  }
0x1c5: {  	s11 =	sshrl.u32 s8, $0x3;
	[sflag:s23] =	ssyncadd.s32 $0xFFFFF800;
	s4 =	sadd.s32 s3, s4  }
0x1c6: {  	[hbm:s4], [sflag:s15] =	dma.local [spmem:s11], $0x800  }
.LBB2_32:
0x1c7: {  	_ =	sfence.sel $0x180000  }
0x1c8: {  	[bflag:$0x0] =	sbarrier.arrive $0xFFFF  }
0x1c9: {  	_ =	strace $0x90000047  }
0x1ca: {  	s0 =	stileid.u32;
	[bflag:$0x2] =	sbarrier.arrive $0xFFFF  }
0x1cb: {  	p0 =	sne.s32 s0, $0x0;
	s0 =	rddreg [dreg:$0x5]  }
0x1cc: {  	s0 =	sadd.s32 @!p0 $0x100000, s0  }
0x1cd: {  	[sflag:s0] =	ssyncadd.tile.s32 @!p0 $0x1;
	_ =	shalt  }
.Lfunc_end2:
_tile_overlayer_lowered:
.L_overlay_start_2:
0x1ce: {  	(tag) =	ssettag $0x2  }
0x1cf: {  	s0 =	rddreg [dreg:$0x0];
	s2 =	stileid.u32  }
0x1d0: {  	s1 =	rddreg [dreg:$0x1];
	p0 =	sne.s32 s2, $0x0  }
0x1d1: {  	s3 =	rddreg [dreg:$0x2];
	[bflag:$0x3] =	sbarrier.arrive $0xFFFF;
	s2 =	simm.s32 @!p0 $0x1C07  }
0x1d2: {  	[timem:s3], [sflag:s2] =	dma.local @!p0 [hbm:s0], s1  }
0x1d3: {  	s0 =	simm.s32 @!p0 $0x7  }
0x1d4: {  	_ =	swait.ge @!p0 [sflag:s0], s1  }
0x1d5: {  	s1 =	ssub.s32 @!p0 $0x0, s1;
	[sflag:s0] =	ssyncset.done @!p0 $0x0  }
0x1d6: {  	[sflag:s0] =	ssyncadd.s32 @!p0 s1  }
0x1d7: {  	[bflag:$0x3] =	sbarrier.arrive $0xFFFF  }
0x1d8: {  	_ =	shalt  }

</sc_bundles>
